<compile_context>
chip_gen: v7x
topology: tpu7x:2x2x1
jax: 0.10.2.dev20260603
libtpu: 0.0.44.dev20260713+nightly
codegen_flags: <defaults>
</compile_context>

<pallas_src>
import functools

import jax
import jax.numpy as jnp
import numpy as np
from jax import lax
from jax.experimental import pallas as pl
from jax.experimental.pallas import tpu as pltpu
from jax.experimental.pallas import tpu_sc as plsc

Q = 1024
D = 16
N = 1000000
NPAD = 1 << 20
BLK = 256
NBLK = NPAD // BLK
CH = 4096
CB = CH // BLK
GRID = NPAD // CH
FULL_CHUNKS = N // CH
KTOP = 100
QH = Q // 2

NEG = float(np.finfo(np.float32).min)

NC = 2
NS = 16
NW = NC * NS
QPW = Q // NW
WAVE = 128
BCAP = 512
SCAP = 4080


def _p1_kernel(q_ref, e_ref, sa_ref, sb_ref, m_ref):
    i = pl.program_id(0)
    qm = q_ref[...]
    em = e_ref[...]
    s = lax.dot_general(qm, em, (((1,), (1,)), ((), ())),
                        preferred_element_type=jnp.float32)

    def _write(sv):
        s4 = sv.reshape(Q, CB, BLK)
        sa_ref[...] = s4[:QH]
        sb_ref[...] = s4[QH:]
        m_ref[...] = jnp.max(s4, axis=2)[None]

    @pl.when(i < FULL_CHUNKS)
    def _():
        _write(s)

    @pl.when(i >= FULL_CHUNKS)
    def _():
        gi = i * CH + lax.broadcasted_iota(jnp.int32, (Q, CH), 1)
        _write(jnp.where(gi < N, s, jnp.float32(NEG)))


def _phase1(query_embeddings, e_pad):
    return pl.pallas_call(
        _p1_kernel,
        grid=(GRID,),
        in_specs=[
            pl.BlockSpec((Q, D), lambda i: (0, 0)),
            pl.BlockSpec((CH, D), lambda i: (i, 0)),
        ],
        out_specs=[
            pl.BlockSpec((QH, CB, BLK), lambda i: (0, i, 0)),
            pl.BlockSpec((QH, CB, BLK), lambda i: (0, i, 0)),
            pl.BlockSpec((1, Q, CB), lambda i: (i, 0, 0)),
        ],
        out_shape=[
            jax.ShapeDtypeStruct((QH, NBLK, BLK), jnp.float32),
            jax.ShapeDtypeStruct((QH, NBLK, BLK), jnp.float32),
            jax.ShapeDtypeStruct((GRID, Q, CB), jnp.float32),
        ],
        compiler_params=pltpu.CompilerParams(
            vmem_limit_bytes=100 * 1024 * 1024),
    )(query_embeddings, e_pad)


def _p2_kernel(m_ref, t_ref):
    m = m_ref[...]
    real = m > jnp.float32(-1e37)
    lo = jnp.min(jnp.where(real, m, jnp.float32(3.4e38)), axis=1, keepdims=True)
    hi = jnp.max(m, axis=1, keepdims=True)

    def body(_, lohi):
        lo_, hi_ = lohi
        mid = (lo_ + hi_) * jnp.float32(0.5)
        cnt = jnp.sum((m >= mid).astype(jnp.int32), axis=1, keepdims=True)
        ge = cnt >= KTOP
        return jnp.where(ge, mid, lo_), jnp.where(ge, hi_, mid)

    lo, hi = lax.fori_loop(0, 48, body, (lo, hi))
    t_ref[...] = jnp.broadcast_to(lo, (Q, 128))


def _phase2(m2):
    return pl.pallas_call(
        _p2_kernel,
        out_shape=jax.ShapeDtypeStruct((Q, 128), jnp.float32),
    )(m2)


@functools.cache
def _build_sc_select():
    mesh = plsc.VectorSubcoreMesh(core_axis_name="c", subcore_axis_name="s")
    return pl.kernel(
        _sc_body,
        mesh=mesh,
        out_type=[
            jax.ShapeDtypeStruct((Q, 128), jnp.float32),
            jax.ShapeDtypeStruct((Q, 128), jnp.int32),
        ],
        scratch_types=[
            pltpu.VMEM((NBLK,), jnp.float32),
            pltpu.VMEM((Q,), jnp.float32),
            pltpu.VMEM((BCAP,), jnp.int32),
            pltpu.VMEM((WAVE, BLK), jnp.float32),
            pltpu.VMEM((SCAP + 16,), jnp.float32),
            pltpu.VMEM((SCAP + 16,), jnp.int32),
            pltpu.VMEM((128,), jnp.float32),
            pltpu.VMEM((128,), jnp.int32),
            pltpu.SemaphoreType.DMA,
        ],
        compiler_params=pltpu.CompilerParams(needs_layout_passes=False),
    )


def _sc_body(sa_hbm, sb_hbm, m_hbm, t_hbm, outs_hbm, outi_hbm,
             m_v, t_v, blk_v, g_v, ss_v, si_v, os_v, oi_v, sem):
    cid = lax.axis_index("c")
    sid = lax.axis_index("s")
    wid = sid * NC + cid
    pltpu.sync_copy(t_hbm, t_v)
    iot = lax.iota(jnp.int32, 16)
    z16i = jnp.zeros((16,), jnp.int32)

    def lane_pick_f32(buf, pos):
        vec = buf[pl.ds((pos // 16) * 16, 16)]
        return jnp.sum(jnp.where(iot == (pos % 16), vec, jnp.float32(0.0)))

    def lane_pick_i32(buf, pos):
        vec = buf[pl.ds((pos // 16) * 16, 16)]
        return jnp.sum(jnp.where(iot == (pos % 16), vec, jnp.int32(0)))

    def zb(i, c):
        blk_v[pl.ds(i * 16, 16)] = z16i
        return c

    lax.fori_loop(0, BCAP // 16, zb, 0)

    def process_half(scores_ref, qbase, wsub):
        def per_query(j, _carry):
            q = qbase + wsub * QPW + j
            qloc = q - qbase
            pltpu.sync_copy(m_hbm.at[q], m_v)
            tq = lane_pick_f32(t_v, q)

            for u in range(16):
                ss_v[pl.ds(u * 16, 16)] = jnp.full((16,), jnp.float32(NEG))

            def scan_m(i, nbs):
                v = m_v[pl.ds(i * 16, 16)]
                msk = v >= tq
                pc = plsc.cumsum(msk.astype(jnp.int32))
                pos = jnp.minimum(nbs + pc - 1, BCAP - 1)
                plsc.store_scatter(blk_v, [pos], qloc * NBLK + i * 16 + iot,
                                   mask=msk)
                return nbs + plsc.all_reduce_population_count(msk)

            nbs = lax.fori_loop(0, NBLK // 16, scan_m, z16i)
            nb = jnp.minimum(jnp.max(nbs), BCAP)

            def wave_cond(carry):
                w, _ns = carry
                return w * WAVE < nb

            def wave_body(carry):
                w, nss = carry
                idx_ref = blk_v.at[pl.ds(w * WAVE, WAVE)]
                pltpu.async_copy(scores_ref.at[idx_ref], g_v, sem).wait()
                lim = jnp.minimum(nb - w * WAVE, WAVE)

                def per_block(bj, nss_):
                    bid = lane_pick_i32(blk_v, w * WAVE + bj)
                    cand0 = (bid - qloc * NBLK) * BLK

                    def per_vreg(mm, nss__):
                        v = g_v[bj, pl.ds(mm * 16, 16)]
                        msk = v >= tq
                        pc = plsc.cumsum(msk.astype(jnp.int32))
                        pos = jnp.minimum(nss__ + pc - 1, SCAP - 1)
                        plsc.store_scatter(ss_v, [pos], v, mask=msk)
                        plsc.store_scatter(si_v, [pos],
                                           cand0 + mm * 16 + iot, mask=msk)
                        return nss__ + plsc.all_reduce_population_count(msk)

                    return lax.fori_loop(0, BLK // 16, per_vreg, nss_)

                nss = lax.fori_loop(0, lim, per_block, nss)
                return w + 1, nss

            _, nss = lax.while_loop(wave_cond, wave_body,
                                    (jnp.int32(0), z16i))

            cache = jnp.full((16,), jnp.float32(NEG))
            for u in range(16):
                cache = jnp.where(iot == u, jnp.max(ss_v[pl.ds(u * 16, 16)]),
                                  cache)

            def per_rank(r, cache_):
                mx = jnp.max(cache_)
                u_spl = plsc.all_reduce_ffs(cache_ == mx)
                u = jnp.max(u_spl) * 16
                v = ss_v[pl.ds(u, 16)]
                lane_spl = plsc.all_reduce_ffs(v == mx)
                sivec = si_v[pl.ds(u, 16)]
                idx = jnp.sum(jnp.where(iot == lane_spl, sivec, jnp.int32(0)))
                v2 = jnp.where(iot == lane_spl, jnp.float32(NEG), v)
                ss_v[pl.ds(u, 16)] = v2
                cache_ = jnp.where(iot == u_spl, jnp.max(v2), cache_)
                ob = (r // 16) * 16
                osv = os_v[pl.ds(ob, 16)]
                os_v[pl.ds(ob, 16)] = jnp.where(iot == (r % 16), mx, osv)
                oiv = oi_v[pl.ds(ob, 16)]
                oi_v[pl.ds(ob, 16)] = jnp.where(iot == (r % 16), idx, oiv)
                return cache_

            lax.fori_loop(0, KTOP, per_rank, cache)
            pltpu.sync_copy(os_v, outs_hbm.at[q])
            pltpu.sync_copy(oi_v, outi_hbm.at[q])
            return _carry

        lax.fori_loop(0, QPW, per_query, 0)

    @pl.when(wid < NW // 2)
    def _():
        process_half(sa_hbm, 0, wid)

    @pl.when(wid >= NW // 2)
    def _():
        process_half(sb_hbm, QH, wid - NW // 2)


def kernel(query_embeddings, candidate_embeddings, candidate_ids, k):
    e_pad = jnp.pad(candidate_embeddings, ((0, NPAD - N), (0, 0)))
    sa, sb, m3 = _phase1(query_embeddings, e_pad)
    m2 = jnp.transpose(m3, (1, 0, 2)).reshape(Q, NBLK)
    t = _phase2(m2)[:, 0]
    sa2 = sa.reshape(QH * NBLK, BLK)
    sb2 = sb.reshape(QH * NBLK, BLK)
    out_s, out_i = _build_sc_select()(sa2, sb2, m2, t)
    pos = out_i[:, :KTOP]
    scores = out_s[:, :KTOP]
    k_resid = (jnp.asarray(k) - KTOP).astype(candidate_ids.dtype)
    indices = candidate_ids[pos] + k_resid
    return scores, indices

# --- scband reference (transcript-rebuilt; emitter-appended) ---
"""Pipeline reference for scband-dataset-indexed-top-k-24429773980154 (READ-ONLY COPY).

The authoritative reference and input builder live on the scoring server;
editing this copy changes nothing except your own understanding.
"""

import jax, jax.numpy as jnp
import numpy as np

_FLOAT_MIN = float(np.finfo(np.float32).min)


def setup_inputs(seed: int = 0) -> dict:
    key = jax.random.key(seed)
    k1, k2 = jax.random.split(key)
    query_embeddings = jax.random.normal(k1, (1024, 16), dtype=jnp.float32)
    candidate_embeddings = jax.random.normal(k2, (1000000, 16), dtype=jnp.float32)
    candidate_ids = jnp.arange(1000000, dtype=jnp.int32)
    return {
        "query_embeddings": query_embeddings,
        "candidate_embeddings": candidate_embeddings,
        "candidate_ids": candidate_ids,
        "k": 100,
    }


def reference(query_embeddings, candidate_embeddings, candidate_ids, k):
    """Faithful translation of DatasetIndexedTopK.call.

    The tf.data.Dataset of (index, embedding) batches is modeled as the
    candidate_ids / candidate_embeddings tensors, iterated over in fixed-size
    batches (candidate_batch_size=20000) via lax.scan, exactly mirroring the
    dataset.map(top_scores).reduce(initial_state, top_k) streaming reduction.
    Since every candidate batch (20000) >= k (100) and the total number of
    candidates >= k, no _FLOAT_MIN sentinel columns survive, so the
    remove_sentinel_values step is the identity.
    """
    Q, d = query_embeddings.shape
    N = candidate_embeddings.shape[0]
    bs = 20000
    nb = N // bs
    k_static = 100
    cand_batches = candidate_embeddings.reshape(nb, bs, d)
    id_batches = candidate_ids.reshape(nb, bs)

    # initial_state: zero-column tensors in TF. Equivalent here: k columns of
    # _FLOAT_MIN sentinel scores (they are immediately displaced by the first
    # batch, since bs > k).
    init_scores = jnp.full((Q, k_static), _FLOAT_MIN, dtype=jnp.float32)
    init_indices = jnp.zeros((Q, k_static), dtype=candidate_ids.dtype)

    def step(state, xb):
        cb, ib = xb
        state_scores, state_indices = state
        # top_scores: scores for this candidate batch
        scores = jnp.matmul(query_embeddings, cb.T)  # [Q, bs]
        batch_indices = jnp.broadcast_to(ib[None, :], (Q, bs))
        # top_k reduction: join with running state, keep best k
        joined_scores = jnp.concatenate([state_scores, scores], axis=1)
        joined_indices = jnp.concatenate([state_indices, batch_indices], axis=1)
        top_scores_, pos = jax.lax.top_k(joined_scores, k_static)
        top_indices = jnp.take_along_axis(joined_indices, pos, axis=1)
        return (top_scores_, top_indices), None

    (final_scores, final_indices), _ = jax.lax.scan(step, (init_scores, init_indices), (cand_batches, id_batches))
    # remove_sentinel_values: with N >= k no sentinel columns remain; identity.
    k_resid = (jnp.asarray(k) - k_static).astype(final_indices.dtype)
    final_indices = final_indices + k_resid
    return final_scores, final_indices

if __name__ == "__main__":
    import jax
    _d = setup_inputs()
    print(jax.jit(kernel)(*tuple(_d.values())))

</pallas_src>

<mosaic_0001>
#map = affine_map<(d0, d1) -> (0, 0)>
#map1 = affine_map<(d0, d1) -> (0)>
module attributes {stable_mosaic.version = 14 : i64} {
  func.func @_sc_body(%arg0: i32, %arg1: i32, %arg2: memref<2097152x256xf32, #tpu.memory_space<hbm>>, %arg3: memref<2097152x256xf32, #tpu.memory_space<hbm>>, %arg4: memref<1024x4096xf32, #tpu.memory_space<hbm>>, %arg5: memref<1024xf32, #tpu.memory_space<hbm>>, %arg6: memref<1024x128xf32, #tpu.memory_space<hbm>>, %arg7: memref<1024x128xi32, #tpu.memory_space<hbm>>, %arg8: memref<4096xf32, #tpu.memory_space<vmem>>, %arg9: memref<1024xf32, #tpu.memory_space<vmem>>, %arg10: memref<512xi32, #tpu.memory_space<vmem>>, %arg11: memref<128x256xf32, #tpu.memory_space<vmem>>, %arg12: memref<4096xf32, #tpu.memory_space<vmem>>, %arg13: memref<4096xi32, #tpu.memory_space<vmem>>, %arg14: memref<128xf32, #tpu.memory_space<vmem>>, %arg15: memref<128xi32, #tpu.memory_space<vmem>>, %arg16: memref<!tpu.dma_semaphore, #tpu.memory_space<semaphore_mem>>) attributes {dimension_semantics = [#tpu.dimension_semantics<core_parallel>, #tpu.dimension_semantics<subcore_parallel>], iteration_bounds = array<i64: 2, 16>, scalar_prefetch = 0 : i64, scratch_operands = 9 : i64, tpu.core_type = #tpu.core_type<sc_vector_subcore>, window_params = [{transform_indices = #map}, {transform_indices = #map}, {transform_indices = #map}, {transform_indices = #map1}, {transform_indices = #map}, {transform_indices = #map}]} {
    %mul3A = arith.constant 2 : i32
    %mul3A_0 = arith.muli %arg1, %mul3A : i32
    %add3A = arith.addi %mul3A_0, %arg0 : i32
    "tpu.region"() ({
      %run_scoped3A = tpu.sem_alloc : memref<!tpu.dma_semaphore, #tpu.memory_space<semaphore_mem>>
      tpu.enqueue_dma source(%arg5 : memref<1024xf32, #tpu.memory_space<hbm>>) target(%arg9 : memref<1024xf32, #tpu.memory_space<vmem>>) target_semaphore(%run_scoped3A : memref<!tpu.dma_semaphore, #tpu.memory_space<semaphore_mem>>)
      tpu.wait_dma2 semaphore(%run_scoped3A : memref<!tpu.dma_semaphore, #tpu.memory_space<semaphore_mem>>) src(%arg5 : memref<1024xf32, #tpu.memory_space<hbm>>) dst(%arg9 : memref<1024xf32, #tpu.memory_space<vmem>>)
      tpu.yield
    }) : () -> ()
    %iota3A = tpu.iota {dimensions = array<i32: 0>} : vector<16xi32>
    %broadcast_in_dim3A = arith.constant 0 : i32
    %broadcast_in_dim3A_1 = vector.broadcast %broadcast_in_dim3A : i32 to vector<16xi32>
    %scan3A = arith.constant 0 : i32
    %scan3A_2 = arith.constant 0 : i32
    %scan3A_3 = arith.constant 32 : i32
    %scan3A_4 = arith.addi %scan3A_2, %scan3A_3 : i32
    %scan3A_5 = arith.constant 1 : i32
    scf.for %scan3A_13 = %scan3A_2 to %scan3A_4 step %scan3A_5  : i32 {
      %mul3A_14 = arith.constant 16 : i32
      %mul3A_15 = arith.muli %scan3A_13, %mul3A_14 : i32
      %swap3A = arith.index_cast %mul3A_15 : i32 to index
      %swap3A_16 = tpu.vector_load %arg10[%swap3A] {strides = array<i32>} : memref<512xi32, #tpu.memory_space<vmem>>, vector<16xi32>,
      tpu.vector_store %arg10[%swap3A], %broadcast_in_dim3A_1 {strides = array<i32>} : memref<512xi32, #tpu.memory_space<vmem>>, vector<16xi32>,
    }
    %scan3A_6 = arith.constant 32 : i32
    %lt3A = arith.constant 16 : i32
    %lt3A_7 = arith.cmpi slt, %add3A, %lt3A : i32
    %convert_element_type3A = arith.extui %lt3A_7 : i1 to i32
    %cond3A = arith.constant 0 : i32
    %cond3A_8 = arith.cmpi ne, %convert_element_type3A, %cond3A : i32
    scf.if %cond3A_8 {
      %scan3A_13 = arith.constant 0 : i32
      %scan3A_14 = arith.constant 0 : i32
      %scan3A_15 = arith.constant 32 : i32
      %scan3A_16 = arith.addi %scan3A_14, %scan3A_15 : i32
      %scan3A_17 = arith.constant 1 : i32
      scf.for %scan3A_19 = %scan3A_14 to %scan3A_16 step %scan3A_17  : i32 {
        %mul3A_20 = arith.constant 32 : i32
        %mul3A_21 = arith.muli %add3A, %mul3A_20 : i32
        %add3A_22 = arith.constant 0 : i32
        %add3A_23 = arith.addi %add3A_22, %mul3A_21 : i32
        %add3A_24 = arith.addi %add3A_23, %scan3A_19 : i32
        %sub3A = arith.constant 0 : i32
        %sub3A_25 = arith.subi %add3A_24, %sub3A : i32
        "tpu.region"() ({
          %run_scoped3A = tpu.sem_alloc : memref<!tpu.dma_semaphore, #tpu.memory_space<semaphore_mem>>
          %dma_start3A = arith.constant 0 : i32
          %dma_start3A_331 = tpu.memref_slice %arg4[%add3A_24, %dma_start3A] : memref<1024x4096xf32, #tpu.memory_space<hbm>> -> memref<1x4096xf32, #tpu.memory_space<hbm>>
          %dma_start3A_332 = tpu.memref_squeeze %dma_start3A_331 : memref<1x4096xf32, #tpu.memory_space<hbm>> -> memref<4096xf32, #tpu.memory_space<hbm>>
          %dma_start3A_333 = arith.constant 0 : i32
          %dma_start3A_334 = tpu.memref_slice %arg4[%add3A_24, %dma_start3A_333] : memref<1024x4096xf32, #tpu.memory_space<hbm>> -> memref<1x4096xf32, #tpu.memory_space<hbm>>
          %dma_start3A_335 = tpu.memref_squeeze %dma_start3A_334 : memref<1x4096xf32, #tpu.memory_space<hbm>> -> memref<4096xf32, #tpu.memory_space<hbm>>
          tpu.enqueue_dma source(%dma_start3A_335 : memref<4096xf32, #tpu.memory_space<hbm>>) target(%arg8 : memref<4096xf32, #tpu.memory_space<vmem>>) target_semaphore(%run_scoped3A : memref<!tpu.dma_semaphore, #tpu.memory_space<semaphore_mem>>)
          %dma_wait3A = arith.constant 0 : i32
          %dma_wait3A_336 = tpu.memref_slice %arg4[%add3A_24, %dma_wait3A] : memref<1024x4096xf32, #tpu.memory_space<hbm>> -> memref<1x4096xf32, #tpu.memory_space<hbm>>
          %dma_wait3A_337 = tpu.memref_squeeze %dma_wait3A_336 : memref<1x4096xf32, #tpu.memory_space<hbm>> -> memref<4096xf32, #tpu.memory_space<hbm>>
          %dma_wait3A_338 = arith.constant 0 : i32
          %dma_wait3A_339 = tpu.memref_slice %arg4[%add3A_24, %dma_wait3A_338] : memref<1024x4096xf32, #tpu.memory_space<hbm>> -> memref<1x4096xf32, #tpu.memory_space<hbm>>
          %dma_wait3A_340 = tpu.memref_squeeze %dma_wait3A_339 : memref<1x4096xf32, #tpu.memory_space<hbm>> -> memref<4096xf32, #tpu.memory_space<hbm>>
          tpu.wait_dma2 semaphore(%run_scoped3A : memref<!tpu.dma_semaphore, #tpu.memory_space<semaphore_mem>>) src(%dma_wait3A_340 : memref<4096xf32, #tpu.memory_space<hbm>>) dst(%arg8 : memref<4096xf32, #tpu.memory_space<vmem>>)
          tpu.yield
        }) : () -> ()
        %jit3A = arith.constant 16 : i32
        %div3A = arith.divsi %add3A_24, %jit3A : i32
        %sign3A = arith.constant 0 : i32
        %sign3A_26 = arith.cmpi sgt, %add3A_24, %sign3A : i32
        %sign3A_27 = arith.extui %sign3A_26 : i1 to i32
        %sign3A_28 = arith.constant 0 : i32
        %sign3A_29 = arith.cmpi slt, %add3A_24, %sign3A_28 : i32
        %sign3A_30 = arith.extui %sign3A_29 : i1 to i32
        %sign3A_31 = arith.subi %sign3A_27, %sign3A_30 : i32
        %sign3A_32 = arith.constant 0 : i32
        %sign3A_33 = arith.cmpi sgt, %jit3A, %sign3A_32 : i32
        %sign3A_34 = arith.extui %sign3A_33 : i1 to i32
        %sign3A_35 = arith.constant 0 : i32
        %sign3A_36 = arith.cmpi slt, %jit3A, %sign3A_35 : i32
        %sign3A_37 = arith.extui %sign3A_36 : i1 to i32
        %sign3A_38 = arith.subi %sign3A_34, %sign3A_37 : i32
        %ne3A = arith.cmpi ne, %sign3A_31, %sign3A_38 : i32
        %rem3A = arith.remsi %add3A_24, %jit3A : i32
        %ne3A_39 = arith.constant 0 : i32
        %ne3A_40 = arith.cmpi ne, %rem3A, %ne3A_39 : i32
        %and3A = arith.andi %ne3A, %ne3A_40 : i1
        %sub3A_41 = arith.constant 1 : i32
        %sub3A_42 = arith.subi %div3A, %sub3A_41 : i32
        %select_n3A = arith.select %and3A, %sub3A_42, %div3A : i32
        %mul3A_43 = arith.constant 16 : i32
        %mul3A_44 = arith.muli %select_n3A, %mul3A_43 : i32
        %get3A = arith.index_cast %mul3A_44 : i32 to index
        %get3A_45 = tpu.vector_load %arg9[%get3A] {strides = array<i32>} : memref<1024xf32, #tpu.memory_space<vmem>>, vector<16xf32>,
        %jit3A_46 = arith.constant 16 : i32
        %eq3A = arith.constant 0 : i32
        %eq3A_47 = arith.cmpi eq, %jit3A_46, %eq3A : i32
        %jit3A_48 = arith.constant 1 : i32
        %select_n3A_49 = arith.select %eq3A_47, %jit3A_48, %jit3A_46 : i32
        %rem3A_50 = arith.remsi %add3A_24, %select_n3A_49 : i32
        %ne3A_51 = arith.constant 0 : i32
        %ne3A_52 = arith.cmpi ne, %rem3A_50, %ne3A_51 : i32
        %lt3A_53 = arith.constant 0 : i32
        %lt3A_54 = arith.cmpi slt, %rem3A_50, %lt3A_53 : i32
        %lt3A_55 = arith.constant 0 : i32
        %lt3A_56 = arith.cmpi slt, %select_n3A_49, %lt3A_55 : i32
        %ne3A_57 = arith.xori %lt3A_54, %lt3A_56 : i1
        %and3A_58 = arith.andi %ne3A_57, %ne3A_52 : i1
        %add3A_59 = arith.addi %rem3A_50, %select_n3A_49 : i32
        %select_n3A_60 = arith.select %and3A_58, %add3A_59, %rem3A_50 : i32
        %eq3A_61 = vector.broadcast %select_n3A_60 : i32 to vector<16xi32>
        %eq3A_62 = arith.cmpi eq, %iota3A, %eq3A_61 : vector<16xi32>
        %jit3A_63 = arith.constant 0.000000e+00 : f32
        %broadcast_in_dim3A_64 = vector.broadcast %jit3A_63 : f32 to vector<16xf32>
        %select_n3A_65 = arith.select %eq3A_62, %get3A_45, %broadcast_in_dim3A_64 : vector<16xi1>, vector<16xf32>
        %reduce_sum3A = arith.constant true
        %reduce_sum3A_66 = vector.broadcast %reduce_sum3A : i1 to vector<16xi1>
        %reduce_sum3A_67 = tpu.scan <sum>, %select_n3A_65 masked %reduce_sum3A_66 : vector<16xf32>, vector<16xi1> -> vector<16xf32>
        %reduce_sum3A_68 = vector.extract %reduce_sum3A_67[15] : f32 from vector<16xf32>
        %broadcast_in_dim3A_69 = arith.constant -3.40282347E+38 : f32
        %broadcast_in_dim3A_70 = vector.broadcast %broadcast_in_dim3A_69 : f32 to vector<16xf32>
        %swap3A = arith.constant 0 : index
        %swap3A_71 = tpu.vector_load %arg12[%swap3A] {strides = array<i32>} : memref<4096xf32, #tpu.memory_space<vmem>>, vector<16xf32>,
        tpu.vector_store %arg12[%swap3A], %broadcast_in_dim3A_70 {strides = array<i32>} : memref<4096xf32, #tpu.memory_space<vmem>>, vector<16xf32>,
        %broadcast_in_dim3A_72 = arith.constant -3.40282347E+38 : f32
        %broadcast_in_dim3A_73 = vector.broadcast %broadcast_in_dim3A_72 : f32 to vector<16xf32>
        %swap3A_74 = arith.constant 16 : index
        %swap3A_75 = tpu.vector_load %arg12[%swap3A_74] {strides = array<i32>} : memref<4096xf32, #tpu.memory_space<vmem>>, vector<16xf32>,
        tpu.vector_store %arg12[%swap3A_74], %broadcast_in_dim3A_73 {strides = array<i32>} : memref<4096xf32, #tpu.memory_space<vmem>>, vector<16xf32>,
        %broadcast_in_dim3A_76 = arith.constant -3.40282347E+38 : f32
        %broadcast_in_dim3A_77 = vector.broadcast %broadcast_in_dim3A_76 : f32 to vector<16xf32>
        %swap3A_78 = arith.constant 32 : index
        %swap3A_79 = tpu.vector_load %arg12[%swap3A_78] {strides = array<i32>} : memref<4096xf32, #tpu.memory_space<vmem>>, vector<16xf32>,
        tpu.vector_store %arg12[%swap3A_78], %broadcast_in_dim3A_77 {strides = array<i32>} : memref<4096xf32, #tpu.memory_space<vmem>>, vector<16xf32>,
        %broadcast_in_dim3A_80 = arith.constant -3.40282347E+38 : f32
        %broadcast_in_dim3A_81 = vector.broadcast %broadcast_in_dim3A_80 : f32 to vector<16xf32>
        %swap3A_82 = arith.constant 48 : index
        %swap3A_83 = tpu.vector_load %arg12[%swap3A_82] {strides = array<i32>} : memref<4096xf32, #tpu.memory_space<vmem>>, vector<16xf32>,
        tpu.vector_store %arg12[%swap3A_82], %broadcast_in_dim3A_81 {strides = array<i32>} : memref<4096xf32, #tpu.memory_space<vmem>>, vector<16xf32>,
        %broadcast_in_dim3A_84 = arith.constant -3.40282347E+38 : f32
        %broadcast_in_dim3A_85 = vector.broadcast %broadcast_in_dim3A_84 : f32 to vector<16xf32>
        %swap3A_86 = arith.constant 64 : index
        %swap3A_87 = tpu.vector_load %arg12[%swap3A_86] {strides = array<i32>} : memref<4096xf32, #tpu.memory_space<vmem>>, vector<16xf32>,
        tpu.vector_store %arg12[%swap3A_86], %broadcast_in_dim3A_85 {strides = array<i32>} : memref<4096xf32, #tpu.memory_space<vmem>>, vector<16xf32>,
        %broadcast_in_dim3A_88 = arith.constant -3.40282347E+38 : f32
        %broadcast_in_dim3A_89 = vector.broadcast %broadcast_in_dim3A_88 : f32 to vector<16xf32>
        %swap3A_90 = arith.constant 80 : index
        %swap3A_91 = tpu.vector_load %arg12[%swap3A_90] {strides = array<i32>} : memref<4096xf32, #tpu.memory_space<vmem>>, vector<16xf32>,
        tpu.vector_store %arg12[%swap3A_90], %broadcast_in_dim3A_89 {strides = array<i32>} : memref<4096xf32, #tpu.memory_space<vmem>>, vector<16xf32>,
        %broadcast_in_dim3A_92 = arith.constant -3.40282347E+38 : f32
        %broadcast_in_dim3A_93 = vector.broadcast %broadcast_in_dim3A_92 : f32 to vector<16xf32>
        %swap3A_94 = arith.constant 96 : index
        %swap3A_95 = tpu.vector_load %arg12[%swap3A_94] {strides = array<i32>} : memref<4096xf32, #tpu.memory_space<vmem>>, vector<16xf32>,
        tpu.vector_store %arg12[%swap3A_94], %broadcast_in_dim3A_93 {strides = array<i32>} : memref<4096xf32, #tpu.memory_space<vmem>>, vector<16xf32>,
        %broadcast_in_dim3A_96 = arith.constant -3.40282347E+38 : f32
        %broadcast_in_dim3A_97 = vector.broadcast %broadcast_in_dim3A_96 : f32 to vector<16xf32>
        %swap3A_98 = arith.constant 112 : index
        %swap3A_99 = tpu.vector_load %arg12[%swap3A_98] {strides = array<i32>} : memref<4096xf32, #tpu.memory_space<vmem>>, vector<16xf32>,
        tpu.vector_store %arg12[%swap3A_98], %broadcast_in_dim3A_97 {strides = array<i32>} : memref<4096xf32, #tpu.memory_space<vmem>>, vector<16xf32>,
        %broadcast_in_dim3A_100 = arith.constant -3.40282347E+38 : f32
        %broadcast_in_dim3A_101 = vector.broadcast %broadcast_in_dim3A_100 : f32 to vector<16xf32>
        %swap3A_102 = arith.constant 128 : index
        %swap3A_103 = tpu.vector_load %arg12[%swap3A_102] {strides = array<i32>} : memref<4096xf32, #tpu.memory_space<vmem>>, vector<16xf32>,
        tpu.vector_store %arg12[%swap3A_102], %broadcast_in_dim3A_101 {strides = array<i32>} : memref<4096xf32, #tpu.memory_space<vmem>>, vector<16xf32>,
        %broadcast_in_dim3A_104 = arith.constant -3.40282347E+38 : f32
        %broadcast_in_dim3A_105 = vector.broadcast %broadcast_in_dim3A_104 : f32 to vector<16xf32>
        %swap3A_106 = arith.constant 144 : index
        %swap3A_107 = tpu.vector_load %arg12[%swap3A_106] {strides = array<i32>} : memref<4096xf32, #tpu.memory_space<vmem>>, vector<16xf32>,
        tpu.vector_store %arg12[%swap3A_106], %broadcast_in_dim3A_105 {strides = array<i32>} : memref<4096xf32, #tpu.memory_space<vmem>>, vector<16xf32>,
        %broadcast_in_dim3A_108 = arith.constant -3.40282347E+38 : f32
        %broadcast_in_dim3A_109 = vector.broadcast %broadcast_in_dim3A_108 : f32 to vector<16xf32>
        %swap3A_110 = arith.constant 160 : index
        %swap3A_111 = tpu.vector_load %arg12[%swap3A_110] {strides = array<i32>} : memref<4096xf32, #tpu.memory_space<vmem>>, vector<16xf32>,
        tpu.vector_store %arg12[%swap3A_110], %broadcast_in_dim3A_109 {strides = array<i32>} : memref<4096xf32, #tpu.memory_space<vmem>>, vector<16xf32>,
        %broadcast_in_dim3A_112 = arith.constant -3.40282347E+38 : f32
        %broadcast_in_dim3A_113 = vector.broadcast %broadcast_in_dim3A_112 : f32 to vector<16xf32>
        %swap3A_114 = arith.constant 176 : index
        %swap3A_115 = tpu.vector_load %arg12[%swap3A_114] {strides = array<i32>} : memref<4096xf32, #tpu.memory_space<vmem>>, vector<16xf32>,
        tpu.vector_store %arg12[%swap3A_114], %broadcast_in_dim3A_113 {strides = array<i32>} : memref<4096xf32, #tpu.memory_space<vmem>>, vector<16xf32>,
        %broadcast_in_dim3A_116 = arith.constant -3.40282347E+38 : f32
        %broadcast_in_dim3A_117 = vector.broadcast %broadcast_in_dim3A_116 : f32 to vector<16xf32>
        %swap3A_118 = arith.constant 192 : index
        %swap3A_119 = tpu.vector_load %arg12[%swap3A_118] {strides = array<i32>} : memref<4096xf32, #tpu.memory_space<vmem>>, vector<16xf32>,
        tpu.vector_store %arg12[%swap3A_118], %broadcast_in_dim3A_117 {strides = array<i32>} : memref<4096xf32, #tpu.memory_space<vmem>>, vector<16xf32>,
        %broadcast_in_dim3A_120 = arith.constant -3.40282347E+38 : f32
        %broadcast_in_dim3A_121 = vector.broadcast %broadcast_in_dim3A_120 : f32 to vector<16xf32>
        %swap3A_122 = arith.constant 208 : index
        %swap3A_123 = tpu.vector_load %arg12[%swap3A_122] {strides = array<i32>} : memref<4096xf32, #tpu.memory_space<vmem>>, vector<16xf32>,
        tpu.vector_store %arg12[%swap3A_122], %broadcast_in_dim3A_121 {strides = array<i32>} : memref<4096xf32, #tpu.memory_space<vmem>>, vector<16xf32>,
        %broadcast_in_dim3A_124 = arith.constant -3.40282347E+38 : f32
        %broadcast_in_dim3A_125 = vector.broadcast %broadcast_in_dim3A_124 : f32 to vector<16xf32>
        %swap3A_126 = arith.constant 224 : index
        %swap3A_127 = tpu.vector_load %arg12[%swap3A_126] {strides = array<i32>} : memref<4096xf32, #tpu.memory_space<vmem>>, vector<16xf32>,
        tpu.vector_store %arg12[%swap3A_126], %broadcast_in_dim3A_125 {strides = array<i32>} : memref<4096xf32, #tpu.memory_space<vmem>>, vector<16xf32>,
        %broadcast_in_dim3A_128 = arith.constant -3.40282347E+38 : f32
        %broadcast_in_dim3A_129 = vector.broadcast %broadcast_in_dim3A_128 : f32 to vector<16xf32>
        %swap3A_130 = arith.constant 240 : index
        %swap3A_131 = tpu.vector_load %arg12[%swap3A_130] {strides = array<i32>} : memref<4096xf32, #tpu.memory_space<vmem>>, vector<16xf32>,
        tpu.vector_store %arg12[%swap3A_130], %broadcast_in_dim3A_129 {strides = array<i32>} : memref<4096xf32, #tpu.memory_space<vmem>>, vector<16xf32>,
        %scan3A_132 = arith.constant 0 : i32
        %scan3A_133 = arith.constant 256 : i32
        %scan3A_134 = arith.addi %scan3A_132, %scan3A_133 : i32
        %scan3A_135 = arith.constant 1 : i32
        %scan3A_136 = scf.for %scan3A_331 = %scan3A_132 to %scan3A_134 step %scan3A_135 iter_args(%scan3A_332 = %broadcast_in_dim3A_1) -> (vector<16xi32>)  : i32 {
          %mul3A_333 = arith.constant 16 : i32
          %mul3A_334 = arith.muli %scan3A_331, %mul3A_333 : i32
          %get3A_335 = arith.index_cast %mul3A_334 : i32 to index
          %get3A_336 = tpu.vector_load %arg8[%get3A_335] {strides = array<i32>} : memref<4096xf32, #tpu.memory_space<vmem>>, vector<16xf32>,
          %ge3A_337 = vector.broadcast %reduce_sum3A_68 : f32 to vector<16xf32>
          %ge3A_338 = arith.cmpf oge, %get3A_336, %ge3A_337 : vector<16xf32>
          %convert_element_type3A_339 = arith.extui %ge3A_338 : vector<16xi1> to vector<16xi32>
          %broadcast_in_dim3A_340 = arith.constant true
          %broadcast_in_dim3A_341 = vector.broadcast %broadcast_in_dim3A_340 : i1 to vector<16xi1>
          %masked_cumsum3A = tpu.scan <sum>, %convert_element_type3A_339 masked %broadcast_in_dim3A_341 : vector<16xi32>, vector<16xi1> -> vector<16xi32>
          %add3A_342 = arith.addi %scan3A_332, %masked_cumsum3A : vector<16xi32>
          %sub3A_343 = arith.constant 1 : i32
          %sub3A_344 = vector.broadcast %sub3A_343 : i32 to vector<16xi32>
          %sub3A_345 = arith.subi %add3A_342, %sub3A_344 : vector<16xi32>
          %min3A_346 = arith.constant 511 : i32
          %min3A_347 = vector.broadcast %min3A_346 : i32 to vector<16xi32>
          %min3A_348 = arith.minsi %sub3A_345, %min3A_347 : vector<16xi32>
          %mul3A_349 = arith.constant 4096 : i32
          %mul3A_350 = arith.muli %sub3A_25, %mul3A_349 : i32
          %mul3A_351 = arith.constant 16 : i32
          %mul3A_352 = arith.muli %scan3A_331, %mul3A_351 : i32
          %add3A_353 = arith.addi %mul3A_350, %mul3A_352 : i32
          %add3A_354 = vector.broadcast %add3A_353 : i32 to vector<16xi32>
          %add3A_355 = arith.addi %add3A_354, %iota3A : vector<16xi32>
          tpu.vector_store_idx %arg10[%min3A_348], %add3A_355 masked %ge3A_338 : memref<512xi32, #tpu.memory_space<vmem>>[vector<16xi32>], vector<16xi32>, vector<16xi1>
          %all_reduce_population_count3A = tpu.all_reduce %ge3A_338 {dim = 0 : i64, kind = #tpu.reduction_kind<sum>} : vector<16xi1> -> vector<16xi32>
          %add3A_356 = arith.addi %scan3A_332, %all_reduce_population_count3A : vector<16xi32>
          scf.yield %add3A_356 : vector<16xi32>
        }
        %scan3A_137 = arith.constant 256 : i32
        %reduce_max3A = arith.constant true
        %reduce_max3A_138 = vector.broadcast %reduce_max3A : i1 to vector<16xi1>
        %reduce_max3A_139 = arith.constant -2147483648 : i32
        %reduce_max3A_140 = vector.broadcast %reduce_max3A_139 : i32 to vector<16xi32>
        %reduce_max3A_141 = arith.xori %scan3A_136, %reduce_max3A_140 : vector<16xi32>
        %reduce_max3A_142 = tpu.scan <max>, %reduce_max3A_141 masked %reduce_max3A_138 : vector<16xi32>, vector<16xi1> -> vector<16xi32>
        %reduce_max3A_143 = arith.xori %reduce_max3A_142, %reduce_max3A_140 : vector<16xi32>
        %reduce_max3A_144 = vector.extract %reduce_max3A_143[15] : i32 from vector<16xi32>
        %min3A = arith.constant 512 : i32
        %min3A_145 = arith.minsi %reduce_max3A_144, %min3A : i32
        %while3A = arith.constant 0 : i32
        %while3A_146:2 = scf.while (%while3A_331 = %while3A, %while3A_332 = %broadcast_in_dim3A_1) : (i32, vector<16xi32>) -> (i32, vector<16xi32>) {
          %mul3A_333 = arith.constant 128 : i32
          %mul3A_334 = arith.muli %while3A_331, %mul3A_333 : i32
          %lt3A_335 = arith.cmpi slt, %mul3A_334, %min3A_145 : i32
          scf.condition(%lt3A_335) %while3A_331, %while3A_332 : i32, vector<16xi32>
        } do {
        ^bb0(%while3A_331: i32, %while3A_332: vector<16xi32>):
          %mul3A_333 = arith.constant 128 : i32
          %mul3A_334 = arith.muli %while3A_331, %mul3A_333 : i32
          %dma_start3A = tpu.memref_slice %arg10[%mul3A_334] : memref<512xi32, #tpu.memory_space<vmem>> -> memref<128xi32, #tpu.memory_space<vmem>>
          %dma_start3A_335 = arith.constant 0 : i32
          %dma_start3A_336 = arith.constant 0 : i32
          %dma_start3A_337 = tpu.memref_slice %arg2[%dma_start3A_335, %dma_start3A_336] : memref<2097152x256xf32, #tpu.memory_space<hbm>> -> memref<2097152x256xf32, #tpu.memory_space<hbm>>
          tpu.enqueue_indirect_dma source(%dma_start3A_337 : memref<2097152x256xf32, #tpu.memory_space<hbm>>) target(%arg11 : memref<128x256xf32, #tpu.memory_space<vmem>>) offsets(%dma_start3A : memref<128xi32, #tpu.memory_space<vmem>>) semaphore(%arg16 : memref<!tpu.dma_semaphore, #tpu.memory_space<semaphore_mem>>)
          %dma_wait3A = tpu.memref_slice %arg10[%mul3A_334] : memref<512xi32, #tpu.memory_space<vmem>> -> memref<128xi32, #tpu.memory_space<vmem>>
          %dma_wait3A_338 = arith.constant 0 : i32
          %dma_wait3A_339 = arith.constant 0 : i32
          %dma_wait3A_340 = tpu.memref_slice %arg2[%dma_wait3A_338, %dma_wait3A_339] : memref<2097152x256xf32, #tpu.memory_space<hbm>> -> memref<2097152x256xf32, #tpu.memory_space<hbm>>
          tpu.wait_indirect_dma semaphore(%arg16 : memref<!tpu.dma_semaphore, #tpu.memory_space<semaphore_mem>>) src(%dma_wait3A_340 : memref<2097152x256xf32, #tpu.memory_space<hbm>>) dst(%arg11 : memref<128x256xf32, #tpu.memory_space<vmem>>)
          %mul3A_341 = arith.constant 128 : i32
          %mul3A_342 = arith.muli %while3A_331, %mul3A_341 : i32
          %sub3A_343 = arith.subi %min3A_145, %mul3A_342 : i32
          %min3A_344 = arith.constant 128 : i32
          %min3A_345 = arith.minsi %sub3A_343, %min3A_344 : i32
          %while3A_346 = arith.constant 0 : i32
          %while3A_347 = arith.subi %min3A_345, %while3A_346 : i32
          %while3A_348 = arith.addi %while3A_346, %while3A_347 : i32
          %while3A_349 = arith.constant 1 : i32
          %while3A_350 = arith.divsi %while3A_347, %while3A_349 : i32
          %while3A_351 = arith.muli %while3A_350, %while3A_349 : i32
          %while3A_352 = arith.addi %while3A_346, %while3A_351 : i32
          %while3A_353 = arith.constant 1 : i32
          %while3A_354 = scf.for %while3A_359 = %while3A_346 to %while3A_352 step %while3A_353 iter_args(%while3A_360 = %while3A_332) -> (vector<16xi32>)  : i32 {
            %mul3A_361 = arith.constant 128 : i32
            %mul3A_362 = arith.muli %while3A_331, %mul3A_361 : i32
            %add3A_363 = arith.addi %mul3A_362, %while3A_359 : i32
            %jit3A_364 = arith.constant 16 : i32
            %div3A_365 = arith.divsi %add3A_363, %jit3A_364 : i32
            %sign3A_366 = arith.constant 0 : i32
            %sign3A_367 = arith.cmpi sgt, %add3A_363, %sign3A_366 : i32
            %sign3A_368 = arith.extui %sign3A_367 : i1 to i32
            %sign3A_369 = arith.constant 0 : i32
            %sign3A_370 = arith.cmpi slt, %add3A_363, %sign3A_369 : i32
            %sign3A_371 = arith.extui %sign3A_370 : i1 to i32
            %sign3A_372 = arith.subi %sign3A_368, %sign3A_371 : i32
            %sign3A_373 = arith.constant 0 : i32
            %sign3A_374 = arith.cmpi sgt, %jit3A_364, %sign3A_373 : i32
            %sign3A_375 = arith.extui %sign3A_374 : i1 to i32
            %sign3A_376 = arith.constant 0 : i32
            %sign3A_377 = arith.cmpi slt, %jit3A_364, %sign3A_376 : i32
            %sign3A_378 = arith.extui %sign3A_377 : i1 to i32
            %sign3A_379 = arith.subi %sign3A_375, %sign3A_378 : i32
            %ne3A_380 = arith.cmpi ne, %sign3A_372, %sign3A_379 : i32
            %rem3A_381 = arith.remsi %add3A_363, %jit3A_364 : i32
            %ne3A_382 = arith.constant 0 : i32
            %ne3A_383 = arith.cmpi ne, %rem3A_381, %ne3A_382 : i32
            %and3A_384 = arith.andi %ne3A_380, %ne3A_383 : i1
            %sub3A_385 = arith.constant 1 : i32
            %sub3A_386 = arith.subi %div3A_365, %sub3A_385 : i32
            %select_n3A_387 = arith.select %and3A_384, %sub3A_386, %div3A_365 : i32
            %mul3A_388 = arith.constant 16 : i32
            %mul3A_389 = arith.muli %select_n3A_387, %mul3A_388 : i32
            %get3A_390 = arith.index_cast %mul3A_389 : i32 to index
            %get3A_391 = tpu.vector_load %arg10[%get3A_390] {strides = array<i32>} : memref<512xi32, #tpu.memory_space<vmem>>, vector<16xi32>,
            %jit3A_392 = arith.constant 16 : i32
            %eq3A_393 = arith.constant 0 : i32
            %eq3A_394 = arith.cmpi eq, %jit3A_392, %eq3A_393 : i32
            %jit3A_395 = arith.constant 1 : i32
            %select_n3A_396 = arith.select %eq3A_394, %jit3A_395, %jit3A_392 : i32
            %rem3A_397 = arith.remsi %add3A_363, %select_n3A_396 : i32
            %ne3A_398 = arith.constant 0 : i32
            %ne3A_399 = arith.cmpi ne, %rem3A_397, %ne3A_398 : i32
            %lt3A_400 = arith.constant 0 : i32
            %lt3A_401 = arith.cmpi slt, %rem3A_397, %lt3A_400 : i32
            %lt3A_402 = arith.constant 0 : i32
            %lt3A_403 = arith.cmpi slt, %select_n3A_396, %lt3A_402 : i32
            %ne3A_404 = arith.xori %lt3A_401, %lt3A_403 : i1
            %and3A_405 = arith.andi %ne3A_404, %ne3A_399 : i1
            %add3A_406 = arith.addi %rem3A_397, %select_n3A_396 : i32
            %select_n3A_407 = arith.select %and3A_405, %add3A_406, %rem3A_397 : i32
            %eq3A_408 = vector.broadcast %select_n3A_407 : i32 to vector<16xi32>
            %eq3A_409 = arith.cmpi eq, %iota3A, %eq3A_408 : vector<16xi32>
            %jit3A_410 = arith.constant 0 : i32
            %broadcast_in_dim3A_411 = vector.broadcast %jit3A_410 : i32 to vector<16xi32>
            %select_n3A_412 = arith.select %eq3A_409, %get3A_391, %broadcast_in_dim3A_411 : vector<16xi1>, vector<16xi32>
            %reduce_sum3A_413 = arith.constant true
            %reduce_sum3A_414 = vector.broadcast %reduce_sum3A_413 : i1 to vector<16xi1>
            %reduce_sum3A_415 = tpu.scan <sum>, %select_n3A_412 masked %reduce_sum3A_414 : vector<16xi32>, vector<16xi1> -> vector<16xi32>
            %reduce_sum3A_416 = vector.extract %reduce_sum3A_415[15] : i32 from vector<16xi32>
            %mul3A_417 = arith.constant 4096 : i32
            %mul3A_418 = arith.muli %sub3A_25, %mul3A_417 : i32
            %sub3A_419 = arith.subi %reduce_sum3A_416, %mul3A_418 : i32
            %mul3A_420 = arith.constant 256 : i32
            %mul3A_421 = arith.muli %sub3A_419, %mul3A_420 : i32
            %scan3A_422 = arith.constant 0 : i32
            %scan3A_423 = arith.constant 16 : i32
            %scan3A_424 = arith.addi %scan3A_422, %scan3A_423 : i32
            %scan3A_425 = arith.constant 1 : i32
            %scan3A_426 = scf.for %scan3A_428 = %scan3A_422 to %scan3A_424 step %scan3A_425 iter_args(%scan3A_429 = %while3A_360) -> (vector<16xi32>)  : i32 {
              %mul3A_430 = arith.constant 16 : i32
              %mul3A_431 = arith.muli %scan3A_428, %mul3A_430 : i32
              %get3A_432 = arith.index_cast %while3A_359 : i32 to index
              %get3A_433 = arith.index_cast %mul3A_431 : i32 to index
              %get3A_434 = tpu.vector_load %arg11[%get3A_432, %get3A_433] {strides = array<i32>} : memref<128x256xf32, #tpu.memory_space<vmem>>, vector<16xf32>,
              %ge3A_435 = vector.broadcast %reduce_sum3A_68 : f32 to vector<16xf32>
              %ge3A_436 = arith.cmpf oge, %get3A_434, %ge3A_435 : vector<16xf32>
              %convert_element_type3A_437 = arith.extui %ge3A_436 : vector<16xi1> to vector<16xi32>
              %broadcast_in_dim3A_438 = arith.constant true
              %broadcast_in_dim3A_439 = vector.broadcast %broadcast_in_dim3A_438 : i1 to vector<16xi1>
              %masked_cumsum3A = tpu.scan <sum>, %convert_element_type3A_437 masked %broadcast_in_dim3A_439 : vector<16xi32>, vector<16xi1> -> vector<16xi32>
              %add3A_440 = arith.addi %scan3A_429, %masked_cumsum3A : vector<16xi32>
              %sub3A_441 = arith.constant 1 : i32
              %sub3A_442 = vector.broadcast %sub3A_441 : i32 to vector<16xi32>
              %sub3A_443 = arith.subi %add3A_440, %sub3A_442 : vector<16xi32>
              %min3A_444 = arith.constant 4079 : i32
              %min3A_445 = vector.broadcast %min3A_444 : i32 to vector<16xi32>
              %min3A_446 = arith.minsi %sub3A_443, %min3A_445 : vector<16xi32>
              tpu.vector_store_idx %arg12[%min3A_446], %get3A_434 masked %ge3A_436 : memref<4096xf32, #tpu.memory_space<vmem>>[vector<16xi32>], vector<16xf32>, vector<16xi1>
              %mul3A_447 = arith.constant 16 : i32
              %mul3A_448 = arith.muli %scan3A_428, %mul3A_447 : i32
              %add3A_449 = arith.addi %mul3A_421, %mul3A_448 : i32
              %add3A_450 = vector.broadcast %add3A_449 : i32 to vector<16xi32>
              %add3A_451 = arith.addi %add3A_450, %iota3A : vector<16xi32>
              tpu.vector_store_idx %arg13[%min3A_446], %add3A_451 masked %ge3A_436 : memref<4096xi32, #tpu.memory_space<vmem>>[vector<16xi32>], vector<16xi32>, vector<16xi1>
              %all_reduce_population_count3A = tpu.all_reduce %ge3A_436 {dim = 0 : i64, kind = #tpu.reduction_kind<sum>} : vector<16xi1> -> vector<16xi32>
              %add3A_452 = arith.addi %scan3A_429, %all_reduce_population_count3A : vector<16xi32>
              scf.yield %add3A_452 : vector<16xi32>
            }
            %scan3A_427 = arith.constant 16 : i32
            scf.yield %scan3A_426 : vector<16xi32>
          }
          %while3A_355 = arith.constant 1 : i32
          %while3A_356 = scf.for %while3A_359 = %while3A_352 to %while3A_348 step %while3A_355 iter_args(%while3A_360 = %while3A_354) -> (vector<16xi32>)  : i32 {
            %mul3A_361 = arith.constant 128 : i32
            %mul3A_362 = arith.muli %while3A_331, %mul3A_361 : i32
            %add3A_363 = arith.addi %mul3A_362, %while3A_359 : i32
            %jit3A_364 = arith.constant 16 : i32
            %div3A_365 = arith.divsi %add3A_363, %jit3A_364 : i32
            %sign3A_366 = arith.constant 0 : i32
            %sign3A_367 = arith.cmpi sgt, %add3A_363, %sign3A_366 : i32
            %sign3A_368 = arith.extui %sign3A_367 : i1 to i32
            %sign3A_369 = arith.constant 0 : i32
            %sign3A_370 = arith.cmpi slt, %add3A_363, %sign3A_369 : i32
            %sign3A_371 = arith.extui %sign3A_370 : i1 to i32
            %sign3A_372 = arith.subi %sign3A_368, %sign3A_371 : i32
            %sign3A_373 = arith.constant 0 : i32
            %sign3A_374 = arith.cmpi sgt, %jit3A_364, %sign3A_373 : i32
            %sign3A_375 = arith.extui %sign3A_374 : i1 to i32
            %sign3A_376 = arith.constant 0 : i32
            %sign3A_377 = arith.cmpi slt, %jit3A_364, %sign3A_376 : i32
            %sign3A_378 = arith.extui %sign3A_377 : i1 to i32
            %sign3A_379 = arith.subi %sign3A_375, %sign3A_378 : i32
            %ne3A_380 = arith.cmpi ne, %sign3A_372, %sign3A_379 : i32
            %rem3A_381 = arith.remsi %add3A_363, %jit3A_364 : i32
            %ne3A_382 = arith.constant 0 : i32
            %ne3A_383 = arith.cmpi ne, %rem3A_381, %ne3A_382 : i32
            %and3A_384 = arith.andi %ne3A_380, %ne3A_383 : i1
            %sub3A_385 = arith.constant 1 : i32
            %sub3A_386 = arith.subi %div3A_365, %sub3A_385 : i32
            %select_n3A_387 = arith.select %and3A_384, %sub3A_386, %div3A_365 : i32
            %mul3A_388 = arith.constant 16 : i32
            %mul3A_389 = arith.muli %select_n3A_387, %mul3A_388 : i32
            %get3A_390 = arith.index_cast %mul3A_389 : i32 to index
            %get3A_391 = tpu.vector_load %arg10[%get3A_390] {strides = array<i32>} : memref<512xi32, #tpu.memory_space<vmem>>, vector<16xi32>,
            %jit3A_392 = arith.constant 16 : i32
            %eq3A_393 = arith.constant 0 : i32
            %eq3A_394 = arith.cmpi eq, %jit3A_392, %eq3A_393 : i32
            %jit3A_395 = arith.constant 1 : i32
            %select_n3A_396 = arith.select %eq3A_394, %jit3A_395, %jit3A_392 : i32
            %rem3A_397 = arith.remsi %add3A_363, %select_n3A_396 : i32
            %ne3A_398 = arith.constant 0 : i32
            %ne3A_399 = arith.cmpi ne, %rem3A_397, %ne3A_398 : i32
            %lt3A_400 = arith.constant 0 : i32
            %lt3A_401 = arith.cmpi slt, %rem3A_397, %lt3A_400 : i32
            %lt3A_402 = arith.constant 0 : i32
            %lt3A_403 = arith.cmpi slt, %select_n3A_396, %lt3A_402 : i32
            %ne3A_404 = arith.xori %lt3A_401, %lt3A_403 : i1
            %and3A_405 = arith.andi %ne3A_404, %ne3A_399 : i1
            %add3A_406 = arith.addi %rem3A_397, %select_n3A_396 : i32
            %select_n3A_407 = arith.select %and3A_405, %add3A_406, %rem3A_397 : i32
            %eq3A_408 = vector.broadcast %select_n3A_407 : i32 to vector<16xi32>
            %eq3A_409 = arith.cmpi eq, %iota3A, %eq3A_408 : vector<16xi32>
            %jit3A_410 = arith.constant 0 : i32
            %broadcast_in_dim3A_411 = vector.broadcast %jit3A_410 : i32 to vector<16xi32>
            %select_n3A_412 = arith.select %eq3A_409, %get3A_391, %broadcast_in_dim3A_411 : vector<16xi1>, vector<16xi32>
            %reduce_sum3A_413 = arith.constant true
            %reduce_sum3A_414 = vector.broadcast %reduce_sum3A_413 : i1 to vector<16xi1>
            %reduce_sum3A_415 = tpu.scan <sum>, %select_n3A_412 masked %reduce_sum3A_414 : vector<16xi32>, vector<16xi1> -> vector<16xi32>
            %reduce_sum3A_416 = vector.extract %reduce_sum3A_415[15] : i32 from vector<16xi32>
            %mul3A_417 = arith.constant 4096 : i32
            %mul3A_418 = arith.muli %sub3A_25, %mul3A_417 : i32
            %sub3A_419 = arith.subi %reduce_sum3A_416, %mul3A_418 : i32
            %mul3A_420 = arith.constant 256 : i32
            %mul3A_421 = arith.muli %sub3A_419, %mul3A_420 : i32
            %scan3A_422 = arith.constant 0 : i32
            %scan3A_423 = arith.constant 16 : i32
            %scan3A_424 = arith.addi %scan3A_422, %scan3A_423 : i32
            %scan3A_425 = arith.constant 1 : i32
            %scan3A_426 = scf.for %scan3A_428 = %scan3A_422 to %scan3A_424 step %scan3A_425 iter_args(%scan3A_429 = %while3A_360) -> (vector<16xi32>)  : i32 {
              %mul3A_430 = arith.constant 16 : i32
              %mul3A_431 = arith.muli %scan3A_428, %mul3A_430 : i32
              %get3A_432 = arith.index_cast %while3A_359 : i32 to index
              %get3A_433 = arith.index_cast %mul3A_431 : i32 to index
              %get3A_434 = tpu.vector_load %arg11[%get3A_432, %get3A_433] {strides = array<i32>} : memref<128x256xf32, #tpu.memory_space<vmem>>, vector<16xf32>,
              %ge3A_435 = vector.broadcast %reduce_sum3A_68 : f32 to vector<16xf32>
              %ge3A_436 = arith.cmpf oge, %get3A_434, %ge3A_435 : vector<16xf32>
              %convert_element_type3A_437 = arith.extui %ge3A_436 : vector<16xi1> to vector<16xi32>
              %broadcast_in_dim3A_438 = arith.constant true
              %broadcast_in_dim3A_439 = vector.broadcast %broadcast_in_dim3A_438 : i1 to vector<16xi1>
              %masked_cumsum3A = tpu.scan <sum>, %convert_element_type3A_437 masked %broadcast_in_dim3A_439 : vector<16xi32>, vector<16xi1> -> vector<16xi32>
              %add3A_440 = arith.addi %scan3A_429, %masked_cumsum3A : vector<16xi32>
              %sub3A_441 = arith.constant 1 : i32
              %sub3A_442 = vector.broadcast %sub3A_441 : i32 to vector<16xi32>
              %sub3A_443 = arith.subi %add3A_440, %sub3A_442 : vector<16xi32>
              %min3A_444 = arith.constant 4079 : i32
              %min3A_445 = vector.broadcast %min3A_444 : i32 to vector<16xi32>
              %min3A_446 = arith.minsi %sub3A_443, %min3A_445 : vector<16xi32>
              tpu.vector_store_idx %arg12[%min3A_446], %get3A_434 masked %ge3A_436 : memref<4096xf32, #tpu.memory_space<vmem>>[vector<16xi32>], vector<16xf32>, vector<16xi1>
              %mul3A_447 = arith.constant 16 : i32
              %mul3A_448 = arith.muli %scan3A_428, %mul3A_447 : i32
              %add3A_449 = arith.addi %mul3A_421, %mul3A_448 : i32
              %add3A_450 = vector.broadcast %add3A_449 : i32 to vector<16xi32>
              %add3A_451 = arith.addi %add3A_450, %iota3A : vector<16xi32>
              tpu.vector_store_idx %arg13[%min3A_446], %add3A_451 masked %ge3A_436 : memref<4096xi32, #tpu.memory_space<vmem>>[vector<16xi32>], vector<16xi32>, vector<16xi1>
              %all_reduce_population_count3A = tpu.all_reduce %ge3A_436 {dim = 0 : i64, kind = #tpu.reduction_kind<sum>} : vector<16xi1> -> vector<16xi32>
              %add3A_452 = arith.addi %scan3A_429, %all_reduce_population_count3A : vector<16xi32>
              scf.yield %add3A_452 : vector<16xi32>
            }
            %scan3A_427 = arith.constant 16 : i32
            scf.yield %scan3A_426 : vector<16xi32>
          }
          %add3A_357 = arith.constant 1 : i32
          %add3A_358 = arith.addi %while3A_331, %add3A_357 : i32
          scf.yield %add3A_358, %while3A_356 : i32, vector<16xi32>
        }
        %broadcast_in_dim3A_147 = arith.constant -3.40282347E+38 : f32
        %broadcast_in_dim3A_148 = vector.broadcast %broadcast_in_dim3A_147 : f32 to vector<16xf32>
        %eq3A_149 = arith.constant 0 : i32
        %eq3A_150 = vector.broadcast %eq3A_149 : i32 to vector<16xi32>
        %eq3A_151 = arith.cmpi eq, %iota3A, %eq3A_150 : vector<16xi32>
        %get3A_152 = arith.constant 0 : index
        %get3A_153 = tpu.vector_load %arg12[%get3A_152] {strides = array<i32>} : memref<4096xf32, #tpu.memory_space<vmem>>, vector<16xf32>,
        %reduce_max3A_154 = arith.constant true
        %reduce_max3A_155 = vector.broadcast %reduce_max3A_154 : i1 to vector<16xi1>
        %reduce_max3A_156 = tpu.scan <max>, %get3A_153 masked %reduce_max3A_155 : vector<16xf32>, vector<16xi1> -> vector<16xf32>
        %reduce_max3A_157 = vector.extract %reduce_max3A_156[15] : f32 from vector<16xf32>
        %broadcast_in_dim3A_158 = vector.broadcast %reduce_max3A_157 : f32 to vector<16xf32>
        %select_n3A_159 = arith.select %eq3A_151, %broadcast_in_dim3A_158, %broadcast_in_dim3A_148 : vector<16xi1>, vector<16xf32>
        %eq3A_160 = arith.constant 1 : i32
        %eq3A_161 = vector.broadcast %eq3A_160 : i32 to vector<16xi32>
        %eq3A_162 = arith.cmpi eq, %iota3A, %eq3A_161 : vector<16xi32>
        %get3A_163 = arith.constant 16 : index
        %get3A_164 = tpu.vector_load %arg12[%get3A_163] {strides = array<i32>} : memref<4096xf32, #tpu.memory_space<vmem>>, vector<16xf32>,
        %reduce_max3A_165 = arith.constant true
        %reduce_max3A_166 = vector.broadcast %reduce_max3A_165 : i1 to vector<16xi1>
        %reduce_max3A_167 = tpu.scan <max>, %get3A_164 masked %reduce_max3A_166 : vector<16xf32>, vector<16xi1> -> vector<16xf32>
        %reduce_max3A_168 = vector.extract %reduce_max3A_167[15] : f32 from vector<16xf32>
        %broadcast_in_dim3A_169 = vector.broadcast %reduce_max3A_168 : f32 to vector<16xf32>
        %select_n3A_170 = arith.select %eq3A_162, %broadcast_in_dim3A_169, %select_n3A_159 : vector<16xi1>, vector<16xf32>
        %eq3A_171 = arith.constant 2 : i32
        %eq3A_172 = vector.broadcast %eq3A_171 : i32 to vector<16xi32>
        %eq3A_173 = arith.cmpi eq, %iota3A, %eq3A_172 : vector<16xi32>
        %get3A_174 = arith.constant 32 : index
        %get3A_175 = tpu.vector_load %arg12[%get3A_174] {strides = array<i32>} : memref<4096xf32, #tpu.memory_space<vmem>>, vector<16xf32>,
        %reduce_max3A_176 = arith.constant true
        %reduce_max3A_177 = vector.broadcast %reduce_max3A_176 : i1 to vector<16xi1>
        %reduce_max3A_178 = tpu.scan <max>, %get3A_175 masked %reduce_max3A_177 : vector<16xf32>, vector<16xi1> -> vector<16xf32>
        %reduce_max3A_179 = vector.extract %reduce_max3A_178[15] : f32 from vector<16xf32>
        %broadcast_in_dim3A_180 = vector.broadcast %reduce_max3A_179 : f32 to vector<16xf32>
        %select_n3A_181 = arith.select %eq3A_173, %broadcast_in_dim3A_180, %select_n3A_170 : vector<16xi1>, vector<16xf32>
        %eq3A_182 = arith.constant 3 : i32
        %eq3A_183 = vector.broadcast %eq3A_182 : i32 to vector<16xi32>
        %eq3A_184 = arith.cmpi eq, %iota3A, %eq3A_183 : vector<16xi32>
        %get3A_185 = arith.constant 48 : index
        %get3A_186 = tpu.vector_load %arg12[%get3A_185] {strides = array<i32>} : memref<4096xf32, #tpu.memory_space<vmem>>, vector<16xf32>,
        %reduce_max3A_187 = arith.constant true
        %reduce_max3A_188 = vector.broadcast %reduce_max3A_187 : i1 to vector<16xi1>
        %reduce_max3A_189 = tpu.scan <max>, %get3A_186 masked %reduce_max3A_188 : vector<16xf32>, vector<16xi1> -> vector<16xf32>
        %reduce_max3A_190 = vector.extract %reduce_max3A_189[15] : f32 from vector<16xf32>
        %broadcast_in_dim3A_191 = vector.broadcast %reduce_max3A_190 : f32 to vector<16xf32>
        %select_n3A_192 = arith.select %eq3A_184, %broadcast_in_dim3A_191, %select_n3A_181 : vector<16xi1>, vector<16xf32>
        %eq3A_193 = arith.constant 4 : i32
        %eq3A_194 = vector.broadcast %eq3A_193 : i32 to vector<16xi32>
        %eq3A_195 = arith.cmpi eq, %iota3A, %eq3A_194 : vector<16xi32>
        %get3A_196 = arith.constant 64 : index
        %get3A_197 = tpu.vector_load %arg12[%get3A_196] {strides = array<i32>} : memref<4096xf32, #tpu.memory_space<vmem>>, vector<16xf32>,
        %reduce_max3A_198 = arith.constant true
        %reduce_max3A_199 = vector.broadcast %reduce_max3A_198 : i1 to vector<16xi1>
        %reduce_max3A_200 = tpu.scan <max>, %get3A_197 masked %reduce_max3A_199 : vector<16xf32>, vector<16xi1> -> vector<16xf32>
        %reduce_max3A_201 = vector.extract %reduce_max3A_200[15] : f32 from vector<16xf32>
        %broadcast_in_dim3A_202 = vector.broadcast %reduce_max3A_201 : f32 to vector<16xf32>
        %select_n3A_203 = arith.select %eq3A_195, %broadcast_in_dim3A_202, %select_n3A_192 : vector<16xi1>, vector<16xf32>
        %eq3A_204 = arith.constant 5 : i32
        %eq3A_205 = vector.broadcast %eq3A_204 : i32 to vector<16xi32>
        %eq3A_206 = arith.cmpi eq, %iota3A, %eq3A_205 : vector<16xi32>
        %get3A_207 = arith.constant 80 : index
        %get3A_208 = tpu.vector_load %arg12[%get3A_207] {strides = array<i32>} : memref<4096xf32, #tpu.memory_space<vmem>>, vector<16xf32>,
        %reduce_max3A_209 = arith.constant true
        %reduce_max3A_210 = vector.broadcast %reduce_max3A_209 : i1 to vector<16xi1>
        %reduce_max3A_211 = tpu.scan <max>, %get3A_208 masked %reduce_max3A_210 : vector<16xf32>, vector<16xi1> -> vector<16xf32>
        %reduce_max3A_212 = vector.extract %reduce_max3A_211[15] : f32 from vector<16xf32>
        %broadcast_in_dim3A_213 = vector.broadcast %reduce_max3A_212 : f32 to vector<16xf32>
        %select_n3A_214 = arith.select %eq3A_206, %broadcast_in_dim3A_213, %select_n3A_203 : vector<16xi1>, vector<16xf32>
        %eq3A_215 = arith.constant 6 : i32
        %eq3A_216 = vector.broadcast %eq3A_215 : i32 to vector<16xi32>
        %eq3A_217 = arith.cmpi eq, %iota3A, %eq3A_216 : vector<16xi32>
        %get3A_218 = arith.constant 96 : index
        %get3A_219 = tpu.vector_load %arg12[%get3A_218] {strides = array<i32>} : memref<4096xf32, #tpu.memory_space<vmem>>, vector<16xf32>,
        %reduce_max3A_220 = arith.constant true
        %reduce_max3A_221 = vector.broadcast %reduce_max3A_220 : i1 to vector<16xi1>
        %reduce_max3A_222 = tpu.scan <max>, %get3A_219 masked %reduce_max3A_221 : vector<16xf32>, vector<16xi1> -> vector<16xf32>
        %reduce_max3A_223 = vector.extract %reduce_max3A_222[15] : f32 from vector<16xf32>
        %broadcast_in_dim3A_224 = vector.broadcast %reduce_max3A_223 : f32 to vector<16xf32>
        %select_n3A_225 = arith.select %eq3A_217, %broadcast_in_dim3A_224, %select_n3A_214 : vector<16xi1>, vector<16xf32>
        %eq3A_226 = arith.constant 7 : i32
        %eq3A_227 = vector.broadcast %eq3A_226 : i32 to vector<16xi32>
        %eq3A_228 = arith.cmpi eq, %iota3A, %eq3A_227 : vector<16xi32>
        %get3A_229 = arith.constant 112 : index
        %get3A_230 = tpu.vector_load %arg12[%get3A_229] {strides = array<i32>} : memref<4096xf32, #tpu.memory_space<vmem>>, vector<16xf32>,
        %reduce_max3A_231 = arith.constant true
        %reduce_max3A_232 = vector.broadcast %reduce_max3A_231 : i1 to vector<16xi1>
        %reduce_max3A_233 = tpu.scan <max>, %get3A_230 masked %reduce_max3A_232 : vector<16xf32>, vector<16xi1> -> vector<16xf32>
        %reduce_max3A_234 = vector.extract %reduce_max3A_233[15] : f32 from vector<16xf32>
        %broadcast_in_dim3A_235 = vector.broadcast %reduce_max3A_234 : f32 to vector<16xf32>
        %select_n3A_236 = arith.select %eq3A_228, %broadcast_in_dim3A_235, %select_n3A_225 : vector<16xi1>, vector<16xf32>
        %eq3A_237 = arith.constant 8 : i32
        %eq3A_238 = vector.broadcast %eq3A_237 : i32 to vector<16xi32>
        %eq3A_239 = arith.cmpi eq, %iota3A, %eq3A_238 : vector<16xi32>
        %get3A_240 = arith.constant 128 : index
        %get3A_241 = tpu.vector_load %arg12[%get3A_240] {strides = array<i32>} : memref<4096xf32, #tpu.memory_space<vmem>>, vector<16xf32>,
        %reduce_max3A_242 = arith.constant true
        %reduce_max3A_243 = vector.broadcast %reduce_max3A_242 : i1 to vector<16xi1>
        %reduce_max3A_244 = tpu.scan <max>, %get3A_241 masked %reduce_max3A_243 : vector<16xf32>, vector<16xi1> -> vector<16xf32>
        %reduce_max3A_245 = vector.extract %reduce_max3A_244[15] : f32 from vector<16xf32>
        %broadcast_in_dim3A_246 = vector.broadcast %reduce_max3A_245 : f32 to vector<16xf32>
        %select_n3A_247 = arith.select %eq3A_239, %broadcast_in_dim3A_246, %select_n3A_236 : vector<16xi1>, vector<16xf32>
        %eq3A_248 = arith.constant 9 : i32
        %eq3A_249 = vector.broadcast %eq3A_248 : i32 to vector<16xi32>
        %eq3A_250 = arith.cmpi eq, %iota3A, %eq3A_249 : vector<16xi32>
        %get3A_251 = arith.constant 144 : index
        %get3A_252 = tpu.vector_load %arg12[%get3A_251] {strides = array<i32>} : memref<4096xf32, #tpu.memory_space<vmem>>, vector<16xf32>,
        %reduce_max3A_253 = arith.constant true
        %reduce_max3A_254 = vector.broadcast %reduce_max3A_253 : i1 to vector<16xi1>
        %reduce_max3A_255 = tpu.scan <max>, %get3A_252 masked %reduce_max3A_254 : vector<16xf32>, vector<16xi1> -> vector<16xf32>
        %reduce_max3A_256 = vector.extract %reduce_max3A_255[15] : f32 from vector<16xf32>
        %broadcast_in_dim3A_257 = vector.broadcast %reduce_max3A_256 : f32 to vector<16xf32>
        %select_n3A_258 = arith.select %eq3A_250, %broadcast_in_dim3A_257, %select_n3A_247 : vector<16xi1>, vector<16xf32>
        %eq3A_259 = arith.constant 10 : i32
        %eq3A_260 = vector.broadcast %eq3A_259 : i32 to vector<16xi32>
        %eq3A_261 = arith.cmpi eq, %iota3A, %eq3A_260 : vector<16xi32>
        %get3A_262 = arith.constant 160 : index
        %get3A_263 = tpu.vector_load %arg12[%get3A_262] {strides = array<i32>} : memref<4096xf32, #tpu.memory_space<vmem>>, vector<16xf32>,
        %reduce_max3A_264 = arith.constant true
        %reduce_max3A_265 = vector.broadcast %reduce_max3A_264 : i1 to vector<16xi1>
        %reduce_max3A_266 = tpu.scan <max>, %get3A_263 masked %reduce_max3A_265 : vector<16xf32>, vector<16xi1> -> vector<16xf32>
        %reduce_max3A_267 = vector.extract %reduce_max3A_266[15] : f32 from vector<16xf32>
        %broadcast_in_dim3A_268 = vector.broadcast %reduce_max3A_267 : f32 to vector<16xf32>
        %select_n3A_269 = arith.select %eq3A_261, %broadcast_in_dim3A_268, %select_n3A_258 : vector<16xi1>, vector<16xf32>
        %eq3A_270 = arith.constant 11 : i32
        %eq3A_271 = vector.broadcast %eq3A_270 : i32 to vector<16xi32>
        %eq3A_272 = arith.cmpi eq, %iota3A, %eq3A_271 : vector<16xi32>
        %get3A_273 = arith.constant 176 : index
        %get3A_274 = tpu.vector_load %arg12[%get3A_273] {strides = array<i32>} : memref<4096xf32, #tpu.memory_space<vmem>>, vector<16xf32>,
        %reduce_max3A_275 = arith.constant true
        %reduce_max3A_276 = vector.broadcast %reduce_max3A_275 : i1 to vector<16xi1>
        %reduce_max3A_277 = tpu.scan <max>, %get3A_274 masked %reduce_max3A_276 : vector<16xf32>, vector<16xi1> -> vector<16xf32>
        %reduce_max3A_278 = vector.extract %reduce_max3A_277[15] : f32 from vector<16xf32>
        %broadcast_in_dim3A_279 = vector.broadcast %reduce_max3A_278 : f32 to vector<16xf32>
        %select_n3A_280 = arith.select %eq3A_272, %broadcast_in_dim3A_279, %select_n3A_269 : vector<16xi1>, vector<16xf32>
        %eq3A_281 = arith.constant 12 : i32
        %eq3A_282 = vector.broadcast %eq3A_281 : i32 to vector<16xi32>
        %eq3A_283 = arith.cmpi eq, %iota3A, %eq3A_282 : vector<16xi32>
        %get3A_284 = arith.constant 192 : index
        %get3A_285 = tpu.vector_load %arg12[%get3A_284] {strides = array<i32>} : memref<4096xf32, #tpu.memory_space<vmem>>, vector<16xf32>,
        %reduce_max3A_286 = arith.constant true
        %reduce_max3A_287 = vector.broadcast %reduce_max3A_286 : i1 to vector<16xi1>
        %reduce_max3A_288 = tpu.scan <max>, %get3A_285 masked %reduce_max3A_287 : vector<16xf32>, vector<16xi1> -> vector<16xf32>
        %reduce_max3A_289 = vector.extract %reduce_max3A_288[15] : f32 from vector<16xf32>
        %broadcast_in_dim3A_290 = vector.broadcast %reduce_max3A_289 : f32 to vector<16xf32>
        %select_n3A_291 = arith.select %eq3A_283, %broadcast_in_dim3A_290, %select_n3A_280 : vector<16xi1>, vector<16xf32>
        %eq3A_292 = arith.constant 13 : i32
        %eq3A_293 = vector.broadcast %eq3A_292 : i32 to vector<16xi32>
        %eq3A_294 = arith.cmpi eq, %iota3A, %eq3A_293 : vector<16xi32>
        %get3A_295 = arith.constant 208 : index
        %get3A_296 = tpu.vector_load %arg12[%get3A_295] {strides = array<i32>} : memref<4096xf32, #tpu.memory_space<vmem>>, vector<16xf32>,
        %reduce_max3A_297 = arith.constant true
        %reduce_max3A_298 = vector.broadcast %reduce_max3A_297 : i1 to vector<16xi1>
        %reduce_max3A_299 = tpu.scan <max>, %get3A_296 masked %reduce_max3A_298 : vector<16xf32>, vector<16xi1> -> vector<16xf32>
        %reduce_max3A_300 = vector.extract %reduce_max3A_299[15] : f32 from vector<16xf32>
        %broadcast_in_dim3A_301 = vector.broadcast %reduce_max3A_300 : f32 to vector<16xf32>
        %select_n3A_302 = arith.select %eq3A_294, %broadcast_in_dim3A_301, %select_n3A_291 : vector<16xi1>, vector<16xf32>
        %eq3A_303 = arith.constant 14 : i32
        %eq3A_304 = vector.broadcast %eq3A_303 : i32 to vector<16xi32>
        %eq3A_305 = arith.cmpi eq, %iota3A, %eq3A_304 : vector<16xi32>
        %get3A_306 = arith.constant 224 : index
        %get3A_307 = tpu.vector_load %arg12[%get3A_306] {strides = array<i32>} : memref<4096xf32, #tpu.memory_space<vmem>>, vector<16xf32>,
        %reduce_max3A_308 = arith.constant true
        %reduce_max3A_309 = vector.broadcast %reduce_max3A_308 : i1 to vector<16xi1>
        %reduce_max3A_310 = tpu.scan <max>, %get3A_307 masked %reduce_max3A_309 : vector<16xf32>, vector<16xi1> -> vector<16xf32>
        %reduce_max3A_311 = vector.extract %reduce_max3A_310[15] : f32 from vector<16xf32>
        %broadcast_in_dim3A_312 = vector.broadcast %reduce_max3A_311 : f32 to vector<16xf32>
        %select_n3A_313 = arith.select %eq3A_305, %broadcast_in_dim3A_312, %select_n3A_302 : vector<16xi1>, vector<16xf32>
        %eq3A_314 = arith.constant 15 : i32
        %eq3A_315 = vector.broadcast %eq3A_314 : i32 to vector<16xi32>
        %eq3A_316 = arith.cmpi eq, %iota3A, %eq3A_315 : vector<16xi32>
        %get3A_317 = arith.constant 240 : index
        %get3A_318 = tpu.vector_load %arg12[%get3A_317] {strides = array<i32>} : memref<4096xf32, #tpu.memory_space<vmem>>, vector<16xf32>,
        %reduce_max3A_319 = arith.constant true
        %reduce_max3A_320 = vector.broadcast %reduce_max3A_319 : i1 to vector<16xi1>
        %reduce_max3A_321 = tpu.scan <max>, %get3A_318 masked %reduce_max3A_320 : vector<16xf32>, vector<16xi1> -> vector<16xf32>
        %reduce_max3A_322 = vector.extract %reduce_max3A_321[15] : f32 from vector<16xf32>
        %broadcast_in_dim3A_323 = vector.broadcast %reduce_max3A_322 : f32 to vector<16xf32>
        %select_n3A_324 = arith.select %eq3A_316, %broadcast_in_dim3A_323, %select_n3A_313 : vector<16xi1>, vector<16xf32>
        %scan3A_325 = arith.constant 0 : i32
        %scan3A_326 = arith.constant 100 : i32
        %scan3A_327 = arith.addi %scan3A_325, %scan3A_326 : i32
        %scan3A_328 = arith.constant 1 : i32
        %scan3A_329 = scf.for %scan3A_331 = %scan3A_325 to %scan3A_327 step %scan3A_328 iter_args(%scan3A_332 = %select_n3A_324) -> (vector<16xf32>)  : i32 {
          %reduce_max3A_333 = arith.constant true
          %reduce_max3A_334 = vector.broadcast %reduce_max3A_333 : i1 to vector<16xi1>
          %reduce_max3A_335 = tpu.scan <max>, %scan3A_332 masked %reduce_max3A_334 : vector<16xf32>, vector<16xi1> -> vector<16xf32>
          %reduce_max3A_336 = vector.extract %reduce_max3A_335[15] : f32 from vector<16xf32>
          %eq3A_337 = vector.broadcast %reduce_max3A_336 : f32 to vector<16xf32>
          %eq3A_338 = arith.cmpf oeq, %scan3A_332, %eq3A_337 : vector<16xf32>
          %all_reduce_ffs3A = tpu.all_reduce %eq3A_338 {dim = 0 : i64, kind = #tpu.reduction_kind<find_first_set>} : vector<16xi1> -> vector<16xi32>
          %reduce_max3A_339 = arith.constant true
          %reduce_max3A_340 = vector.broadcast %reduce_max3A_339 : i1 to vector<16xi1>
          %reduce_max3A_341 = arith.constant -2147483648 : i32
          %reduce_max3A_342 = vector.broadcast %reduce_max3A_341 : i32 to vector<16xi32>
          %reduce_max3A_343 = arith.xori %all_reduce_ffs3A, %reduce_max3A_342 : vector<16xi32>
          %reduce_max3A_344 = tpu.scan <max>, %reduce_max3A_343 masked %reduce_max3A_340 : vector<16xi32>, vector<16xi1> -> vector<16xi32>
          %reduce_max3A_345 = arith.xori %reduce_max3A_344, %reduce_max3A_342 : vector<16xi32>
          %reduce_max3A_346 = vector.extract %reduce_max3A_345[15] : i32 from vector<16xi32>
          %mul3A_347 = arith.constant 16 : i32
          %mul3A_348 = arith.muli %reduce_max3A_346, %mul3A_347 : i32
          %get3A_349 = arith.index_cast %mul3A_348 : i32 to index
          %get3A_350 = tpu.vector_load %arg12[%get3A_349] {strides = array<i32>} : memref<4096xf32, #tpu.memory_space<vmem>>, vector<16xf32>,
          %eq3A_351 = vector.broadcast %reduce_max3A_336 : f32 to vector<16xf32>
          %eq3A_352 = arith.cmpf oeq, %get3A_350, %eq3A_351 : vector<16xf32>
          %all_reduce_ffs3A_353 = tpu.all_reduce %eq3A_352 {dim = 0 : i64, kind = #tpu.reduction_kind<find_first_set>} : vector<16xi1> -> vector<16xi32>
          %get3A_354 = arith.index_cast %mul3A_348 : i32 to index
          %get3A_355 = tpu.vector_load %arg13[%get3A_354] {strides = array<i32>} : memref<4096xi32, #tpu.memory_space<vmem>>, vector<16xi32>,
          %eq3A_356 = arith.cmpi eq, %iota3A, %all_reduce_ffs3A_353 : vector<16xi32>
          %jit3A_357 = arith.constant 0 : i32
          %broadcast_in_dim3A_358 = vector.broadcast %jit3A_357 : i32 to vector<16xi32>
          %select_n3A_359 = arith.select %eq3A_356, %get3A_355, %broadcast_in_dim3A_358 : vector<16xi1>, vector<16xi32>
          %reduce_sum3A_360 = arith.constant true
          %reduce_sum3A_361 = vector.broadcast %reduce_sum3A_360 : i1 to vector<16xi1>
          %reduce_sum3A_362 = tpu.scan <sum>, %select_n3A_359 masked %reduce_sum3A_361 : vector<16xi32>, vector<16xi1> -> vector<16xi32>
          %reduce_sum3A_363 = vector.extract %reduce_sum3A_362[15] : i32 from vector<16xi32>
          %eq3A_364 = arith.cmpi eq, %iota3A, %all_reduce_ffs3A_353 : vector<16xi32>
          %jit3A_365 = arith.constant -3.40282347E+38 : f32
          %broadcast_in_dim3A_366 = vector.broadcast %jit3A_365 : f32 to vector<16xf32>
          %select_n3A_367 = arith.select %eq3A_364, %broadcast_in_dim3A_366, %get3A_350 : vector<16xi1>, vector<16xf32>
          %swap3A_368 = arith.index_cast %mul3A_348 : i32 to index
          %swap3A_369 = tpu.vector_load %arg12[%swap3A_368] {strides = array<i32>} : memref<4096xf32, #tpu.memory_space<vmem>>, vector<16xf32>,
          tpu.vector_store %arg12[%swap3A_368], %select_n3A_367 {strides = array<i32>} : memref<4096xf32, #tpu.memory_space<vmem>>, vector<16xf32>,
          %eq3A_370 = arith.cmpi eq, %iota3A, %all_reduce_ffs3A : vector<16xi32>
          %reduce_max3A_371 = arith.constant true
          %reduce_max3A_372 = vector.broadcast %reduce_max3A_371 : i1 to vector<16xi1>
          %reduce_max3A_373 = tpu.scan <max>, %select_n3A_367 masked %reduce_max3A_372 : vector<16xf32>, vector<16xi1> -> vector<16xf32>
          %reduce_max3A_374 = vector.extract %reduce_max3A_373[15] : f32 from vector<16xf32>
          %broadcast_in_dim3A_375 = vector.broadcast %reduce_max3A_374 : f32 to vector<16xf32>
          %select_n3A_376 = arith.select %eq3A_370, %broadcast_in_dim3A_375, %scan3A_332 : vector<16xi1>, vector<16xf32>
          %jit3A_377 = arith.constant 16 : i32
          %div3A_378 = arith.divsi %scan3A_331, %jit3A_377 : i32
          %sign3A_379 = arith.constant 0 : i32
          %sign3A_380 = arith.cmpi sgt, %scan3A_331, %sign3A_379 : i32
          %sign3A_381 = arith.extui %sign3A_380 : i1 to i32
          %sign3A_382 = arith.constant 0 : i32
          %sign3A_383 = arith.cmpi slt, %scan3A_331, %sign3A_382 : i32
          %sign3A_384 = arith.extui %sign3A_383 : i1 to i32
          %sign3A_385 = arith.subi %sign3A_381, %sign3A_384 : i32
          %sign3A_386 = arith.constant 0 : i32
          %sign3A_387 = arith.cmpi sgt, %jit3A_377, %sign3A_386 : i32
          %sign3A_388 = arith.extui %sign3A_387 : i1 to i32
          %sign3A_389 = arith.constant 0 : i32
          %sign3A_390 = arith.cmpi slt, %jit3A_377, %sign3A_389 : i32
          %sign3A_391 = arith.extui %sign3A_390 : i1 to i32
          %sign3A_392 = arith.subi %sign3A_388, %sign3A_391 : i32
          %ne3A_393 = arith.cmpi ne, %sign3A_385, %sign3A_392 : i32
          %rem3A_394 = arith.remsi %scan3A_331, %jit3A_377 : i32
          %ne3A_395 = arith.constant 0 : i32
          %ne3A_396 = arith.cmpi ne, %rem3A_394, %ne3A_395 : i32
          %and3A_397 = arith.andi %ne3A_393, %ne3A_396 : i1
          %sub3A_398 = arith.constant 1 : i32
          %sub3A_399 = arith.subi %div3A_378, %sub3A_398 : i32
          %select_n3A_400 = arith.select %and3A_397, %sub3A_399, %div3A_378 : i32
          %mul3A_401 = arith.constant 16 : i32
          %mul3A_402 = arith.muli %select_n3A_400, %mul3A_401 : i32
          %get3A_403 = arith.index_cast %mul3A_402 : i32 to index
          %get3A_404 = tpu.vector_load %arg14[%get3A_403] {strides = array<i32>} : memref<128xf32, #tpu.memory_space<vmem>>, vector<16xf32>,
          %jit3A_405 = arith.constant 16 : i32
          %eq3A_406 = arith.constant 0 : i32
          %eq3A_407 = arith.cmpi eq, %jit3A_405, %eq3A_406 : i32
          %jit3A_408 = arith.constant 1 : i32
          %select_n3A_409 = arith.select %eq3A_407, %jit3A_408, %jit3A_405 : i32
          %rem3A_410 = arith.remsi %scan3A_331, %select_n3A_409 : i32
          %ne3A_411 = arith.constant 0 : i32
          %ne3A_412 = arith.cmpi ne, %rem3A_410, %ne3A_411 : i32
          %lt3A_413 = arith.constant 0 : i32
          %lt3A_414 = arith.cmpi slt, %rem3A_410, %lt3A_413 : i32
          %lt3A_415 = arith.constant 0 : i32
          %lt3A_416 = arith.cmpi slt, %select_n3A_409, %lt3A_415 : i32
          %ne3A_417 = arith.xori %lt3A_414, %lt3A_416 : i1
          %and3A_418 = arith.andi %ne3A_417, %ne3A_412 : i1
          %add3A_419 = arith.addi %rem3A_410, %select_n3A_409 : i32
          %select_n3A_420 = arith.select %and3A_418, %add3A_419, %rem3A_410 : i32
          %eq3A_421 = vector.broadcast %select_n3A_420 : i32 to vector<16xi32>
          %eq3A_422 = arith.cmpi eq, %iota3A, %eq3A_421 : vector<16xi32>
          %broadcast_in_dim3A_423 = vector.broadcast %reduce_max3A_336 : f32 to vector<16xf32>
          %select_n3A_424 = arith.select %eq3A_422, %broadcast_in_dim3A_423, %get3A_404 : vector<16xi1>, vector<16xf32>
          %swap3A_425 = arith.index_cast %mul3A_402 : i32 to index
          %swap3A_426 = tpu.vector_load %arg14[%swap3A_425] {strides = array<i32>} : memref<128xf32, #tpu.memory_space<vmem>>, vector<16xf32>,
          tpu.vector_store %arg14[%swap3A_425], %select_n3A_424 {strides = array<i32>} : memref<128xf32, #tpu.memory_space<vmem>>, vector<16xf32>,
          %get3A_427 = arith.index_cast %mul3A_402 : i32 to index
          %get3A_428 = tpu.vector_load %arg15[%get3A_427] {strides = array<i32>} : memref<128xi32, #tpu.memory_space<vmem>>, vector<16xi32>,
          %jit3A_429 = arith.constant 16 : i32
          %eq3A_430 = arith.constant 0 : i32
          %eq3A_431 = arith.cmpi eq, %jit3A_429, %eq3A_430 : i32
          %jit3A_432 = arith.constant 1 : i32
          %select_n3A_433 = arith.select %eq3A_431, %jit3A_432, %jit3A_429 : i32
          %rem3A_434 = arith.remsi %scan3A_331, %select_n3A_433 : i32
          %ne3A_435 = arith.constant 0 : i32
          %ne3A_436 = arith.cmpi ne, %rem3A_434, %ne3A_435 : i32
          %lt3A_437 = arith.constant 0 : i32
          %lt3A_438 = arith.cmpi slt, %rem3A_434, %lt3A_437 : i32
          %lt3A_439 = arith.constant 0 : i32
          %lt3A_440 = arith.cmpi slt, %select_n3A_433, %lt3A_439 : i32
          %ne3A_441 = arith.xori %lt3A_438, %lt3A_440 : i1
          %and3A_442 = arith.andi %ne3A_441, %ne3A_436 : i1
          %add3A_443 = arith.addi %rem3A_434, %select_n3A_433 : i32
          %select_n3A_444 = arith.select %and3A_442, %add3A_443, %rem3A_434 : i32
          %eq3A_445 = vector.broadcast %select_n3A_444 : i32 to vector<16xi32>
          %eq3A_446 = arith.cmpi eq, %iota3A, %eq3A_445 : vector<16xi32>
          %broadcast_in_dim3A_447 = vector.broadcast %reduce_sum3A_363 : i32 to vector<16xi32>
          %select_n3A_448 = arith.select %eq3A_446, %broadcast_in_dim3A_447, %get3A_428 : vector<16xi1>, vector<16xi32>
          %swap3A_449 = arith.index_cast %mul3A_402 : i32 to index
          %swap3A_450 = tpu.vector_load %arg15[%swap3A_449] {strides = array<i32>} : memref<128xi32, #tpu.memory_space<vmem>>, vector<16xi32>,
          tpu.vector_store %arg15[%swap3A_449], %select_n3A_448 {strides = array<i32>} : memref<128xi32, #tpu.memory_space<vmem>>, vector<16xi32>,
          scf.yield %select_n3A_376 : vector<16xf32>
        }
        %scan3A_330 = arith.constant 100 : i32
        "tpu.region"() ({
          %run_scoped3A = tpu.sem_alloc : memref<!tpu.dma_semaphore, #tpu.memory_space<semaphore_mem>>
          %dma_start3A = arith.constant 0 : i32
          %dma_start3A_331 = tpu.memref_slice %arg6[%add3A_24, %dma_start3A] : memref<1024x128xf32, #tpu.memory_space<hbm>> -> memref<1x128xf32, #tpu.memory_space<hbm>>
          %dma_start3A_332 = tpu.memref_squeeze %dma_start3A_331 : memref<1x128xf32, #tpu.memory_space<hbm>> -> memref<128xf32, #tpu.memory_space<hbm>>
          %dma_start3A_333 = arith.constant 0 : i32
          %dma_start3A_334 = tpu.memref_slice %arg6[%add3A_24, %dma_start3A_333] : memref<1024x128xf32, #tpu.memory_space<hbm>> -> memref<1x128xf32, #tpu.memory_space<hbm>>
          %dma_start3A_335 = tpu.memref_squeeze %dma_start3A_334 : memref<1x128xf32, #tpu.memory_space<hbm>> -> memref<128xf32, #tpu.memory_space<hbm>>
          tpu.enqueue_dma source(%arg14 : memref<128xf32, #tpu.memory_space<vmem>>) target(%dma_start3A_335 : memref<128xf32, #tpu.memory_space<hbm>>) target_semaphore(%run_scoped3A : memref<!tpu.dma_semaphore, #tpu.memory_space<semaphore_mem>>)
          %dma_wait3A = arith.constant 0 : i32
          %dma_wait3A_336 = tpu.memref_slice %arg6[%add3A_24, %dma_wait3A] : memref<1024x128xf32, #tpu.memory_space<hbm>> -> memref<1x128xf32, #tpu.memory_space<hbm>>
          %dma_wait3A_337 = tpu.memref_squeeze %dma_wait3A_336 : memref<1x128xf32, #tpu.memory_space<hbm>> -> memref<128xf32, #tpu.memory_space<hbm>>
          %dma_wait3A_338 = arith.constant 0 : i32
          %dma_wait3A_339 = tpu.memref_slice %arg6[%add3A_24, %dma_wait3A_338] : memref<1024x128xf32, #tpu.memory_space<hbm>> -> memref<1x128xf32, #tpu.memory_space<hbm>>
          %dma_wait3A_340 = tpu.memref_squeeze %dma_wait3A_339 : memref<1x128xf32, #tpu.memory_space<hbm>> -> memref<128xf32, #tpu.memory_space<hbm>>
          tpu.wait_dma2 semaphore(%run_scoped3A : memref<!tpu.dma_semaphore, #tpu.memory_space<semaphore_mem>>) src(%arg14 : memref<128xf32, #tpu.memory_space<vmem>>) dst(%dma_wait3A_340 : memref<128xf32, #tpu.memory_space<hbm>>)
          tpu.yield
        }) : () -> ()
        "tpu.region"() ({
          %run_scoped3A = tpu.sem_alloc : memref<!tpu.dma_semaphore, #tpu.memory_space<semaphore_mem>>
          %dma_start3A = arith.constant 0 : i32
          %dma_start3A_331 = tpu.memref_slice %arg7[%add3A_24, %dma_start3A] : memref<1024x128xi32, #tpu.memory_space<hbm>> -> memref<1x128xi32, #tpu.memory_space<hbm>>
          %dma_start3A_332 = tpu.memref_squeeze %dma_start3A_331 : memref<1x128xi32, #tpu.memory_space<hbm>> -> memref<128xi32, #tpu.memory_space<hbm>>
          %dma_start3A_333 = arith.constant 0 : i32
          %dma_start3A_334 = tpu.memref_slice %arg7[%add3A_24, %dma_start3A_333] : memref<1024x128xi32, #tpu.memory_space<hbm>> -> memref<1x128xi32, #tpu.memory_space<hbm>>
          %dma_start3A_335 = tpu.memref_squeeze %dma_start3A_334 : memref<1x128xi32, #tpu.memory_space<hbm>> -> memref<128xi32, #tpu.memory_space<hbm>>
          tpu.enqueue_dma source(%arg15 : memref<128xi32, #tpu.memory_space<vmem>>) target(%dma_start3A_335 : memref<128xi32, #tpu.memory_space<hbm>>) target_semaphore(%run_scoped3A : memref<!tpu.dma_semaphore, #tpu.memory_space<semaphore_mem>>)
          %dma_wait3A = arith.constant 0 : i32
          %dma_wait3A_336 = tpu.memref_slice %arg7[%add3A_24, %dma_wait3A] : memref<1024x128xi32, #tpu.memory_space<hbm>> -> memref<1x128xi32, #tpu.memory_space<hbm>>
          %dma_wait3A_337 = tpu.memref_squeeze %dma_wait3A_336 : memref<1x128xi32, #tpu.memory_space<hbm>> -> memref<128xi32, #tpu.memory_space<hbm>>
          %dma_wait3A_338 = arith.constant 0 : i32
          %dma_wait3A_339 = tpu.memref_slice %arg7[%add3A_24, %dma_wait3A_338] : memref<1024x128xi32, #tpu.memory_space<hbm>> -> memref<1x128xi32, #tpu.memory_space<hbm>>
          %dma_wait3A_340 = tpu.memref_squeeze %dma_wait3A_339 : memref<1x128xi32, #tpu.memory_space<hbm>> -> memref<128xi32, #tpu.memory_space<hbm>>
          tpu.wait_dma2 semaphore(%run_scoped3A : memref<!tpu.dma_semaphore, #tpu.memory_space<semaphore_mem>>) src(%arg15 : memref<128xi32, #tpu.memory_space<vmem>>) dst(%dma_wait3A_340 : memref<128xi32, #tpu.memory_space<hbm>>)
          tpu.yield
        }) : () -> ()
      }
      %scan3A_18 = arith.constant 32 : i32
    } else {
    }
    %ge3A = arith.constant 16 : i32
    %ge3A_9 = arith.cmpi sge, %add3A, %ge3A : i32
    %convert_element_type3A_10 = arith.extui %ge3A_9 : i1 to i32
    %cond3A_11 = arith.constant 0 : i32
    %cond3A_12 = arith.cmpi ne, %convert_element_type3A_10, %cond3A_11 : i32
    scf.if %cond3A_12 {
      %sub3A = arith.constant 16 : i32
      %sub3A_13 = arith.subi %add3A, %sub3A : i32
      %scan3A_14 = arith.constant 0 : i32
      %scan3A_15 = arith.constant 0 : i32
      %scan3A_16 = arith.constant 32 : i32
      %scan3A_17 = arith.addi %scan3A_15, %scan3A_16 : i32
      %scan3A_18 = arith.constant 1 : i32
      scf.for %scan3A_20 = %scan3A_15 to %scan3A_17 step %scan3A_18  : i32 {
        %mul3A_21 = arith.constant 32 : i32
        %mul3A_22 = arith.muli %sub3A_13, %mul3A_21 : i32
        %add3A_23 = arith.constant 512 : i32
        %add3A_24 = arith.addi %add3A_23, %mul3A_22 : i32
        %add3A_25 = arith.addi %add3A_24, %scan3A_20 : i32
        %sub3A_26 = arith.constant 512 : i32
        %sub3A_27 = arith.subi %add3A_25, %sub3A_26 : i32
        "tpu.region"() ({
          %run_scoped3A = tpu.sem_alloc : memref<!tpu.dma_semaphore, #tpu.memory_space<semaphore_mem>>
          %dma_start3A = arith.constant 0 : i32
          %dma_start3A_333 = tpu.memref_slice %arg4[%add3A_25, %dma_start3A] : memref<1024x4096xf32, #tpu.memory_space<hbm>> -> memref<1x4096xf32, #tpu.memory_space<hbm>>
          %dma_start3A_334 = tpu.memref_squeeze %dma_start3A_333 : memref<1x4096xf32, #tpu.memory_space<hbm>> -> memref<4096xf32, #tpu.memory_space<hbm>>
          %dma_start3A_335 = arith.constant 0 : i32
          %dma_start3A_336 = tpu.memref_slice %arg4[%add3A_25, %dma_start3A_335] : memref<1024x4096xf32, #tpu.memory_space<hbm>> -> memref<1x4096xf32, #tpu.memory_space<hbm>>
          %dma_start3A_337 = tpu.memref_squeeze %dma_start3A_336 : memref<1x4096xf32, #tpu.memory_space<hbm>> -> memref<4096xf32, #tpu.memory_space<hbm>>
          tpu.enqueue_dma source(%dma_start3A_337 : memref<4096xf32, #tpu.memory_space<hbm>>) target(%arg8 : memref<4096xf32, #tpu.memory_space<vmem>>) target_semaphore(%run_scoped3A : memref<!tpu.dma_semaphore, #tpu.memory_space<semaphore_mem>>)
          %dma_wait3A = arith.constant 0 : i32
          %dma_wait3A_338 = tpu.memref_slice %arg4[%add3A_25, %dma_wait3A] : memref<1024x4096xf32, #tpu.memory_space<hbm>> -> memref<1x4096xf32, #tpu.memory_space<hbm>>
          %dma_wait3A_339 = tpu.memref_squeeze %dma_wait3A_338 : memref<1x4096xf32, #tpu.memory_space<hbm>> -> memref<4096xf32, #tpu.memory_space<hbm>>
          %dma_wait3A_340 = arith.constant 0 : i32
          %dma_wait3A_341 = tpu.memref_slice %arg4[%add3A_25, %dma_wait3A_340] : memref<1024x4096xf32, #tpu.memory_space<hbm>> -> memref<1x4096xf32, #tpu.memory_space<hbm>>
          %dma_wait3A_342 = tpu.memref_squeeze %dma_wait3A_341 : memref<1x4096xf32, #tpu.memory_space<hbm>> -> memref<4096xf32, #tpu.memory_space<hbm>>
          tpu.wait_dma2 semaphore(%run_scoped3A : memref<!tpu.dma_semaphore, #tpu.memory_space<semaphore_mem>>) src(%dma_wait3A_342 : memref<4096xf32, #tpu.memory_space<hbm>>) dst(%arg8 : memref<4096xf32, #tpu.memory_space<vmem>>)
          tpu.yield
        }) : () -> ()
        %jit3A = arith.constant 16 : i32
        %div3A = arith.divsi %add3A_25, %jit3A : i32
        %sign3A = arith.constant 0 : i32
        %sign3A_28 = arith.cmpi sgt, %add3A_25, %sign3A : i32
        %sign3A_29 = arith.extui %sign3A_28 : i1 to i32
        %sign3A_30 = arith.constant 0 : i32
        %sign3A_31 = arith.cmpi slt, %add3A_25, %sign3A_30 : i32
        %sign3A_32 = arith.extui %sign3A_31 : i1 to i32
        %sign3A_33 = arith.subi %sign3A_29, %sign3A_32 : i32
        %sign3A_34 = arith.constant 0 : i32
        %sign3A_35 = arith.cmpi sgt, %jit3A, %sign3A_34 : i32
        %sign3A_36 = arith.extui %sign3A_35 : i1 to i32
        %sign3A_37 = arith.constant 0 : i32
        %sign3A_38 = arith.cmpi slt, %jit3A, %sign3A_37 : i32
        %sign3A_39 = arith.extui %sign3A_38 : i1 to i32
        %sign3A_40 = arith.subi %sign3A_36, %sign3A_39 : i32
        %ne3A = arith.cmpi ne, %sign3A_33, %sign3A_40 : i32
        %rem3A = arith.remsi %add3A_25, %jit3A : i32
        %ne3A_41 = arith.constant 0 : i32
        %ne3A_42 = arith.cmpi ne, %rem3A, %ne3A_41 : i32
        %and3A = arith.andi %ne3A, %ne3A_42 : i1
        %sub3A_43 = arith.constant 1 : i32
        %sub3A_44 = arith.subi %div3A, %sub3A_43 : i32
        %select_n3A = arith.select %and3A, %sub3A_44, %div3A : i32
        %mul3A_45 = arith.constant 16 : i32
        %mul3A_46 = arith.muli %select_n3A, %mul3A_45 : i32
        %get3A = arith.index_cast %mul3A_46 : i32 to index
        %get3A_47 = tpu.vector_load %arg9[%get3A] {strides = array<i32>} : memref<1024xf32, #tpu.memory_space<vmem>>, vector<16xf32>,
        %jit3A_48 = arith.constant 16 : i32
        %eq3A = arith.constant 0 : i32
        %eq3A_49 = arith.cmpi eq, %jit3A_48, %eq3A : i32
        %jit3A_50 = arith.constant 1 : i32
        %select_n3A_51 = arith.select %eq3A_49, %jit3A_50, %jit3A_48 : i32
        %rem3A_52 = arith.remsi %add3A_25, %select_n3A_51 : i32
        %ne3A_53 = arith.constant 0 : i32
        %ne3A_54 = arith.cmpi ne, %rem3A_52, %ne3A_53 : i32
        %lt3A_55 = arith.constant 0 : i32
        %lt3A_56 = arith.cmpi slt, %rem3A_52, %lt3A_55 : i32
        %lt3A_57 = arith.constant 0 : i32
        %lt3A_58 = arith.cmpi slt, %select_n3A_51, %lt3A_57 : i32
        %ne3A_59 = arith.xori %lt3A_56, %lt3A_58 : i1
        %and3A_60 = arith.andi %ne3A_59, %ne3A_54 : i1
        %add3A_61 = arith.addi %rem3A_52, %select_n3A_51 : i32
        %select_n3A_62 = arith.select %and3A_60, %add3A_61, %rem3A_52 : i32
        %eq3A_63 = vector.broadcast %select_n3A_62 : i32 to vector<16xi32>
        %eq3A_64 = arith.cmpi eq, %iota3A, %eq3A_63 : vector<16xi32>
        %jit3A_65 = arith.constant 0.000000e+00 : f32
        %broadcast_in_dim3A_66 = vector.broadcast %jit3A_65 : f32 to vector<16xf32>
        %select_n3A_67 = arith.select %eq3A_64, %get3A_47, %broadcast_in_dim3A_66 : vector<16xi1>, vector<16xf32>
        %reduce_sum3A = arith.constant true
        %reduce_sum3A_68 = vector.broadcast %reduce_sum3A : i1 to vector<16xi1>
        %reduce_sum3A_69 = tpu.scan <sum>, %select_n3A_67 masked %reduce_sum3A_68 : vector<16xf32>, vector<16xi1> -> vector<16xf32>
        %reduce_sum3A_70 = vector.extract %reduce_sum3A_69[15] : f32 from vector<16xf32>
        %broadcast_in_dim3A_71 = arith.constant -3.40282347E+38 : f32
        %broadcast_in_dim3A_72 = vector.broadcast %broadcast_in_dim3A_71 : f32 to vector<16xf32>
        %swap3A = arith.constant 0 : index
        %swap3A_73 = tpu.vector_load %arg12[%swap3A] {strides = array<i32>} : memref<4096xf32, #tpu.memory_space<vmem>>, vector<16xf32>,
        tpu.vector_store %arg12[%swap3A], %broadcast_in_dim3A_72 {strides = array<i32>} : memref<4096xf32, #tpu.memory_space<vmem>>, vector<16xf32>,
        %broadcast_in_dim3A_74 = arith.constant -3.40282347E+38 : f32
        %broadcast_in_dim3A_75 = vector.broadcast %broadcast_in_dim3A_74 : f32 to vector<16xf32>
        %swap3A_76 = arith.constant 16 : index
        %swap3A_77 = tpu.vector_load %arg12[%swap3A_76] {strides = array<i32>} : memref<4096xf32, #tpu.memory_space<vmem>>, vector<16xf32>,
        tpu.vector_store %arg12[%swap3A_76], %broadcast_in_dim3A_75 {strides = array<i32>} : memref<4096xf32, #tpu.memory_space<vmem>>, vector<16xf32>,
        %broadcast_in_dim3A_78 = arith.constant -3.40282347E+38 : f32
        %broadcast_in_dim3A_79 = vector.broadcast %broadcast_in_dim3A_78 : f32 to vector<16xf32>
        %swap3A_80 = arith.constant 32 : index
        %swap3A_81 = tpu.vector_load %arg12[%swap3A_80] {strides = array<i32>} : memref<4096xf32, #tpu.memory_space<vmem>>, vector<16xf32>,
        tpu.vector_store %arg12[%swap3A_80], %broadcast_in_dim3A_79 {strides = array<i32>} : memref<4096xf32, #tpu.memory_space<vmem>>, vector<16xf32>,
        %broadcast_in_dim3A_82 = arith.constant -3.40282347E+38 : f32
        %broadcast_in_dim3A_83 = vector.broadcast %broadcast_in_dim3A_82 : f32 to vector<16xf32>
        %swap3A_84 = arith.constant 48 : index
        %swap3A_85 = tpu.vector_load %arg12[%swap3A_84] {strides = array<i32>} : memref<4096xf32, #tpu.memory_space<vmem>>, vector<16xf32>,
        tpu.vector_store %arg12[%swap3A_84], %broadcast_in_dim3A_83 {strides = array<i32>} : memref<4096xf32, #tpu.memory_space<vmem>>, vector<16xf32>,
        %broadcast_in_dim3A_86 = arith.constant -3.40282347E+38 : f32
        %broadcast_in_dim3A_87 = vector.broadcast %broadcast_in_dim3A_86 : f32 to vector<16xf32>
        %swap3A_88 = arith.constant 64 : index
        %swap3A_89 = tpu.vector_load %arg12[%swap3A_88] {strides = array<i32>} : memref<4096xf32, #tpu.memory_space<vmem>>, vector<16xf32>,
        tpu.vector_store %arg12[%swap3A_88], %broadcast_in_dim3A_87 {strides = array<i32>} : memref<4096xf32, #tpu.memory_space<vmem>>, vector<16xf32>,
        %broadcast_in_dim3A_90 = arith.constant -3.40282347E+38 : f32
        %broadcast_in_dim3A_91 = vector.broadcast %broadcast_in_dim3A_90 : f32 to vector<16xf32>
        %swap3A_92 = arith.constant 80 : index
        %swap3A_93 = tpu.vector_load %arg12[%swap3A_92] {strides = array<i32>} : memref<4096xf32, #tpu.memory_space<vmem>>, vector<16xf32>,
        tpu.vector_store %arg12[%swap3A_92], %broadcast_in_dim3A_91 {strides = array<i32>} : memref<4096xf32, #tpu.memory_space<vmem>>, vector<16xf32>,
        %broadcast_in_dim3A_94 = arith.constant -3.40282347E+38 : f32
        %broadcast_in_dim3A_95 = vector.broadcast %broadcast_in_dim3A_94 : f32 to vector<16xf32>
        %swap3A_96 = arith.constant 96 : index
        %swap3A_97 = tpu.vector_load %arg12[%swap3A_96] {strides = array<i32>} : memref<4096xf32, #tpu.memory_space<vmem>>, vector<16xf32>,
        tpu.vector_store %arg12[%swap3A_96], %broadcast_in_dim3A_95 {strides = array<i32>} : memref<4096xf32, #tpu.memory_space<vmem>>, vector<16xf32>,
        %broadcast_in_dim3A_98 = arith.constant -3.40282347E+38 : f32
        %broadcast_in_dim3A_99 = vector.broadcast %broadcast_in_dim3A_98 : f32 to vector<16xf32>
        %swap3A_100 = arith.constant 112 : index
        %swap3A_101 = tpu.vector_load %arg12[%swap3A_100] {strides = array<i32>} : memref<4096xf32, #tpu.memory_space<vmem>>, vector<16xf32>,
        tpu.vector_store %arg12[%swap3A_100], %broadcast_in_dim3A_99 {strides = array<i32>} : memref<4096xf32, #tpu.memory_space<vmem>>, vector<16xf32>,
        %broadcast_in_dim3A_102 = arith.constant -3.40282347E+38 : f32
        %broadcast_in_dim3A_103 = vector.broadcast %broadcast_in_dim3A_102 : f32 to vector<16xf32>
        %swap3A_104 = arith.constant 128 : index
        %swap3A_105 = tpu.vector_load %arg12[%swap3A_104] {strides = array<i32>} : memref<4096xf32, #tpu.memory_space<vmem>>, vector<16xf32>,
        tpu.vector_store %arg12[%swap3A_104], %broadcast_in_dim3A_103 {strides = array<i32>} : memref<4096xf32, #tpu.memory_space<vmem>>, vector<16xf32>,
        %broadcast_in_dim3A_106 = arith.constant -3.40282347E+38 : f32
        %broadcast_in_dim3A_107 = vector.broadcast %broadcast_in_dim3A_106 : f32 to vector<16xf32>
        %swap3A_108 = arith.constant 144 : index
        %swap3A_109 = tpu.vector_load %arg12[%swap3A_108] {strides = array<i32>} : memref<4096xf32, #tpu.memory_space<vmem>>, vector<16xf32>,
        tpu.vector_store %arg12[%swap3A_108], %broadcast_in_dim3A_107 {strides = array<i32>} : memref<4096xf32, #tpu.memory_space<vmem>>, vector<16xf32>,
        %broadcast_in_dim3A_110 = arith.constant -3.40282347E+38 : f32
        %broadcast_in_dim3A_111 = vector.broadcast %broadcast_in_dim3A_110 : f32 to vector<16xf32>
        %swap3A_112 = arith.constant 160 : index
        %swap3A_113 = tpu.vector_load %arg12[%swap3A_112] {strides = array<i32>} : memref<4096xf32, #tpu.memory_space<vmem>>, vector<16xf32>,
        tpu.vector_store %arg12[%swap3A_112], %broadcast_in_dim3A_111 {strides = array<i32>} : memref<4096xf32, #tpu.memory_space<vmem>>, vector<16xf32>,
        %broadcast_in_dim3A_114 = arith.constant -3.40282347E+38 : f32
        %broadcast_in_dim3A_115 = vector.broadcast %broadcast_in_dim3A_114 : f32 to vector<16xf32>
        %swap3A_116 = arith.constant 176 : index
        %swap3A_117 = tpu.vector_load %arg12[%swap3A_116] {strides = array<i32>} : memref<4096xf32, #tpu.memory_space<vmem>>, vector<16xf32>,
        tpu.vector_store %arg12[%swap3A_116], %broadcast_in_dim3A_115 {strides = array<i32>} : memref<4096xf32, #tpu.memory_space<vmem>>, vector<16xf32>,
        %broadcast_in_dim3A_118 = arith.constant -3.40282347E+38 : f32
        %broadcast_in_dim3A_119 = vector.broadcast %broadcast_in_dim3A_118 : f32 to vector<16xf32>
        %swap3A_120 = arith.constant 192 : index
        %swap3A_121 = tpu.vector_load %arg12[%swap3A_120] {strides = array<i32>} : memref<4096xf32, #tpu.memory_space<vmem>>, vector<16xf32>,
        tpu.vector_store %arg12[%swap3A_120], %broadcast_in_dim3A_119 {strides = array<i32>} : memref<4096xf32, #tpu.memory_space<vmem>>, vector<16xf32>,
        %broadcast_in_dim3A_122 = arith.constant -3.40282347E+38 : f32
        %broadcast_in_dim3A_123 = vector.broadcast %broadcast_in_dim3A_122 : f32 to vector<16xf32>
        %swap3A_124 = arith.constant 208 : index
        %swap3A_125 = tpu.vector_load %arg12[%swap3A_124] {strides = array<i32>} : memref<4096xf32, #tpu.memory_space<vmem>>, vector<16xf32>,
        tpu.vector_store %arg12[%swap3A_124], %broadcast_in_dim3A_123 {strides = array<i32>} : memref<4096xf32, #tpu.memory_space<vmem>>, vector<16xf32>,
        %broadcast_in_dim3A_126 = arith.constant -3.40282347E+38 : f32
        %broadcast_in_dim3A_127 = vector.broadcast %broadcast_in_dim3A_126 : f32 to vector<16xf32>
        %swap3A_128 = arith.constant 224 : index
        %swap3A_129 = tpu.vector_load %arg12[%swap3A_128] {strides = array<i32>} : memref<4096xf32, #tpu.memory_space<vmem>>, vector<16xf32>,
        tpu.vector_store %arg12[%swap3A_128], %broadcast_in_dim3A_127 {strides = array<i32>} : memref<4096xf32, #tpu.memory_space<vmem>>, vector<16xf32>,
        %broadcast_in_dim3A_130 = arith.constant -3.40282347E+38 : f32
        %broadcast_in_dim3A_131 = vector.broadcast %broadcast_in_dim3A_130 : f32 to vector<16xf32>
        %swap3A_132 = arith.constant 240 : index
        %swap3A_133 = tpu.vector_load %arg12[%swap3A_132] {strides = array<i32>} : memref<4096xf32, #tpu.memory_space<vmem>>, vector<16xf32>,
        tpu.vector_store %arg12[%swap3A_132], %broadcast_in_dim3A_131 {strides = array<i32>} : memref<4096xf32, #tpu.memory_space<vmem>>, vector<16xf32>,
        %scan3A_134 = arith.constant 0 : i32
        %scan3A_135 = arith.constant 256 : i32
        %scan3A_136 = arith.addi %scan3A_134, %scan3A_135 : i32
        %scan3A_137 = arith.constant 1 : i32
        %scan3A_138 = scf.for %scan3A_333 = %scan3A_134 to %scan3A_136 step %scan3A_137 iter_args(%scan3A_334 = %broadcast_in_dim3A_1) -> (vector<16xi32>)  : i32 {
          %mul3A_335 = arith.constant 16 : i32
          %mul3A_336 = arith.muli %scan3A_333, %mul3A_335 : i32
          %get3A_337 = arith.index_cast %mul3A_336 : i32 to index
          %get3A_338 = tpu.vector_load %arg8[%get3A_337] {strides = array<i32>} : memref<4096xf32, #tpu.memory_space<vmem>>, vector<16xf32>,
          %ge3A_339 = vector.broadcast %reduce_sum3A_70 : f32 to vector<16xf32>
          %ge3A_340 = arith.cmpf oge, %get3A_338, %ge3A_339 : vector<16xf32>
          %convert_element_type3A_341 = arith.extui %ge3A_340 : vector<16xi1> to vector<16xi32>
          %broadcast_in_dim3A_342 = arith.constant true
          %broadcast_in_dim3A_343 = vector.broadcast %broadcast_in_dim3A_342 : i1 to vector<16xi1>
          %masked_cumsum3A = tpu.scan <sum>, %convert_element_type3A_341 masked %broadcast_in_dim3A_343 : vector<16xi32>, vector<16xi1> -> vector<16xi32>
          %add3A_344 = arith.addi %scan3A_334, %masked_cumsum3A : vector<16xi32>
          %sub3A_345 = arith.constant 1 : i32
          %sub3A_346 = vector.broadcast %sub3A_345 : i32 to vector<16xi32>
          %sub3A_347 = arith.subi %add3A_344, %sub3A_346 : vector<16xi32>
          %min3A_348 = arith.constant 511 : i32
          %min3A_349 = vector.broadcast %min3A_348 : i32 to vector<16xi32>
          %min3A_350 = arith.minsi %sub3A_347, %min3A_349 : vector<16xi32>
          %mul3A_351 = arith.constant 4096 : i32
          %mul3A_352 = arith.muli %sub3A_27, %mul3A_351 : i32
          %mul3A_353 = arith.constant 16 : i32
          %mul3A_354 = arith.muli %scan3A_333, %mul3A_353 : i32
          %add3A_355 = arith.addi %mul3A_352, %mul3A_354 : i32
          %add3A_356 = vector.broadcast %add3A_355 : i32 to vector<16xi32>
          %add3A_357 = arith.addi %add3A_356, %iota3A : vector<16xi32>
          tpu.vector_store_idx %arg10[%min3A_350], %add3A_357 masked %ge3A_340 : memref<512xi32, #tpu.memory_space<vmem>>[vector<16xi32>], vector<16xi32>, vector<16xi1>
          %all_reduce_population_count3A = tpu.all_reduce %ge3A_340 {dim = 0 : i64, kind = #tpu.reduction_kind<sum>} : vector<16xi1> -> vector<16xi32>
          %add3A_358 = arith.addi %scan3A_334, %all_reduce_population_count3A : vector<16xi32>
          scf.yield %add3A_358 : vector<16xi32>
        }
        %scan3A_139 = arith.constant 256 : i32
        %reduce_max3A = arith.constant true
        %reduce_max3A_140 = vector.broadcast %reduce_max3A : i1 to vector<16xi1>
        %reduce_max3A_141 = arith.constant -2147483648 : i32
        %reduce_max3A_142 = vector.broadcast %reduce_max3A_141 : i32 to vector<16xi32>
        %reduce_max3A_143 = arith.xori %scan3A_138, %reduce_max3A_142 : vector<16xi32>
        %reduce_max3A_144 = tpu.scan <max>, %reduce_max3A_143 masked %reduce_max3A_140 : vector<16xi32>, vector<16xi1> -> vector<16xi32>
        %reduce_max3A_145 = arith.xori %reduce_max3A_144, %reduce_max3A_142 : vector<16xi32>
        %reduce_max3A_146 = vector.extract %reduce_max3A_145[15] : i32 from vector<16xi32>
        %min3A = arith.constant 512 : i32
        %min3A_147 = arith.minsi %reduce_max3A_146, %min3A : i32
        %while3A = arith.constant 0 : i32
        %while3A_148:2 = scf.while (%while3A_333 = %while3A, %while3A_334 = %broadcast_in_dim3A_1) : (i32, vector<16xi32>) -> (i32, vector<16xi32>) {
          %mul3A_335 = arith.constant 128 : i32
          %mul3A_336 = arith.muli %while3A_333, %mul3A_335 : i32
          %lt3A_337 = arith.cmpi slt, %mul3A_336, %min3A_147 : i32
          scf.condition(%lt3A_337) %while3A_333, %while3A_334 : i32, vector<16xi32>
        } do {
        ^bb0(%while3A_333: i32, %while3A_334: vector<16xi32>):
          %mul3A_335 = arith.constant 128 : i32
          %mul3A_336 = arith.muli %while3A_333, %mul3A_335 : i32
          %dma_start3A = tpu.memref_slice %arg10[%mul3A_336] : memref<512xi32, #tpu.memory_space<vmem>> -> memref<128xi32, #tpu.memory_space<vmem>>
          %dma_start3A_337 = arith.constant 0 : i32
          %dma_start3A_338 = arith.constant 0 : i32
          %dma_start3A_339 = tpu.memref_slice %arg3[%dma_start3A_337, %dma_start3A_338] : memref<2097152x256xf32, #tpu.memory_space<hbm>> -> memref<2097152x256xf32, #tpu.memory_space<hbm>>
          tpu.enqueue_indirect_dma source(%dma_start3A_339 : memref<2097152x256xf32, #tpu.memory_space<hbm>>) target(%arg11 : memref<128x256xf32, #tpu.memory_space<vmem>>) offsets(%dma_start3A : memref<128xi32, #tpu.memory_space<vmem>>) semaphore(%arg16 : memref<!tpu.dma_semaphore, #tpu.memory_space<semaphore_mem>>)
          %dma_wait3A = tpu.memref_slice %arg10[%mul3A_336] : memref<512xi32, #tpu.memory_space<vmem>> -> memref<128xi32, #tpu.memory_space<vmem>>
          %dma_wait3A_340 = arith.constant 0 : i32
          %dma_wait3A_341 = arith.constant 0 : i32
          %dma_wait3A_342 = tpu.memref_slice %arg3[%dma_wait3A_340, %dma_wait3A_341] : memref<2097152x256xf32, #tpu.memory_space<hbm>> -> memref<2097152x256xf32, #tpu.memory_space<hbm>>
          tpu.wait_indirect_dma semaphore(%arg16 : memref<!tpu.dma_semaphore, #tpu.memory_space<semaphore_mem>>) src(%dma_wait3A_342 : memref<2097152x256xf32, #tpu.memory_space<hbm>>) dst(%arg11 : memref<128x256xf32, #tpu.memory_space<vmem>>)
          %mul3A_343 = arith.constant 128 : i32
          %mul3A_344 = arith.muli %while3A_333, %mul3A_343 : i32
          %sub3A_345 = arith.subi %min3A_147, %mul3A_344 : i32
          %min3A_346 = arith.constant 128 : i32
          %min3A_347 = arith.minsi %sub3A_345, %min3A_346 : i32
          %while3A_348 = arith.constant 0 : i32
          %while3A_349 = arith.subi %min3A_347, %while3A_348 : i32
          %while3A_350 = arith.addi %while3A_348, %while3A_349 : i32
          %while3A_351 = arith.constant 1 : i32
          %while3A_352 = arith.divsi %while3A_349, %while3A_351 : i32
          %while3A_353 = arith.muli %while3A_352, %while3A_351 : i32
          %while3A_354 = arith.addi %while3A_348, %while3A_353 : i32
          %while3A_355 = arith.constant 1 : i32
          %while3A_356 = scf.for %while3A_361 = %while3A_348 to %while3A_354 step %while3A_355 iter_args(%while3A_362 = %while3A_334) -> (vector<16xi32>)  : i32 {
            %mul3A_363 = arith.constant 128 : i32
            %mul3A_364 = arith.muli %while3A_333, %mul3A_363 : i32
            %add3A_365 = arith.addi %mul3A_364, %while3A_361 : i32
            %jit3A_366 = arith.constant 16 : i32
            %div3A_367 = arith.divsi %add3A_365, %jit3A_366 : i32
            %sign3A_368 = arith.constant 0 : i32
            %sign3A_369 = arith.cmpi sgt, %add3A_365, %sign3A_368 : i32
            %sign3A_370 = arith.extui %sign3A_369 : i1 to i32
            %sign3A_371 = arith.constant 0 : i32
            %sign3A_372 = arith.cmpi slt, %add3A_365, %sign3A_371 : i32
            %sign3A_373 = arith.extui %sign3A_372 : i1 to i32
            %sign3A_374 = arith.subi %sign3A_370, %sign3A_373 : i32
            %sign3A_375 = arith.constant 0 : i32
            %sign3A_376 = arith.cmpi sgt, %jit3A_366, %sign3A_375 : i32
            %sign3A_377 = arith.extui %sign3A_376 : i1 to i32
            %sign3A_378 = arith.constant 0 : i32
            %sign3A_379 = arith.cmpi slt, %jit3A_366, %sign3A_378 : i32
            %sign3A_380 = arith.extui %sign3A_379 : i1 to i32
            %sign3A_381 = arith.subi %sign3A_377, %sign3A_380 : i32
            %ne3A_382 = arith.cmpi ne, %sign3A_374, %sign3A_381 : i32
            %rem3A_383 = arith.remsi %add3A_365, %jit3A_366 : i32
            %ne3A_384 = arith.constant 0 : i32
            %ne3A_385 = arith.cmpi ne, %rem3A_383, %ne3A_384 : i32
            %and3A_386 = arith.andi %ne3A_382, %ne3A_385 : i1
            %sub3A_387 = arith.constant 1 : i32
            %sub3A_388 = arith.subi %div3A_367, %sub3A_387 : i32
            %select_n3A_389 = arith.select %and3A_386, %sub3A_388, %div3A_367 : i32
            %mul3A_390 = arith.constant 16 : i32
            %mul3A_391 = arith.muli %select_n3A_389, %mul3A_390 : i32
            %get3A_392 = arith.index_cast %mul3A_391 : i32 to index
            %get3A_393 = tpu.vector_load %arg10[%get3A_392] {strides = array<i32>} : memref<512xi32, #tpu.memory_space<vmem>>, vector<16xi32>,
            %jit3A_394 = arith.constant 16 : i32
            %eq3A_395 = arith.constant 0 : i32
            %eq3A_396 = arith.cmpi eq, %jit3A_394, %eq3A_395 : i32
            %jit3A_397 = arith.constant 1 : i32
            %select_n3A_398 = arith.select %eq3A_396, %jit3A_397, %jit3A_394 : i32
            %rem3A_399 = arith.remsi %add3A_365, %select_n3A_398 : i32
            %ne3A_400 = arith.constant 0 : i32
            %ne3A_401 = arith.cmpi ne, %rem3A_399, %ne3A_400 : i32
            %lt3A_402 = arith.constant 0 : i32
            %lt3A_403 = arith.cmpi slt, %rem3A_399, %lt3A_402 : i32
            %lt3A_404 = arith.constant 0 : i32
            %lt3A_405 = arith.cmpi slt, %select_n3A_398, %lt3A_404 : i32
            %ne3A_406 = arith.xori %lt3A_403, %lt3A_405 : i1
            %and3A_407 = arith.andi %ne3A_406, %ne3A_401 : i1
            %add3A_408 = arith.addi %rem3A_399, %select_n3A_398 : i32
            %select_n3A_409 = arith.select %and3A_407, %add3A_408, %rem3A_399 : i32
            %eq3A_410 = vector.broadcast %select_n3A_409 : i32 to vector<16xi32>
            %eq3A_411 = arith.cmpi eq, %iota3A, %eq3A_410 : vector<16xi32>
            %jit3A_412 = arith.constant 0 : i32
            %broadcast_in_dim3A_413 = vector.broadcast %jit3A_412 : i32 to vector<16xi32>
            %select_n3A_414 = arith.select %eq3A_411, %get3A_393, %broadcast_in_dim3A_413 : vector<16xi1>, vector<16xi32>
            %reduce_sum3A_415 = arith.constant true
            %reduce_sum3A_416 = vector.broadcast %reduce_sum3A_415 : i1 to vector<16xi1>
            %reduce_sum3A_417 = tpu.scan <sum>, %select_n3A_414 masked %reduce_sum3A_416 : vector<16xi32>, vector<16xi1> -> vector<16xi32>
            %reduce_sum3A_418 = vector.extract %reduce_sum3A_417[15] : i32 from vector<16xi32>
            %mul3A_419 = arith.constant 4096 : i32
            %mul3A_420 = arith.muli %sub3A_27, %mul3A_419 : i32
            %sub3A_421 = arith.subi %reduce_sum3A_418, %mul3A_420 : i32
            %mul3A_422 = arith.constant 256 : i32
            %mul3A_423 = arith.muli %sub3A_421, %mul3A_422 : i32
            %scan3A_424 = arith.constant 0 : i32
            %scan3A_425 = arith.constant 16 : i32
            %scan3A_426 = arith.addi %scan3A_424, %scan3A_425 : i32
            %scan3A_427 = arith.constant 1 : i32
            %scan3A_428 = scf.for %scan3A_430 = %scan3A_424 to %scan3A_426 step %scan3A_427 iter_args(%scan3A_431 = %while3A_362) -> (vector<16xi32>)  : i32 {
              %mul3A_432 = arith.constant 16 : i32
              %mul3A_433 = arith.muli %scan3A_430, %mul3A_432 : i32
              %get3A_434 = arith.index_cast %while3A_361 : i32 to index
              %get3A_435 = arith.index_cast %mul3A_433 : i32 to index
              %get3A_436 = tpu.vector_load %arg11[%get3A_434, %get3A_435] {strides = array<i32>} : memref<128x256xf32, #tpu.memory_space<vmem>>, vector<16xf32>,
              %ge3A_437 = vector.broadcast %reduce_sum3A_70 : f32 to vector<16xf32>
              %ge3A_438 = arith.cmpf oge, %get3A_436, %ge3A_437 : vector<16xf32>
              %convert_element_type3A_439 = arith.extui %ge3A_438 : vector<16xi1> to vector<16xi32>
              %broadcast_in_dim3A_440 = arith.constant true
              %broadcast_in_dim3A_441 = vector.broadcast %broadcast_in_dim3A_440 : i1 to vector<16xi1>
              %masked_cumsum3A = tpu.scan <sum>, %convert_element_type3A_439 masked %broadcast_in_dim3A_441 : vector<16xi32>, vector<16xi1> -> vector<16xi32>
              %add3A_442 = arith.addi %scan3A_431, %masked_cumsum3A : vector<16xi32>
              %sub3A_443 = arith.constant 1 : i32
              %sub3A_444 = vector.broadcast %sub3A_443 : i32 to vector<16xi32>
              %sub3A_445 = arith.subi %add3A_442, %sub3A_444 : vector<16xi32>
              %min3A_446 = arith.constant 4079 : i32
              %min3A_447 = vector.broadcast %min3A_446 : i32 to vector<16xi32>
              %min3A_448 = arith.minsi %sub3A_445, %min3A_447 : vector<16xi32>
              tpu.vector_store_idx %arg12[%min3A_448], %get3A_436 masked %ge3A_438 : memref<4096xf32, #tpu.memory_space<vmem>>[vector<16xi32>], vector<16xf32>, vector<16xi1>
              %mul3A_449 = arith.constant 16 : i32
              %mul3A_450 = arith.muli %scan3A_430, %mul3A_449 : i32
              %add3A_451 = arith.addi %mul3A_423, %mul3A_450 : i32
              %add3A_452 = vector.broadcast %add3A_451 : i32 to vector<16xi32>
              %add3A_453 = arith.addi %add3A_452, %iota3A : vector<16xi32>
              tpu.vector_store_idx %arg13[%min3A_448], %add3A_453 masked %ge3A_438 : memref<4096xi32, #tpu.memory_space<vmem>>[vector<16xi32>], vector<16xi32>, vector<16xi1>
              %all_reduce_population_count3A = tpu.all_reduce %ge3A_438 {dim = 0 : i64, kind = #tpu.reduction_kind<sum>} : vector<16xi1> -> vector<16xi32>
              %add3A_454 = arith.addi %scan3A_431, %all_reduce_population_count3A : vector<16xi32>
              scf.yield %add3A_454 : vector<16xi32>
            }
            %scan3A_429 = arith.constant 16 : i32
            scf.yield %scan3A_428 : vector<16xi32>
          }
          %while3A_357 = arith.constant 1 : i32
          %while3A_358 = scf.for %while3A_361 = %while3A_354 to %while3A_350 step %while3A_357 iter_args(%while3A_362 = %while3A_356) -> (vector<16xi32>)  : i32 {
            %mul3A_363 = arith.constant 128 : i32
            %mul3A_364 = arith.muli %while3A_333, %mul3A_363 : i32
            %add3A_365 = arith.addi %mul3A_364, %while3A_361 : i32
            %jit3A_366 = arith.constant 16 : i32
            %div3A_367 = arith.divsi %add3A_365, %jit3A_366 : i32
            %sign3A_368 = arith.constant 0 : i32
            %sign3A_369 = arith.cmpi sgt, %add3A_365, %sign3A_368 : i32
            %sign3A_370 = arith.extui %sign3A_369 : i1 to i32
            %sign3A_371 = arith.constant 0 : i32
            %sign3A_372 = arith.cmpi slt, %add3A_365, %sign3A_371 : i32
            %sign3A_373 = arith.extui %sign3A_372 : i1 to i32
            %sign3A_374 = arith.subi %sign3A_370, %sign3A_373 : i32
            %sign3A_375 = arith.constant 0 : i32
            %sign3A_376 = arith.cmpi sgt, %jit3A_366, %sign3A_375 : i32
            %sign3A_377 = arith.extui %sign3A_376 : i1 to i32
            %sign3A_378 = arith.constant 0 : i32
            %sign3A_379 = arith.cmpi slt, %jit3A_366, %sign3A_378 : i32
            %sign3A_380 = arith.extui %sign3A_379 : i1 to i32
            %sign3A_381 = arith.subi %sign3A_377, %sign3A_380 : i32
            %ne3A_382 = arith.cmpi ne, %sign3A_374, %sign3A_381 : i32
            %rem3A_383 = arith.remsi %add3A_365, %jit3A_366 : i32
            %ne3A_384 = arith.constant 0 : i32
            %ne3A_385 = arith.cmpi ne, %rem3A_383, %ne3A_384 : i32
            %and3A_386 = arith.andi %ne3A_382, %ne3A_385 : i1
            %sub3A_387 = arith.constant 1 : i32
            %sub3A_388 = arith.subi %div3A_367, %sub3A_387 : i32
            %select_n3A_389 = arith.select %and3A_386, %sub3A_388, %div3A_367 : i32
            %mul3A_390 = arith.constant 16 : i32
            %mul3A_391 = arith.muli %select_n3A_389, %mul3A_390 : i32
            %get3A_392 = arith.index_cast %mul3A_391 : i32 to index
            %get3A_393 = tpu.vector_load %arg10[%get3A_392] {strides = array<i32>} : memref<512xi32, #tpu.memory_space<vmem>>, vector<16xi32>,
            %jit3A_394 = arith.constant 16 : i32
            %eq3A_395 = arith.constant 0 : i32
            %eq3A_396 = arith.cmpi eq, %jit3A_394, %eq3A_395 : i32
            %jit3A_397 = arith.constant 1 : i32
            %select_n3A_398 = arith.select %eq3A_396, %jit3A_397, %jit3A_394 : i32
            %rem3A_399 = arith.remsi %add3A_365, %select_n3A_398 : i32
            %ne3A_400 = arith.constant 0 : i32
            %ne3A_401 = arith.cmpi ne, %rem3A_399, %ne3A_400 : i32
            %lt3A_402 = arith.constant 0 : i32
            %lt3A_403 = arith.cmpi slt, %rem3A_399, %lt3A_402 : i32
            %lt3A_404 = arith.constant 0 : i32
            %lt3A_405 = arith.cmpi slt, %select_n3A_398, %lt3A_404 : i32
            %ne3A_406 = arith.xori %lt3A_403, %lt3A_405 : i1
            %and3A_407 = arith.andi %ne3A_406, %ne3A_401 : i1
            %add3A_408 = arith.addi %rem3A_399, %select_n3A_398 : i32
            %select_n3A_409 = arith.select %and3A_407, %add3A_408, %rem3A_399 : i32
            %eq3A_410 = vector.broadcast %select_n3A_409 : i32 to vector<16xi32>
            %eq3A_411 = arith.cmpi eq, %iota3A, %eq3A_410 : vector<16xi32>
            %jit3A_412 = arith.constant 0 : i32
            %broadcast_in_dim3A_413 = vector.broadcast %jit3A_412 : i32 to vector<16xi32>
            %select_n3A_414 = arith.select %eq3A_411, %get3A_393, %broadcast_in_dim3A_413 : vector<16xi1>, vector<16xi32>
            %reduce_sum3A_415 = arith.constant true
            %reduce_sum3A_416 = vector.broadcast %reduce_sum3A_415 : i1 to vector<16xi1>
            %reduce_sum3A_417 = tpu.scan <sum>, %select_n3A_414 masked %reduce_sum3A_416 : vector<16xi32>, vector<16xi1> -> vector<16xi32>
            %reduce_sum3A_418 = vector.extract %reduce_sum3A_417[15] : i32 from vector<16xi32>
            %mul3A_419 = arith.constant 4096 : i32
            %mul3A_420 = arith.muli %sub3A_27, %mul3A_419 : i32
            %sub3A_421 = arith.subi %reduce_sum3A_418, %mul3A_420 : i32
            %mul3A_422 = arith.constant 256 : i32
            %mul3A_423 = arith.muli %sub3A_421, %mul3A_422 : i32
            %scan3A_424 = arith.constant 0 : i32
            %scan3A_425 = arith.constant 16 : i32
            %scan3A_426 = arith.addi %scan3A_424, %scan3A_425 : i32
            %scan3A_427 = arith.constant 1 : i32
            %scan3A_428 = scf.for %scan3A_430 = %scan3A_424 to %scan3A_426 step %scan3A_427 iter_args(%scan3A_431 = %while3A_362) -> (vector<16xi32>)  : i32 {
              %mul3A_432 = arith.constant 16 : i32
              %mul3A_433 = arith.muli %scan3A_430, %mul3A_432 : i32
              %get3A_434 = arith.index_cast %while3A_361 : i32 to index
              %get3A_435 = arith.index_cast %mul3A_433 : i32 to index
              %get3A_436 = tpu.vector_load %arg11[%get3A_434, %get3A_435] {strides = array<i32>} : memref<128x256xf32, #tpu.memory_space<vmem>>, vector<16xf32>,
              %ge3A_437 = vector.broadcast %reduce_sum3A_70 : f32 to vector<16xf32>
              %ge3A_438 = arith.cmpf oge, %get3A_436, %ge3A_437 : vector<16xf32>
              %convert_element_type3A_439 = arith.extui %ge3A_438 : vector<16xi1> to vector<16xi32>
              %broadcast_in_dim3A_440 = arith.constant true
              %broadcast_in_dim3A_441 = vector.broadcast %broadcast_in_dim3A_440 : i1 to vector<16xi1>
              %masked_cumsum3A = tpu.scan <sum>, %convert_element_type3A_439 masked %broadcast_in_dim3A_441 : vector<16xi32>, vector<16xi1> -> vector<16xi32>
              %add3A_442 = arith.addi %scan3A_431, %masked_cumsum3A : vector<16xi32>
              %sub3A_443 = arith.constant 1 : i32
              %sub3A_444 = vector.broadcast %sub3A_443 : i32 to vector<16xi32>
              %sub3A_445 = arith.subi %add3A_442, %sub3A_444 : vector<16xi32>
              %min3A_446 = arith.constant 4079 : i32
              %min3A_447 = vector.broadcast %min3A_446 : i32 to vector<16xi32>
              %min3A_448 = arith.minsi %sub3A_445, %min3A_447 : vector<16xi32>
              tpu.vector_store_idx %arg12[%min3A_448], %get3A_436 masked %ge3A_438 : memref<4096xf32, #tpu.memory_space<vmem>>[vector<16xi32>], vector<16xf32>, vector<16xi1>
              %mul3A_449 = arith.constant 16 : i32
              %mul3A_450 = arith.muli %scan3A_430, %mul3A_449 : i32
              %add3A_451 = arith.addi %mul3A_423, %mul3A_450 : i32
              %add3A_452 = vector.broadcast %add3A_451 : i32 to vector<16xi32>
              %add3A_453 = arith.addi %add3A_452, %iota3A : vector<16xi32>
              tpu.vector_store_idx %arg13[%min3A_448], %add3A_453 masked %ge3A_438 : memref<4096xi32, #tpu.memory_space<vmem>>[vector<16xi32>], vector<16xi32>, vector<16xi1>
              %all_reduce_population_count3A = tpu.all_reduce %ge3A_438 {dim = 0 : i64, kind = #tpu.reduction_kind<sum>} : vector<16xi1> -> vector<16xi32>
              %add3A_454 = arith.addi %scan3A_431, %all_reduce_population_count3A : vector<16xi32>
              scf.yield %add3A_454 : vector<16xi32>
            }
            %scan3A_429 = arith.constant 16 : i32
            scf.yield %scan3A_428 : vector<16xi32>
          }
          %add3A_359 = arith.constant 1 : i32
          %add3A_360 = arith.addi %while3A_333, %add3A_359 : i32
          scf.yield %add3A_360, %while3A_358 : i32, vector<16xi32>
        }
        %broadcast_in_dim3A_149 = arith.constant -3.40282347E+38 : f32
        %broadcast_in_dim3A_150 = vector.broadcast %broadcast_in_dim3A_149 : f32 to vector<16xf32>
        %eq3A_151 = arith.constant 0 : i32
        %eq3A_152 = vector.broadcast %eq3A_151 : i32 to vector<16xi32>
        %eq3A_153 = arith.cmpi eq, %iota3A, %eq3A_152 : vector<16xi32>
        %get3A_154 = arith.constant 0 : index
        %get3A_155 = tpu.vector_load %arg12[%get3A_154] {strides = array<i32>} : memref<4096xf32, #tpu.memory_space<vmem>>, vector<16xf32>,
        %reduce_max3A_156 = arith.constant true
        %reduce_max3A_157 = vector.broadcast %reduce_max3A_156 : i1 to vector<16xi1>
        %reduce_max3A_158 = tpu.scan <max>, %get3A_155 masked %reduce_max3A_157 : vector<16xf32>, vector<16xi1> -> vector<16xf32>
        %reduce_max3A_159 = vector.extract %reduce_max3A_158[15] : f32 from vector<16xf32>
        %broadcast_in_dim3A_160 = vector.broadcast %reduce_max3A_159 : f32 to vector<16xf32>
        %select_n3A_161 = arith.select %eq3A_153, %broadcast_in_dim3A_160, %broadcast_in_dim3A_150 : vector<16xi1>, vector<16xf32>
        %eq3A_162 = arith.constant 1 : i32
        %eq3A_163 = vector.broadcast %eq3A_162 : i32 to vector<16xi32>
        %eq3A_164 = arith.cmpi eq, %iota3A, %eq3A_163 : vector<16xi32>
        %get3A_165 = arith.constant 16 : index
        %get3A_166 = tpu.vector_load %arg12[%get3A_165] {strides = array<i32>} : memref<4096xf32, #tpu.memory_space<vmem>>, vector<16xf32>,
        %reduce_max3A_167 = arith.constant true
        %reduce_max3A_168 = vector.broadcast %reduce_max3A_167 : i1 to vector<16xi1>
        %reduce_max3A_169 = tpu.scan <max>, %get3A_166 masked %reduce_max3A_168 : vector<16xf32>, vector<16xi1> -> vector<16xf32>
        %reduce_max3A_170 = vector.extract %reduce_max3A_169[15] : f32 from vector<16xf32>
        %broadcast_in_dim3A_171 = vector.broadcast %reduce_max3A_170 : f32 to vector<16xf32>
        %select_n3A_172 = arith.select %eq3A_164, %broadcast_in_dim3A_171, %select_n3A_161 : vector<16xi1>, vector<16xf32>
        %eq3A_173 = arith.constant 2 : i32
        %eq3A_174 = vector.broadcast %eq3A_173 : i32 to vector<16xi32>
        %eq3A_175 = arith.cmpi eq, %iota3A, %eq3A_174 : vector<16xi32>
        %get3A_176 = arith.constant 32 : index
        %get3A_177 = tpu.vector_load %arg12[%get3A_176] {strides = array<i32>} : memref<4096xf32, #tpu.memory_space<vmem>>, vector<16xf32>,
        %reduce_max3A_178 = arith.constant true
        %reduce_max3A_179 = vector.broadcast %reduce_max3A_178 : i1 to vector<16xi1>
        %reduce_max3A_180 = tpu.scan <max>, %get3A_177 masked %reduce_max3A_179 : vector<16xf32>, vector<16xi1> -> vector<16xf32>
        %reduce_max3A_181 = vector.extract %reduce_max3A_180[15] : f32 from vector<16xf32>
        %broadcast_in_dim3A_182 = vector.broadcast %reduce_max3A_181 : f32 to vector<16xf32>
        %select_n3A_183 = arith.select %eq3A_175, %broadcast_in_dim3A_182, %select_n3A_172 : vector<16xi1>, vector<16xf32>
        %eq3A_184 = arith.constant 3 : i32
        %eq3A_185 = vector.broadcast %eq3A_184 : i32 to vector<16xi32>
        %eq3A_186 = arith.cmpi eq, %iota3A, %eq3A_185 : vector<16xi32>
        %get3A_187 = arith.constant 48 : index
        %get3A_188 = tpu.vector_load %arg12[%get3A_187] {strides = array<i32>} : memref<4096xf32, #tpu.memory_space<vmem>>, vector<16xf32>,
        %reduce_max3A_189 = arith.constant true
        %reduce_max3A_190 = vector.broadcast %reduce_max3A_189 : i1 to vector<16xi1>
        %reduce_max3A_191 = tpu.scan <max>, %get3A_188 masked %reduce_max3A_190 : vector<16xf32>, vector<16xi1> -> vector<16xf32>
        %reduce_max3A_192 = vector.extract %reduce_max3A_191[15] : f32 from vector<16xf32>
        %broadcast_in_dim3A_193 = vector.broadcast %reduce_max3A_192 : f32 to vector<16xf32>
        %select_n3A_194 = arith.select %eq3A_186, %broadcast_in_dim3A_193, %select_n3A_183 : vector<16xi1>, vector<16xf32>
        %eq3A_195 = arith.constant 4 : i32
        %eq3A_196 = vector.broadcast %eq3A_195 : i32 to vector<16xi32>
        %eq3A_197 = arith.cmpi eq, %iota3A, %eq3A_196 : vector<16xi32>
        %get3A_198 = arith.constant 64 : index
        %get3A_199 = tpu.vector_load %arg12[%get3A_198] {strides = array<i32>} : memref<4096xf32, #tpu.memory_space<vmem>>, vector<16xf32>,
        %reduce_max3A_200 = arith.constant true
        %reduce_max3A_201 = vector.broadcast %reduce_max3A_200 : i1 to vector<16xi1>
        %reduce_max3A_202 = tpu.scan <max>, %get3A_199 masked %reduce_max3A_201 : vector<16xf32>, vector<16xi1> -> vector<16xf32>
        %reduce_max3A_203 = vector.extract %reduce_max3A_202[15] : f32 from vector<16xf32>
        %broadcast_in_dim3A_204 = vector.broadcast %reduce_max3A_203 : f32 to vector<16xf32>
        %select_n3A_205 = arith.select %eq3A_197, %broadcast_in_dim3A_204, %select_n3A_194 : vector<16xi1>, vector<16xf32>
        %eq3A_206 = arith.constant 5 : i32
        %eq3A_207 = vector.broadcast %eq3A_206 : i32 to vector<16xi32>
        %eq3A_208 = arith.cmpi eq, %iota3A, %eq3A_207 : vector<16xi32>
        %get3A_209 = arith.constant 80 : index
        %get3A_210 = tpu.vector_load %arg12[%get3A_209] {strides = array<i32>} : memref<4096xf32, #tpu.memory_space<vmem>>, vector<16xf32>,
        %reduce_max3A_211 = arith.constant true
        %reduce_max3A_212 = vector.broadcast %reduce_max3A_211 : i1 to vector<16xi1>
        %reduce_max3A_213 = tpu.scan <max>, %get3A_210 masked %reduce_max3A_212 : vector<16xf32>, vector<16xi1> -> vector<16xf32>
        %reduce_max3A_214 = vector.extract %reduce_max3A_213[15] : f32 from vector<16xf32>
        %broadcast_in_dim3A_215 = vector.broadcast %reduce_max3A_214 : f32 to vector<16xf32>
        %select_n3A_216 = arith.select %eq3A_208, %broadcast_in_dim3A_215, %select_n3A_205 : vector<16xi1>, vector<16xf32>
        %eq3A_217 = arith.constant 6 : i32
        %eq3A_218 = vector.broadcast %eq3A_217 : i32 to vector<16xi32>
        %eq3A_219 = arith.cmpi eq, %iota3A, %eq3A_218 : vector<16xi32>
        %get3A_220 = arith.constant 96 : index
        %get3A_221 = tpu.vector_load %arg12[%get3A_220] {strides = array<i32>} : memref<4096xf32, #tpu.memory_space<vmem>>, vector<16xf32>,
        %reduce_max3A_222 = arith.constant true
        %reduce_max3A_223 = vector.broadcast %reduce_max3A_222 : i1 to vector<16xi1>
        %reduce_max3A_224 = tpu.scan <max>, %get3A_221 masked %reduce_max3A_223 : vector<16xf32>, vector<16xi1> -> vector<16xf32>
        %reduce_max3A_225 = vector.extract %reduce_max3A_224[15] : f32 from vector<16xf32>
        %broadcast_in_dim3A_226 = vector.broadcast %reduce_max3A_225 : f32 to vector<16xf32>
        %select_n3A_227 = arith.select %eq3A_219, %broadcast_in_dim3A_226, %select_n3A_216 : vector<16xi1>, vector<16xf32>
        %eq3A_228 = arith.constant 7 : i32
        %eq3A_229 = vector.broadcast %eq3A_228 : i32 to vector<16xi32>
        %eq3A_230 = arith.cmpi eq, %iota3A, %eq3A_229 : vector<16xi32>
        %get3A_231 = arith.constant 112 : index
        %get3A_232 = tpu.vector_load %arg12[%get3A_231] {strides = array<i32>} : memref<4096xf32, #tpu.memory_space<vmem>>, vector<16xf32>,
        %reduce_max3A_233 = arith.constant true
        %reduce_max3A_234 = vector.broadcast %reduce_max3A_233 : i1 to vector<16xi1>
        %reduce_max3A_235 = tpu.scan <max>, %get3A_232 masked %reduce_max3A_234 : vector<16xf32>, vector<16xi1> -> vector<16xf32>
        %reduce_max3A_236 = vector.extract %reduce_max3A_235[15] : f32 from vector<16xf32>
        %broadcast_in_dim3A_237 = vector.broadcast %reduce_max3A_236 : f32 to vector<16xf32>
        %select_n3A_238 = arith.select %eq3A_230, %broadcast_in_dim3A_237, %select_n3A_227 : vector<16xi1>, vector<16xf32>
        %eq3A_239 = arith.constant 8 : i32
        %eq3A_240 = vector.broadcast %eq3A_239 : i32 to vector<16xi32>
        %eq3A_241 = arith.cmpi eq, %iota3A, %eq3A_240 : vector<16xi32>
        %get3A_242 = arith.constant 128 : index
        %get3A_243 = tpu.vector_load %arg12[%get3A_242] {strides = array<i32>} : memref<4096xf32, #tpu.memory_space<vmem>>, vector<16xf32>,
        %reduce_max3A_244 = arith.constant true
        %reduce_max3A_245 = vector.broadcast %reduce_max3A_244 : i1 to vector<16xi1>
        %reduce_max3A_246 = tpu.scan <max>, %get3A_243 masked %reduce_max3A_245 : vector<16xf32>, vector<16xi1> -> vector<16xf32>
        %reduce_max3A_247 = vector.extract %reduce_max3A_246[15] : f32 from vector<16xf32>
        %broadcast_in_dim3A_248 = vector.broadcast %reduce_max3A_247 : f32 to vector<16xf32>
        %select_n3A_249 = arith.select %eq3A_241, %broadcast_in_dim3A_248, %select_n3A_238 : vector<16xi1>, vector<16xf32>
        %eq3A_250 = arith.constant 9 : i32
        %eq3A_251 = vector.broadcast %eq3A_250 : i32 to vector<16xi32>
        %eq3A_252 = arith.cmpi eq, %iota3A, %eq3A_251 : vector<16xi32>
        %get3A_253 = arith.constant 144 : index
        %get3A_254 = tpu.vector_load %arg12[%get3A_253] {strides = array<i32>} : memref<4096xf32, #tpu.memory_space<vmem>>, vector<16xf32>,
        %reduce_max3A_255 = arith.constant true
        %reduce_max3A_256 = vector.broadcast %reduce_max3A_255 : i1 to vector<16xi1>
        %reduce_max3A_257 = tpu.scan <max>, %get3A_254 masked %reduce_max3A_256 : vector<16xf32>, vector<16xi1> -> vector<16xf32>
        %reduce_max3A_258 = vector.extract %reduce_max3A_257[15] : f32 from vector<16xf32>
        %broadcast_in_dim3A_259 = vector.broadcast %reduce_max3A_258 : f32 to vector<16xf32>
        %select_n3A_260 = arith.select %eq3A_252, %broadcast_in_dim3A_259, %select_n3A_249 : vector<16xi1>, vector<16xf32>
        %eq3A_261 = arith.constant 10 : i32
        %eq3A_262 = vector.broadcast %eq3A_261 : i32 to vector<16xi32>
        %eq3A_263 = arith.cmpi eq, %iota3A, %eq3A_262 : vector<16xi32>
        %get3A_264 = arith.constant 160 : index
        %get3A_265 = tpu.vector_load %arg12[%get3A_264] {strides = array<i32>} : memref<4096xf32, #tpu.memory_space<vmem>>, vector<16xf32>,
        %reduce_max3A_266 = arith.constant true
        %reduce_max3A_267 = vector.broadcast %reduce_max3A_266 : i1 to vector<16xi1>
        %reduce_max3A_268 = tpu.scan <max>, %get3A_265 masked %reduce_max3A_267 : vector<16xf32>, vector<16xi1> -> vector<16xf32>
        %reduce_max3A_269 = vector.extract %reduce_max3A_268[15] : f32 from vector<16xf32>
        %broadcast_in_dim3A_270 = vector.broadcast %reduce_max3A_269 : f32 to vector<16xf32>
        %select_n3A_271 = arith.select %eq3A_263, %broadcast_in_dim3A_270, %select_n3A_260 : vector<16xi1>, vector<16xf32>
        %eq3A_272 = arith.constant 11 : i32
        %eq3A_273 = vector.broadcast %eq3A_272 : i32 to vector<16xi32>
        %eq3A_274 = arith.cmpi eq, %iota3A, %eq3A_273 : vector<16xi32>
        %get3A_275 = arith.constant 176 : index
        %get3A_276 = tpu.vector_load %arg12[%get3A_275] {strides = array<i32>} : memref<4096xf32, #tpu.memory_space<vmem>>, vector<16xf32>,
        %reduce_max3A_277 = arith.constant true
        %reduce_max3A_278 = vector.broadcast %reduce_max3A_277 : i1 to vector<16xi1>
        %reduce_max3A_279 = tpu.scan <max>, %get3A_276 masked %reduce_max3A_278 : vector<16xf32>, vector<16xi1> -> vector<16xf32>
        %reduce_max3A_280 = vector.extract %reduce_max3A_279[15] : f32 from vector<16xf32>
        %broadcast_in_dim3A_281 = vector.broadcast %reduce_max3A_280 : f32 to vector<16xf32>
        %select_n3A_282 = arith.select %eq3A_274, %broadcast_in_dim3A_281, %select_n3A_271 : vector<16xi1>, vector<16xf32>
        %eq3A_283 = arith.constant 12 : i32
        %eq3A_284 = vector.broadcast %eq3A_283 : i32 to vector<16xi32>
        %eq3A_285 = arith.cmpi eq, %iota3A, %eq3A_284 : vector<16xi32>
        %get3A_286 = arith.constant 192 : index
        %get3A_287 = tpu.vector_load %arg12[%get3A_286] {strides = array<i32>} : memref<4096xf32, #tpu.memory_space<vmem>>, vector<16xf32>,
        %reduce_max3A_288 = arith.constant true
        %reduce_max3A_289 = vector.broadcast %reduce_max3A_288 : i1 to vector<16xi1>
        %reduce_max3A_290 = tpu.scan <max>, %get3A_287 masked %reduce_max3A_289 : vector<16xf32>, vector<16xi1> -> vector<16xf32>
        %reduce_max3A_291 = vector.extract %reduce_max3A_290[15] : f32 from vector<16xf32>
        %broadcast_in_dim3A_292 = vector.broadcast %reduce_max3A_291 : f32 to vector<16xf32>
        %select_n3A_293 = arith.select %eq3A_285, %broadcast_in_dim3A_292, %select_n3A_282 : vector<16xi1>, vector<16xf32>
        %eq3A_294 = arith.constant 13 : i32
        %eq3A_295 = vector.broadcast %eq3A_294 : i32 to vector<16xi32>
        %eq3A_296 = arith.cmpi eq, %iota3A, %eq3A_295 : vector<16xi32>
        %get3A_297 = arith.constant 208 : index
        %get3A_298 = tpu.vector_load %arg12[%get3A_297] {strides = array<i32>} : memref<4096xf32, #tpu.memory_space<vmem>>, vector<16xf32>,
        %reduce_max3A_299 = arith.constant true
        %reduce_max3A_300 = vector.broadcast %reduce_max3A_299 : i1 to vector<16xi1>
        %reduce_max3A_301 = tpu.scan <max>, %get3A_298 masked %reduce_max3A_300 : vector<16xf32>, vector<16xi1> -> vector<16xf32>
        %reduce_max3A_302 = vector.extract %reduce_max3A_301[15] : f32 from vector<16xf32>
        %broadcast_in_dim3A_303 = vector.broadcast %reduce_max3A_302 : f32 to vector<16xf32>
        %select_n3A_304 = arith.select %eq3A_296, %broadcast_in_dim3A_303, %select_n3A_293 : vector<16xi1>, vector<16xf32>
        %eq3A_305 = arith.constant 14 : i32
        %eq3A_306 = vector.broadcast %eq3A_305 : i32 to vector<16xi32>
        %eq3A_307 = arith.cmpi eq, %iota3A, %eq3A_306 : vector<16xi32>
        %get3A_308 = arith.constant 224 : index
        %get3A_309 = tpu.vector_load %arg12[%get3A_308] {strides = array<i32>} : memref<4096xf32, #tpu.memory_space<vmem>>, vector<16xf32>,
        %reduce_max3A_310 = arith.constant true
        %reduce_max3A_311 = vector.broadcast %reduce_max3A_310 : i1 to vector<16xi1>
        %reduce_max3A_312 = tpu.scan <max>, %get3A_309 masked %reduce_max3A_311 : vector<16xf32>, vector<16xi1> -> vector<16xf32>
        %reduce_max3A_313 = vector.extract %reduce_max3A_312[15] : f32 from vector<16xf32>
        %broadcast_in_dim3A_314 = vector.broadcast %reduce_max3A_313 : f32 to vector<16xf32>
        %select_n3A_315 = arith.select %eq3A_307, %broadcast_in_dim3A_314, %select_n3A_304 : vector<16xi1>, vector<16xf32>
        %eq3A_316 = arith.constant 15 : i32
        %eq3A_317 = vector.broadcast %eq3A_316 : i32 to vector<16xi32>
        %eq3A_318 = arith.cmpi eq, %iota3A, %eq3A_317 : vector<16xi32>
        %get3A_319 = arith.constant 240 : index
        %get3A_320 = tpu.vector_load %arg12[%get3A_319] {strides = array<i32>} : memref<4096xf32, #tpu.memory_space<vmem>>, vector<16xf32>,
        %reduce_max3A_321 = arith.constant true
        %reduce_max3A_322 = vector.broadcast %reduce_max3A_321 : i1 to vector<16xi1>
        %reduce_max3A_323 = tpu.scan <max>, %get3A_320 masked %reduce_max3A_322 : vector<16xf32>, vector<16xi1> -> vector<16xf32>
        %reduce_max3A_324 = vector.extract %reduce_max3A_323[15] : f32 from vector<16xf32>
        %broadcast_in_dim3A_325 = vector.broadcast %reduce_max3A_324 : f32 to vector<16xf32>
        %select_n3A_326 = arith.select %eq3A_318, %broadcast_in_dim3A_325, %select_n3A_315 : vector<16xi1>, vector<16xf32>
        %scan3A_327 = arith.constant 0 : i32
        %scan3A_328 = arith.constant 100 : i32
        %scan3A_329 = arith.addi %scan3A_327, %scan3A_328 : i32
        %scan3A_330 = arith.constant 1 : i32
        %scan3A_331 = scf.for %scan3A_333 = %scan3A_327 to %scan3A_329 step %scan3A_330 iter_args(%scan3A_334 = %select_n3A_326) -> (vector<16xf32>)  : i32 {
          %reduce_max3A_335 = arith.constant true
          %reduce_max3A_336 = vector.broadcast %reduce_max3A_335 : i1 to vector<16xi1>
          %reduce_max3A_337 = tpu.scan <max>, %scan3A_334 masked %reduce_max3A_336 : vector<16xf32>, vector<16xi1> -> vector<16xf32>
          %reduce_max3A_338 = vector.extract %reduce_max3A_337[15] : f32 from vector<16xf32>
          %eq3A_339 = vector.broadcast %reduce_max3A_338 : f32 to vector<16xf32>
          %eq3A_340 = arith.cmpf oeq, %scan3A_334, %eq3A_339 : vector<16xf32>
          %all_reduce_ffs3A = tpu.all_reduce %eq3A_340 {dim = 0 : i64, kind = #tpu.reduction_kind<find_first_set>} : vector<16xi1> -> vector<16xi32>
          %reduce_max3A_341 = arith.constant true
          %reduce_max3A_342 = vector.broadcast %reduce_max3A_341 : i1 to vector<16xi1>
          %reduce_max3A_343 = arith.constant -2147483648 : i32
          %reduce_max3A_344 = vector.broadcast %reduce_max3A_343 : i32 to vector<16xi32>
          %reduce_max3A_345 = arith.xori %all_reduce_ffs3A, %reduce_max3A_344 : vector<16xi32>
          %reduce_max3A_346 = tpu.scan <max>, %reduce_max3A_345 masked %reduce_max3A_342 : vector<16xi32>, vector<16xi1> -> vector<16xi32>
          %reduce_max3A_347 = arith.xori %reduce_max3A_346, %reduce_max3A_344 : vector<16xi32>
          %reduce_max3A_348 = vector.extract %reduce_max3A_347[15] : i32 from vector<16xi32>
          %mul3A_349 = arith.constant 16 : i32
          %mul3A_350 = arith.muli %reduce_max3A_348, %mul3A_349 : i32
          %get3A_351 = arith.index_cast %mul3A_350 : i32 to index
          %get3A_352 = tpu.vector_load %arg12[%get3A_351] {strides = array<i32>} : memref<4096xf32, #tpu.memory_space<vmem>>, vector<16xf32>,
          %eq3A_353 = vector.broadcast %reduce_max3A_338 : f32 to vector<16xf32>
          %eq3A_354 = arith.cmpf oeq, %get3A_352, %eq3A_353 : vector<16xf32>
          %all_reduce_ffs3A_355 = tpu.all_reduce %eq3A_354 {dim = 0 : i64, kind = #tpu.reduction_kind<find_first_set>} : vector<16xi1> -> vector<16xi32>
          %get3A_356 = arith.index_cast %mul3A_350 : i32 to index
          %get3A_357 = tpu.vector_load %arg13[%get3A_356] {strides = array<i32>} : memref<4096xi32, #tpu.memory_space<vmem>>, vector<16xi32>,
          %eq3A_358 = arith.cmpi eq, %iota3A, %all_reduce_ffs3A_355 : vector<16xi32>
          %jit3A_359 = arith.constant 0 : i32
          %broadcast_in_dim3A_360 = vector.broadcast %jit3A_359 : i32 to vector<16xi32>
          %select_n3A_361 = arith.select %eq3A_358, %get3A_357, %broadcast_in_dim3A_360 : vector<16xi1>, vector<16xi32>
          %reduce_sum3A_362 = arith.constant true
          %reduce_sum3A_363 = vector.broadcast %reduce_sum3A_362 : i1 to vector<16xi1>
          %reduce_sum3A_364 = tpu.scan <sum>, %select_n3A_361 masked %reduce_sum3A_363 : vector<16xi32>, vector<16xi1> -> vector<16xi32>
          %reduce_sum3A_365 = vector.extract %reduce_sum3A_364[15] : i32 from vector<16xi32>
          %eq3A_366 = arith.cmpi eq, %iota3A, %all_reduce_ffs3A_355 : vector<16xi32>
          %jit3A_367 = arith.constant -3.40282347E+38 : f32
          %broadcast_in_dim3A_368 = vector.broadcast %jit3A_367 : f32 to vector<16xf32>
          %select_n3A_369 = arith.select %eq3A_366, %broadcast_in_dim3A_368, %get3A_352 : vector<16xi1>, vector<16xf32>
          %swap3A_370 = arith.index_cast %mul3A_350 : i32 to index
          %swap3A_371 = tpu.vector_load %arg12[%swap3A_370] {strides = array<i32>} : memref<4096xf32, #tpu.memory_space<vmem>>, vector<16xf32>,
          tpu.vector_store %arg12[%swap3A_370], %select_n3A_369 {strides = array<i32>} : memref<4096xf32, #tpu.memory_space<vmem>>, vector<16xf32>,
          %eq3A_372 = arith.cmpi eq, %iota3A, %all_reduce_ffs3A : vector<16xi32>
          %reduce_max3A_373 = arith.constant true
          %reduce_max3A_374 = vector.broadcast %reduce_max3A_373 : i1 to vector<16xi1>
          %reduce_max3A_375 = tpu.scan <max>, %select_n3A_369 masked %reduce_max3A_374 : vector<16xf32>, vector<16xi1> -> vector<16xf32>
          %reduce_max3A_376 = vector.extract %reduce_max3A_375[15] : f32 from vector<16xf32>
          %broadcast_in_dim3A_377 = vector.broadcast %reduce_max3A_376 : f32 to vector<16xf32>
          %select_n3A_378 = arith.select %eq3A_372, %broadcast_in_dim3A_377, %scan3A_334 : vector<16xi1>, vector<16xf32>
          %jit3A_379 = arith.constant 16 : i32
          %div3A_380 = arith.divsi %scan3A_333, %jit3A_379 : i32
          %sign3A_381 = arith.constant 0 : i32
          %sign3A_382 = arith.cmpi sgt, %scan3A_333, %sign3A_381 : i32
          %sign3A_383 = arith.extui %sign3A_382 : i1 to i32
          %sign3A_384 = arith.constant 0 : i32
          %sign3A_385 = arith.cmpi slt, %scan3A_333, %sign3A_384 : i32
          %sign3A_386 = arith.extui %sign3A_385 : i1 to i32
          %sign3A_387 = arith.subi %sign3A_383, %sign3A_386 : i32
          %sign3A_388 = arith.constant 0 : i32
          %sign3A_389 = arith.cmpi sgt, %jit3A_379, %sign3A_388 : i32
          %sign3A_390 = arith.extui %sign3A_389 : i1 to i32
          %sign3A_391 = arith.constant 0 : i32
          %sign3A_392 = arith.cmpi slt, %jit3A_379, %sign3A_391 : i32
          %sign3A_393 = arith.extui %sign3A_392 : i1 to i32
          %sign3A_394 = arith.subi %sign3A_390, %sign3A_393 : i32
          %ne3A_395 = arith.cmpi ne, %sign3A_387, %sign3A_394 : i32
          %rem3A_396 = arith.remsi %scan3A_333, %jit3A_379 : i32
          %ne3A_397 = arith.constant 0 : i32
          %ne3A_398 = arith.cmpi ne, %rem3A_396, %ne3A_397 : i32
          %and3A_399 = arith.andi %ne3A_395, %ne3A_398 : i1
          %sub3A_400 = arith.constant 1 : i32
          %sub3A_401 = arith.subi %div3A_380, %sub3A_400 : i32
          %select_n3A_402 = arith.select %and3A_399, %sub3A_401, %div3A_380 : i32
          %mul3A_403 = arith.constant 16 : i32
          %mul3A_404 = arith.muli %select_n3A_402, %mul3A_403 : i32
          %get3A_405 = arith.index_cast %mul3A_404 : i32 to index
          %get3A_406 = tpu.vector_load %arg14[%get3A_405] {strides = array<i32>} : memref<128xf32, #tpu.memory_space<vmem>>, vector<16xf32>,
          %jit3A_407 = arith.constant 16 : i32
          %eq3A_408 = arith.constant 0 : i32
          %eq3A_409 = arith.cmpi eq, %jit3A_407, %eq3A_408 : i32
          %jit3A_410 = arith.constant 1 : i32
          %select_n3A_411 = arith.select %eq3A_409, %jit3A_410, %jit3A_407 : i32
          %rem3A_412 = arith.remsi %scan3A_333, %select_n3A_411 : i32
          %ne3A_413 = arith.constant 0 : i32
          %ne3A_414 = arith.cmpi ne, %rem3A_412, %ne3A_413 : i32
          %lt3A_415 = arith.constant 0 : i32
          %lt3A_416 = arith.cmpi slt, %rem3A_412, %lt3A_415 : i32
          %lt3A_417 = arith.constant 0 : i32
          %lt3A_418 = arith.cmpi slt, %select_n3A_411, %lt3A_417 : i32
          %ne3A_419 = arith.xori %lt3A_416, %lt3A_418 : i1
          %and3A_420 = arith.andi %ne3A_419, %ne3A_414 : i1
          %add3A_421 = arith.addi %rem3A_412, %select_n3A_411 : i32
          %select_n3A_422 = arith.select %and3A_420, %add3A_421, %rem3A_412 : i32
          %eq3A_423 = vector.broadcast %select_n3A_422 : i32 to vector<16xi32>
          %eq3A_424 = arith.cmpi eq, %iota3A, %eq3A_423 : vector<16xi32>
          %broadcast_in_dim3A_425 = vector.broadcast %reduce_max3A_338 : f32 to vector<16xf32>
          %select_n3A_426 = arith.select %eq3A_424, %broadcast_in_dim3A_425, %get3A_406 : vector<16xi1>, vector<16xf32>
          %swap3A_427 = arith.index_cast %mul3A_404 : i32 to index
          %swap3A_428 = tpu.vector_load %arg14[%swap3A_427] {strides = array<i32>} : memref<128xf32, #tpu.memory_space<vmem>>, vector<16xf32>,
          tpu.vector_store %arg14[%swap3A_427], %select_n3A_426 {strides = array<i32>} : memref<128xf32, #tpu.memory_space<vmem>>, vector<16xf32>,
          %get3A_429 = arith.index_cast %mul3A_404 : i32 to index
          %get3A_430 = tpu.vector_load %arg15[%get3A_429] {strides = array<i32>} : memref<128xi32, #tpu.memory_space<vmem>>, vector<16xi32>,
          %jit3A_431 = arith.constant 16 : i32
          %eq3A_432 = arith.constant 0 : i32
          %eq3A_433 = arith.cmpi eq, %jit3A_431, %eq3A_432 : i32
          %jit3A_434 = arith.constant 1 : i32
          %select_n3A_435 = arith.select %eq3A_433, %jit3A_434, %jit3A_431 : i32
          %rem3A_436 = arith.remsi %scan3A_333, %select_n3A_435 : i32
          %ne3A_437 = arith.constant 0 : i32
          %ne3A_438 = arith.cmpi ne, %rem3A_436, %ne3A_437 : i32
          %lt3A_439 = arith.constant 0 : i32
          %lt3A_440 = arith.cmpi slt, %rem3A_436, %lt3A_439 : i32
          %lt3A_441 = arith.constant 0 : i32
          %lt3A_442 = arith.cmpi slt, %select_n3A_435, %lt3A_441 : i32
          %ne3A_443 = arith.xori %lt3A_440, %lt3A_442 : i1
          %and3A_444 = arith.andi %ne3A_443, %ne3A_438 : i1
          %add3A_445 = arith.addi %rem3A_436, %select_n3A_435 : i32
          %select_n3A_446 = arith.select %and3A_444, %add3A_445, %rem3A_436 : i32
          %eq3A_447 = vector.broadcast %select_n3A_446 : i32 to vector<16xi32>
          %eq3A_448 = arith.cmpi eq, %iota3A, %eq3A_447 : vector<16xi32>
          %broadcast_in_dim3A_449 = vector.broadcast %reduce_sum3A_365 : i32 to vector<16xi32>
          %select_n3A_450 = arith.select %eq3A_448, %broadcast_in_dim3A_449, %get3A_430 : vector<16xi1>, vector<16xi32>
          %swap3A_451 = arith.index_cast %mul3A_404 : i32 to index
          %swap3A_452 = tpu.vector_load %arg15[%swap3A_451] {strides = array<i32>} : memref<128xi32, #tpu.memory_space<vmem>>, vector<16xi32>,
          tpu.vector_store %arg15[%swap3A_451], %select_n3A_450 {strides = array<i32>} : memref<128xi32, #tpu.memory_space<vmem>>, vector<16xi32>,
          scf.yield %select_n3A_378 : vector<16xf32>
        }
        %scan3A_332 = arith.constant 100 : i32
        "tpu.region"() ({
          %run_scoped3A = tpu.sem_alloc : memref<!tpu.dma_semaphore, #tpu.memory_space<semaphore_mem>>
          %dma_start3A = arith.constant 0 : i32
          %dma_start3A_333 = tpu.memref_slice %arg6[%add3A_25, %dma_start3A] : memref<1024x128xf32, #tpu.memory_space<hbm>> -> memref<1x128xf32, #tpu.memory_space<hbm>>
          %dma_start3A_334 = tpu.memref_squeeze %dma_start3A_333 : memref<1x128xf32, #tpu.memory_space<hbm>> -> memref<128xf32, #tpu.memory_space<hbm>>
          %dma_start3A_335 = arith.constant 0 : i32
          %dma_start3A_336 = tpu.memref_slice %arg6[%add3A_25, %dma_start3A_335] : memref<1024x128xf32, #tpu.memory_space<hbm>> -> memref<1x128xf32, #tpu.memory_space<hbm>>
          %dma_start3A_337 = tpu.memref_squeeze %dma_start3A_336 : memref<1x128xf32, #tpu.memory_space<hbm>> -> memref<128xf32, #tpu.memory_space<hbm>>
          tpu.enqueue_dma source(%arg14 : memref<128xf32, #tpu.memory_space<vmem>>) target(%dma_start3A_337 : memref<128xf32, #tpu.memory_space<hbm>>) target_semaphore(%run_scoped3A : memref<!tpu.dma_semaphore, #tpu.memory_space<semaphore_mem>>)
          %dma_wait3A = arith.constant 0 : i32
          %dma_wait3A_338 = tpu.memref_slice %arg6[%add3A_25, %dma_wait3A] : memref<1024x128xf32, #tpu.memory_space<hbm>> -> memref<1x128xf32, #tpu.memory_space<hbm>>
          %dma_wait3A_339 = tpu.memref_squeeze %dma_wait3A_338 : memref<1x128xf32, #tpu.memory_space<hbm>> -> memref<128xf32, #tpu.memory_space<hbm>>
          %dma_wait3A_340 = arith.constant 0 : i32
          %dma_wait3A_341 = tpu.memref_slice %arg6[%add3A_25, %dma_wait3A_340] : memref<1024x128xf32, #tpu.memory_space<hbm>> -> memref<1x128xf32, #tpu.memory_space<hbm>>
          %dma_wait3A_342 = tpu.memref_squeeze %dma_wait3A_341 : memref<1x128xf32, #tpu.memory_space<hbm>> -> memref<128xf32, #tpu.memory_space<hbm>>
          tpu.wait_dma2 semaphore(%run_scoped3A : memref<!tpu.dma_semaphore, #tpu.memory_space<semaphore_mem>>) src(%arg14 : memref<128xf32, #tpu.memory_space<vmem>>) dst(%dma_wait3A_342 : memref<128xf32, #tpu.memory_space<hbm>>)
          tpu.yield
        }) : () -> ()
        "tpu.region"() ({
          %run_scoped3A = tpu.sem_alloc : memref<!tpu.dma_semaphore, #tpu.memory_space<semaphore_mem>>
          %dma_start3A = arith.constant 0 : i32
          %dma_start3A_333 = tpu.memref_slice %arg7[%add3A_25, %dma_start3A] : memref<1024x128xi32, #tpu.memory_space<hbm>> -> memref<1x128xi32, #tpu.memory_space<hbm>>
          %dma_start3A_334 = tpu.memref_squeeze %dma_start3A_333 : memref<1x128xi32, #tpu.memory_space<hbm>> -> memref<128xi32, #tpu.memory_space<hbm>>
          %dma_start3A_335 = arith.constant 0 : i32
          %dma_start3A_336 = tpu.memref_slice %arg7[%add3A_25, %dma_start3A_335] : memref<1024x128xi32, #tpu.memory_space<hbm>> -> memref<1x128xi32, #tpu.memory_space<hbm>>
          %dma_start3A_337 = tpu.memref_squeeze %dma_start3A_336 : memref<1x128xi32, #tpu.memory_space<hbm>> -> memref<128xi32, #tpu.memory_space<hbm>>
          tpu.enqueue_dma source(%arg15 : memref<128xi32, #tpu.memory_space<vmem>>) target(%dma_start3A_337 : memref<128xi32, #tpu.memory_space<hbm>>) target_semaphore(%run_scoped3A : memref<!tpu.dma_semaphore, #tpu.memory_space<semaphore_mem>>)
          %dma_wait3A = arith.constant 0 : i32
          %dma_wait3A_338 = tpu.memref_slice %arg7[%add3A_25, %dma_wait3A] : memref<1024x128xi32, #tpu.memory_space<hbm>> -> memref<1x128xi32, #tpu.memory_space<hbm>>
          %dma_wait3A_339 = tpu.memref_squeeze %dma_wait3A_338 : memref<1x128xi32, #tpu.memory_space<hbm>> -> memref<128xi32, #tpu.memory_space<hbm>>
          %dma_wait3A_340 = arith.constant 0 : i32
          %dma_wait3A_341 = tpu.memref_slice %arg7[%add3A_25, %dma_wait3A_340] : memref<1024x128xi32, #tpu.memory_space<hbm>> -> memref<1x128xi32, #tpu.memory_space<hbm>>
          %dma_wait3A_342 = tpu.memref_squeeze %dma_wait3A_341 : memref<1x128xi32, #tpu.memory_space<hbm>> -> memref<128xi32, #tpu.memory_space<hbm>>
          tpu.wait_dma2 semaphore(%run_scoped3A : memref<!tpu.dma_semaphore, #tpu.memory_space<semaphore_mem>>) src(%arg15 : memref<128xi32, #tpu.memory_space<vmem>>) dst(%dma_wait3A_342 : memref<128xi32, #tpu.memory_space<hbm>>)
          tpu.yield
        }) : () -> ()
      }
      %scan3A_19 = arith.constant 32 : i32
    } else {
    }
    return
  }
}

module attributes {stable_mosaic.version = 14 : i64} {
  func.func @_p1_kernel(%arg0: i32, %arg1: memref<1024x16xf32, #tpu.memory_space<vmem>>, %arg2: memref<4096x16xf32, #tpu.memory_space<vmem>>, %arg3: memref<512x16x256xf32, #tpu.memory_space<vmem>>, %arg4: memref<512x16x256xf32, #tpu.memory_space<vmem>>, %arg5: memref<1x1024x16xf32, #tpu.memory_space<vmem>>) attributes {dimension_semantics = [#tpu.dimension_semantics<arbitrary>], iteration_bounds = array<i64: 256>, scalar_prefetch = 0 : i64, scratch_operands = 0 : i64, tpu.core_type = #tpu.core_type<tc>, window_params = [{pipeline_mode = #tpu.pipeline_mode<synchronous>, transform_indices = @transform_0, window_bounds = array<i64: 1024, 16>}, {transform_indices = @transform_1, window_bounds = array<i64: 4096, 16>}, {transform_indices = @transform_2, window_bounds = array<i64: 512, 16, 256>}, {transform_indices = @transform_3, window_bounds = array<i64: 512, 16, 256>}, {transform_indices = @transform_4, window_bounds = array<i64: 1, 1024, 16>}]} {
    %get3A = arith.constant 0 : index
    %get3A_0 = arith.constant 0 : index
    %get3A_1 = vector.load %arg1[%get3A, %get3A_0] : memref<1024x16xf32, #tpu.memory_space<vmem>>, vector<1024x16xf32>
    %get3A_2 = arith.constant 0 : index
    %get3A_3 = arith.constant 0 : index
    %get3A_4 = vector.load %arg2[%get3A_2, %get3A_3] : memref<4096x16xf32, #tpu.memory_space<vmem>>, vector<4096x16xf32>
    %dot_general3A = arith.constant dense<0.000000e+00> : vector<1024x4096xf32>
    %dot_general3A_5 = tpu.matmul %get3A_1, %get3A_4, %dot_general3A {dimension_numbers = #tpu.dot_dimension_numbers<[1], [1], [0], [0], [0, 0, 1, 0], [], []>, transpose_lhs_hint = false} : vector<1024x16xf32>, vector<4096x16xf32>, vector<1024x4096xf32> -> vector<1024x4096xf32>
    %lt3A = arith.constant 244 : i32
    %lt3A_6 = arith.cmpi slt, %arg0, %lt3A : i32
    %convert_element_type3A = arith.extui %lt3A_6 : i1 to i32
    %cond3A = arith.constant 0 : i32
    %cond3A_7 = arith.cmpi ne, %convert_element_type3A, %cond3A : i32
    scf.if %cond3A_7 {
      %reshape3A = vector.shape_cast %dot_general3A_5 : vector<1024x4096xf32> to vector<1024x16x256xf32>
      %slice3A = vector.extract_strided_slice %reshape3A {offsets = [0, 0, 0], sizes = [512, 16, 256], strides = [1, 1, 1]} : vector<1024x16x256xf32> to vector<512x16x256xf32>
      %swap3A = arith.constant 0 : index
      %swap3A_12 = arith.constant 0 : index
      %swap3A_13 = arith.constant 0 : index
      %swap3A_14 = vector.load %arg3[%swap3A, %swap3A_12, %swap3A_13] : memref<512x16x256xf32, #tpu.memory_space<vmem>>, vector<512x16x256xf32>
      tpu.vector_store %arg3[%swap3A, %swap3A_12, %swap3A_13], %slice3A {strides = array<i32>} : memref<512x16x256xf32, #tpu.memory_space<vmem>>, vector<512x16x256xf32>,
      %slice3A_15 = vector.extract_strided_slice %reshape3A {offsets = [512, 0, 0], sizes = [512, 16, 256], strides = [1, 1, 1]} : vector<1024x16x256xf32> to vector<512x16x256xf32>
      %swap3A_16 = arith.constant 0 : index
      %swap3A_17 = arith.constant 0 : index
      %swap3A_18 = arith.constant 0 : index
      %swap3A_19 = vector.load %arg4[%swap3A_16, %swap3A_17, %swap3A_18] : memref<512x16x256xf32, #tpu.memory_space<vmem>>, vector<512x16x256xf32>
      tpu.vector_store %arg4[%swap3A_16, %swap3A_17, %swap3A_18], %slice3A_15 {strides = array<i32>} : memref<512x16x256xf32, #tpu.memory_space<vmem>>, vector<512x16x256xf32>,
      %reduce_max3A = arith.constant dense<0xFF800000> : vector<1024x16xf32>
      %reduce_max3A_20 = vector.multi_reduction <maximumf>, %reshape3A, %reduce_max3A [2] : vector<1024x16x256xf32> to vector<1024x16xf32>
      %broadcast_in_dim3A = vector.shape_cast %reduce_max3A_20 : vector<1024x16xf32> to vector<1x1024x16xf32>
      %swap3A_21 = arith.constant 0 : index
      %swap3A_22 = arith.constant 0 : index
      %swap3A_23 = arith.constant 0 : index
      %swap3A_24 = vector.load %arg5[%swap3A_21, %swap3A_22, %swap3A_23] : memref<1x1024x16xf32, #tpu.memory_space<vmem>>, vector<1x1024x16xf32>
      tpu.vector_store %arg5[%swap3A_21, %swap3A_22, %swap3A_23], %broadcast_in_dim3A {strides = array<i32>} : memref<1x1024x16xf32, #tpu.memory_space<vmem>>, vector<1x1024x16xf32>,
    } else {
    }
    %ge3A = arith.constant 244 : i32
    %ge3A_8 = arith.cmpi sge, %arg0, %ge3A : i32
    %convert_element_type3A_9 = arith.extui %ge3A_8 : i1 to i32
    %cond3A_10 = arith.constant 0 : i32
    %cond3A_11 = arith.cmpi ne, %convert_element_type3A_9, %cond3A_10 : i32
    scf.if %cond3A_11 {
      %mul3A = arith.constant 4096 : i32
      %mul3A_12 = arith.muli %arg0, %mul3A : i32
      %iota3A = tpu.iota {dimensions = array<i32: 1>} : vector<1024x4096xi32>
      %add3A = vector.broadcast %mul3A_12 : i32 to vector<1024x4096xi32>
      %add3A_13 = arith.addi %add3A, %iota3A : vector<1024x4096xi32>
      %lt3A_14 = arith.constant 1000000 : i32
      %lt3A_15 = vector.broadcast %lt3A_14 : i32 to vector<1024x4096xi32>
      %lt3A_16 = arith.cmpi slt, %add3A_13, %lt3A_15 : vector<1024x4096xi32>
      %jit3A = arith.constant -3.40282347E+38 : f32
      %broadcast_in_dim3A = vector.broadcast %jit3A : f32 to vector<1024x4096xf32>
      %select_n3A = arith.select %lt3A_16, %dot_general3A_5, %broadcast_in_dim3A : vector<1024x4096xi1>, vector<1024x4096xf32>
      %reshape3A = vector.shape_cast %select_n3A : vector<1024x4096xf32> to vector<1024x16x256xf32>
      %slice3A = vector.extract_strided_slice %reshape3A {offsets = [0, 0, 0], sizes = [512, 16, 256], strides = [1, 1, 1]} : vector<1024x16x256xf32> to vector<512x16x256xf32>
      %swap3A = arith.constant 0 : index
      %swap3A_17 = arith.constant 0 : index
      %swap3A_18 = arith.constant 0 : index
      %swap3A_19 = vector.load %arg3[%swap3A, %swap3A_17, %swap3A_18] : memref<512x16x256xf32, #tpu.memory_space<vmem>>, vector<512x16x256xf32>
      tpu.vector_store %arg3[%swap3A, %swap3A_17, %swap3A_18], %slice3A {strides = array<i32>} : memref<512x16x256xf32, #tpu.memory_space<vmem>>, vector<512x16x256xf32>,
      %slice3A_20 = vector.extract_strided_slice %reshape3A {offsets = [512, 0, 0], sizes = [512, 16, 256], strides = [1, 1, 1]} : vector<1024x16x256xf32> to vector<512x16x256xf32>
      %swap3A_21 = arith.constant 0 : index
      %swap3A_22 = arith.constant 0 : index
      %swap3A_23 = arith.constant 0 : index
      %swap3A_24 = vector.load %arg4[%swap3A_21, %swap3A_22, %swap3A_23] : memref<512x16x256xf32, #tpu.memory_space<vmem>>, vector<512x16x256xf32>
      tpu.vector_store %arg4[%swap3A_21, %swap3A_22, %swap3A_23], %slice3A_20 {strides = array<i32>} : memref<512x16x256xf32, #tpu.memory_space<vmem>>, vector<512x16x256xf32>,
      %reduce_max3A = arith.constant dense<0xFF800000> : vector<1024x16xf32>
      %reduce_max3A_25 = vector.multi_reduction <maximumf>, %reshape3A, %reduce_max3A [2] : vector<1024x16x256xf32> to vector<1024x16xf32>
      %broadcast_in_dim3A_26 = vector.shape_cast %reduce_max3A_25 : vector<1024x16xf32> to vector<1x1024x16xf32>
      %swap3A_27 = arith.constant 0 : index
      %swap3A_28 = arith.constant 0 : index
      %swap3A_29 = arith.constant 0 : index
      %swap3A_30 = vector.load %arg5[%swap3A_27, %swap3A_28, %swap3A_29] : memref<1x1024x16xf32, #tpu.memory_space<vmem>>, vector<1x1024x16xf32>
      tpu.vector_store %arg5[%swap3A_27, %swap3A_28, %swap3A_29], %broadcast_in_dim3A_26 {strides = array<i32>} : memref<1x1024x16xf32, #tpu.memory_space<vmem>>, vector<1x1024x16xf32>,
    } else {
    }
    return
  }
  func.func @transform_0(%arg0: i32) -> (i32, i32) {
    %c0_i32 = arith.constant 0 : i32
    %c0_i32_0 = arith.constant 0 : i32
    %c0_i32_1 = arith.constant 0 : i32
    return %c0_i32, %c0_i32_0 : i32, i32
  }
  func.func @transform_1(%arg0: i32) -> (i32, i32) {
    %c0_i32 = arith.constant 0 : i32
    %c0_i32_0 = arith.constant 0 : i32
    return %arg0, %c0_i32 : i32, i32
  }
  func.func @transform_2(%arg0: i32) -> (i32, i32, i32) {
    %c0_i32 = arith.constant 0 : i32
    %c0_i32_0 = arith.constant 0 : i32
    %c0_i32_1 = arith.constant 0 : i32
    return %c0_i32, %arg0, %c0_i32_0 : i32, i32, i32
  }
  func.func @transform_3(%arg0: i32) -> (i32, i32, i32) {
    %c0_i32 = arith.constant 0 : i32
    %c0_i32_0 = arith.constant 0 : i32
    %c0_i32_1 = arith.constant 0 : i32
    return %c0_i32, %arg0, %c0_i32_0 : i32, i32, i32
  }
  func.func @transform_4(%arg0: i32) -> (i32, i32, i32) {
    %c0_i32 = arith.constant 0 : i32
    %c0_i32_0 = arith.constant 0 : i32
    %c0_i32_1 = arith.constant 0 : i32
    return %arg0, %c0_i32, %c0_i32_0 : i32, i32, i32
  }
}

module attributes {stable_mosaic.version = 14 : i64} {
  func.func @_p2_kernel(%arg0: memref<1024x4096xf32, #tpu.memory_space<vmem>>, %arg1: memref<1024x128xf32, #tpu.memory_space<vmem>>) attributes {dimension_semantics = [], scalar_prefetch = 0 : i64, scratch_operands = 0 : i64, tpu.core_type = #tpu.core_type<tc>} {
    %get3A = arith.constant 0 : index
    %get3A_0 = arith.constant 0 : index
    %get3A_1 = vector.load %arg0[%get3A, %get3A_0] : memref<1024x4096xf32, #tpu.memory_space<vmem>>, vector<1024x4096xf32>
    %gt3A = arith.constant -9.99999993E+36 : f32
    %gt3A_2 = vector.broadcast %gt3A : f32 to vector<1024x4096xf32>
    %gt3A_3 = arith.cmpf ogt, %get3A_1, %gt3A_2 : vector<1024x4096xf32>
    %jit3A = arith.constant 3.400000e+38 : f32
    %broadcast_in_dim3A = vector.broadcast %jit3A : f32 to vector<1024x4096xf32>
    %select_n3A = arith.select %gt3A_3, %get3A_1, %broadcast_in_dim3A : vector<1024x4096xi1>, vector<1024x4096xf32>
    %reduce_min3A = arith.constant dense<0x7F800000> : vector<1024xf32>
    %reduce_min3A_4 = vector.multi_reduction <minimumf>, %select_n3A, %reduce_min3A [1] : vector<1024x4096xf32> to vector<1024xf32>
    %broadcast_in_dim3A_5 = vector.shape_cast %reduce_min3A_4 : vector<1024xf32> to vector<1024x1xf32>
    %reduce_max3A = arith.constant dense<0xFF800000> : vector<1024xf32>
    %reduce_max3A_6 = vector.multi_reduction <maximumf>, %get3A_1, %reduce_max3A [1] : vector<1024x4096xf32> to vector<1024xf32>
    %broadcast_in_dim3A_7 = vector.shape_cast %reduce_max3A_6 : vector<1024xf32> to vector<1024x1xf32>
    %scan3A = arith.constant 0 : i32
    %scan3A_8 = arith.constant 48 : i32
    %scan3A_9 = arith.addi %scan3A, %scan3A_8 : i32
    %scan3A_10 = arith.constant 1 : i32
    %scan3A_11:2 = scf.for %scan3A_16 = %scan3A to %scan3A_9 step %scan3A_10 iter_args(%scan3A_17 = %broadcast_in_dim3A_5, %scan3A_18 = %broadcast_in_dim3A_7) -> (vector<1024x1xf32>, vector<1024x1xf32>)  : i32 {
      %add3A = arith.addf %scan3A_17, %scan3A_18 : vector<1024x1xf32>
      %mul3A = arith.constant 5.000000e-01 : f32
      %mul3A_19 = vector.broadcast %mul3A : f32 to vector<1024x1xf32>
      %mul3A_20 = arith.mulf %add3A, %mul3A_19 : vector<1024x1xf32>
      %ge3A = vector.broadcast %mul3A_20 : vector<1024x1xf32> to vector<1024x4096xf32>
      %ge3A_21 = arith.cmpf oge, %get3A_1, %ge3A : vector<1024x4096xf32>
      %convert_element_type3A = arith.extui %ge3A_21 : vector<1024x4096xi1> to vector<1024x4096xi32>
      %reduce_sum3A = arith.constant dense<0> : vector<1024xi32>
      %reduce_sum3A_22 = vector.multi_reduction <add>, %convert_element_type3A, %reduce_sum3A [1] : vector<1024x4096xi32> to vector<1024xi32>
      %broadcast_in_dim3A_23 = vector.shape_cast %reduce_sum3A_22 : vector<1024xi32> to vector<1024x1xi32>
      %ge3A_24 = arith.constant 100 : i32
      %ge3A_25 = vector.broadcast %ge3A_24 : i32 to vector<1024x1xi32>
      %ge3A_26 = arith.cmpi sge, %broadcast_in_dim3A_23, %ge3A_25 : vector<1024x1xi32>
      %select_n3A_27 = arith.select %ge3A_26, %mul3A_20, %scan3A_17 : vector<1024x1xi1>, vector<1024x1xf32>
      %select_n3A_28 = arith.select %ge3A_26, %scan3A_18, %mul3A_20 : vector<1024x1xi1>, vector<1024x1xf32>
      scf.yield %select_n3A_27, %select_n3A_28 : vector<1024x1xf32>, vector<1024x1xf32>
    }
    %broadcast_in_dim3A_12 = vector.shape_cast %scan3A_11#0 : vector<1024x1xf32> to vector<1024x1xf32>
    %broadcast_in_dim3A_13 = vector.broadcast %broadcast_in_dim3A_12 : vector<1024x1xf32> to vector<1024x128xf32>
    %swap3A = arith.constant 0 : index
    %swap3A_14 = arith.constant 0 : index
    %swap3A_15 = vector.load %arg1[%swap3A, %swap3A_14] : memref<1024x128xf32, #tpu.memory_space<vmem>>, vector<1024x128xf32>
    tpu.vector_store %arg1[%swap3A, %swap3A_14], %broadcast_in_dim3A_13 {strides = array<i32>} : memref<1024x128xf32, #tpu.memory_space<vmem>>, vector<1024x128xf32>,
    return
  }
}

</mosaic_0001>

<sc_bundles>
// kernel: gather_offload_async_start
scs
__scs_entry_jumppad:
0x0: {  	(pc) =	sbr.rel $0x88, $3  }
0x1: {  	(tag) =	ssettag $0x0;
	lr =	simm.s32 $0x1  }
0x2: {  	[smem:$0x3F9D] =	sst lr;
	_ =	strace $0xD0000000  }
0x3: {  	_ = 	snop  }
0x4: {  	_ = 	snop  }
0x5: {  	_ = 	snop  }
0x6: {  	_ = 	snop  }
0x7: {  	_ = 	snop  }
__scs_overlays_trampoline_lowered:
0x8: {  	[smem:$0x3FAC] =	sst s0  }
0x9: {  	[smem:$0x3FAD] =	sst s1  }
0xa: {  	[smem:$0x3FAE] =	sst s2  }
0xb: {  	[smem:$0x3FAF] =	sst s3  }
0xc: {  	[smem:$0x3FB0] =	sst s4  }
0xd: {  	[smem:$0x3FB1] =	sst s5  }
0xe: {  	[smem:$0x3FB2] =	sst s6  }
0xf: {  	[smem:$0x3FB3] =	sst s7  }
0x10: {  	[smem:$0x3FB4] =	sst s8  }
0x11: {  	[smem:$0x3FB5] =	sst s9;
	s0 =	simm.s32 @!p0 $0x0  }
0x12: {  	s1 =	sld [smem:$0x3F9B];
	s0 =	simm.s32 @p0 $0x1  }
0x13: {  	[smem:$0x3FB6] =	sst s0;
	s0 =	simm.s32 @!p1 $0x0  }
0x14: {  	s2 =	sld [smem:$0x3F9A];
	s0 =	simm.s32 @p1 $0x1  }
0x15: {  	[smem:$0x3FB7] =	sst s0;
	s0 =	simm.s32 @!p2 $0x0  }
0x16: {  	s3 =	sld [smem:$0x3FDB];
	s0 =	simm.s32 @p2 $0x1  }
0x17: {  	s4 =	simm.s32 $0x1BF5;
	[smem:$0x3FB9] =	sst s0  }
0x18: {  	s0 =	sld [smem:$0x3F9C];
	_ =	swait.ge [sflag:s4], $0x0  }
0x19: {  	s7 =	sld [smem:$0x3F9D]  }
0x1a: {  	s8 =	sadd.s32 $0xFFFFE003, lr  }
0x1b: {  	s9 =	sadd.s32 $0xFFFFFEF7, lr;
	s5 =	simm.s32 $0xFFFFFFFF;
	p2 =	slt.u32 s8, $0xFFFFF086  }
0x1c: {  	p1 =	slt.u32 s9, $0xF7A;
	s5 =	simm.s32 @!p2 $0x0  }
0x1d: {  	s5 =	simm.s32 @p1 $0x1;
	p0 =	seq.s32 s7, s2  }
0x1e: {  	s7 =	smul.u32 @!p0 $0xF7A, s2;
	p2 =	seq.s32 @!p0 s5, $0x0  }
0x1f: {  	s9 =	smul.u32 $0xF7A, s1;
	s8 =	simm.s32 @!p0 $0x1BF5;
	p2 =	por !p2, p0  }
0x20: {  	[sflag:s8] =	ssyncset.s32 @!p0 $0xFFFFF086;
	s6 =	sadd.s32 @!p0 s3, s7;
	s7 =	simm.s32 @!p0 $0x108  }
0x21: {  	s3 =	sadd.s32 s3, s9;
	s6 =	sadd.s32 @!p0 $0x88, s6;
	s7 =	simm.s32 @p2 $0x1082  }
0x22: {  	[simem:s7], [sflag:s8] =	dma.local @!p0 [hbm:s6], $0xF7A  }
0x23: {  	s9 =	sor.u32 $0xD0000000, s2;
	s6 =	simm.s32 $0x108;
	_ =	swait.ge @!p0 [sflag:s8], $0x0  }
0x24: {  	s3 =	sadd.s32 $0x88, s3;
	s6 =	simm.s32 @!p1 $0x1082;
	[sflag:s4] =	ssyncset.s32 $0xFFFFF086  }
0x25: {  	[simem:s6], [sflag:s4] =	dma.local [hbm:s3], $0xF7A  }
0x26: {  	[smem:$0x3F9D] =	sst s1;
	(tag) =	ssettag s2;
	_ =	strace s9  }
0x27: {  	s1 =	sld [smem:$0x3FAD]  }
0x28: {  	s2 =	sld [smem:$0x3FAE]  }
0x29: {  	s4 =	sld [smem:$0x3FB0]  }
0x2a: {  	p0 =	seq.s32 s5, $0x0;
	s5 =	sld [smem:$0x3FB1]  }
0x2b: {  	s6 =	sld [smem:$0x3FB2]  }
0x2c: {  	s7 =	sld [smem:$0x3FB3]  }
0x2d: {  	s3 =	simm.s32 $0x108;
	s8 =	sld [smem:$0x3FB4]  }
0x2e: {  	s3 =	simm.s32 @!p0 $0x1082;
	s9 =	sld [smem:$0x3FB5]  }
0x2f: {  	lr =	sadd.s32 s0, s3;
	s0 =	sld [smem:$0x3FAC]  }
0x30: {  	s3 =	sld [smem:$0x3FAF]  }
0x31: {  	[smem:$0x3FB8] =	sst s10  }
0x32: {  	s10 =	sld [smem:$0x3FB6];
	_ =	sdelay $0x3  }
0x33: {  	p0 =	seq.s32 s10, $0x1;
	s10 =	sld [smem:$0x3FB8];
	_ =	sdelay $0x3  }
0x34: {  	[smem:$0x3FB8] =	sst s10  }
0x35: {  	s10 =	sld [smem:$0x3FB7];
	_ =	sdelay $0x3  }
0x36: {  	p1 =	seq.s32 s10, $0x1;
	s10 =	sld [smem:$0x3FB8];
	_ =	sdelay $0x3  }
0x37: {  	[smem:$0x3FB8] =	sst s10  }
0x38: {  	s10 =	sld [smem:$0x3FB9]  }
0x39: {  	_ = 	snop;
	(pc) =	sbr.ind lr, $3  }
0x3a: {  	_ = 	snop  }
0x3b: {  	_ = 	snop  }
0x3c: {  	p2 =	seq.s32 s10, $0x1;
	s10 =	sld [smem:$0x3FB8]  }
0x3d: {  	_ =	shalt  }
0x3e: {  	_ =	shalt  }
0x3f: {  	_ =	shalt  }
0x40: {  	_ =	shalt  }
0x41: {  	_ =	shalt  }
0x42: {  	_ =	shalt  }
0x43: {  	_ =	shalt  }
0x44: {  	_ =	shalt  }
0x45: {  	_ =	shalt  }
0x46: {  	_ =	shalt  }
0x47: {  	_ =	shalt  }
0x48: {  	_ =	shalt  }
0x49: {  	_ =	shalt  }
0x4a: {  	_ =	shalt  }
0x4b: {  	_ =	shalt  }
0x4c: {  	_ =	shalt  }
0x4d: {  	_ =	shalt  }
0x4e: {  	_ =	shalt  }
0x4f: {  	_ =	shalt  }
0x50: {  	_ =	shalt  }
0x51: {  	_ =	shalt  }
0x52: {  	_ =	shalt  }
0x53: {  	_ =	shalt  }
0x54: {  	_ =	shalt  }
0x55: {  	_ =	shalt  }
0x56: {  	_ =	shalt  }
0x57: {  	_ =	shalt  }
0x58: {  	_ =	shalt  }
0x59: {  	_ =	shalt  }
0x5a: {  	_ =	shalt  }
0x5b: {  	_ =	shalt  }
0x5c: {  	_ =	shalt  }
0x5d: {  	_ =	shalt  }
0x5e: {  	_ =	shalt  }
0x5f: {  	_ =	shalt  }
0x60: {  	_ =	shalt  }
0x61: {  	_ =	shalt  }
0x62: {  	_ =	shalt  }
0x63: {  	_ =	shalt  }
0x64: {  	_ =	shalt  }
0x65: {  	_ =	shalt  }
0x66: {  	_ =	shalt  }
0x67: {  	_ =	shalt  }
0x68: {  	_ =	shalt  }
0x69: {  	_ =	shalt  }
0x6a: {  	_ =	shalt  }
0x6b: {  	_ =	shalt  }
0x6c: {  	_ =	shalt  }
0x6d: {  	_ =	shalt  }
0x6e: {  	_ =	shalt  }
0x6f: {  	_ =	shalt  }
0x70: {  	_ =	shalt  }
0x71: {  	_ =	shalt  }
0x72: {  	_ =	shalt  }
0x73: {  	_ =	shalt  }
0x74: {  	_ =	shalt  }
0x75: {  	_ =	shalt  }
0x76: {  	_ =	shalt  }
0x77: {  	_ =	shalt  }
0x78: {  	_ =	shalt  }
0x79: {  	_ =	shalt  }
0x7a: {  	_ =	shalt  }
0x7b: {  	_ =	shalt  }
0x7c: {  	_ =	shalt  }
0x7d: {  	_ =	shalt  }
0x7e: {  	_ =	shalt  }
0x7f: {  	_ =	shalt  }
0x80: {  	_ =	shalt  }
0x81: {  	_ =	shalt  }
0x82: {  	_ =	shalt  }
0x83: {  	_ =	shalt  }
0x84: {  	_ =	shalt  }
0x85: {  	_ =	shalt  }
0x86: {  	_ =	shalt  }
0x87: {  	_ =	shalt  }
.Lfunc_end0:
.L_simem_size_0:
called_computation_lowered:
.L_overlay_start_0:
0x88: {  	s2 =	sld [smem:$0x3FD9]  }
0x89: {  	s3 =	sld [smem:$0x3FFE];
	_ =	sdelay $0x1  }
0x8a: {  	s1 =	srdreg.scid  }
0x8b: {  	s0 =	sand.u32 $0x1, s1  }
0x8c: {  	s14 =	sshll.u32 s0, $0xA;
	s2 =	sadd.s32 s3, s2  }
0x8d: {  	s2 =	sadd.s32 s2, s14  }
0x8e: {  	[smem:$0x3FC4] =	sst s2  }
0x8f: {  	_ = 	snop  }
0x90: {  	s2 =	sld [smem:$0x3FD0];
	_ =	sdelay $0x2  }
0x91: {  	s4 =	simm.s32 $0xA;
	s5 =	simm.s32 $0x10;
	s15 =	sld [smem:$0x3FC7]  }
0x92: {  	[smem:s5], [sflag:s4] =	dma.local [hbm:s2], $0x1  }
0x93: {  	_ =	swait.eq [sflag:s4], $0x1  }
0x94: {  	[sflag:s4] =	ssyncset.done $0x0  }
0x95: {  	[sflag:s4] =	ssyncadd.s32 $0xFFFFFFFF  }
0x96: {  	s16 =	sld [smem:$0x11];
	(tm) =	ssettm $0x1  }
0x97: {  	s17 =	sld [smem:$0x3FFB];
	_ =	sdelay $0x3  }
0x98: {  	_ =	strace s17  }
0x99: {  	s4 =	sld [smem:$0x3FFC];
	_ =	sdelay $0x3  }
0x9a: {  	_ =	strace s4  }
0x9b: {  	s4 =	sld [smem:$0x3FFD];
	_ =	sdelay $0x3  }
0x9c: {  	_ =	strace s4  }
0x9d: {  	_ =	strace $0x8FFFFFFF  }
0x9e: {  	s18 =	sld [smem:$0x3FDB];
	_ =	sdelay $0x1  }
0x9f: {  	s19 =	simm.s32 $_scs_section_size  }
0xa0: {  	s6 =	simm.s32 $_size__tile_overlayer_lowered;
	s7 =	simm.s32 $_tile_overlayer_lowered  }
0xa1: {  	s22 =	simm.s32 $0x1BFF;
	s21 =	sshll.u32 s7, $0x1;
	s4 =	sadd.s32 s19, s18  }
0xa2: {  	s8 =	simm.s32 $0x0;
	s20 =	sshll.u32 s6, $0x1;
	s6 =	sadd.s32 s21, s4  }
0xa3: {  	[timem:s8], [sflag:s22] =	dma.local [hbm:s6], s20  }
0xa4: {  	_ =	swait.ge [sflag:s22], s20  }
0xa5: {  	s5 =	ssub.s32 $0x0, s20;
	[sflag:s22] =	ssyncset.done $0x0  }
0xa6: {  	[sflag:s22] =	ssyncadd.s32 s5;
	_ =	sdelay $0x1  }
0xa7: {  	s23 =	simm.s32 $0x1B8B  }
0xa8: {  	_ =	swait.ge [sflag:s23], $0x1  }
0xa9: {  	[sflag:s23] =	ssyncset.done $0x0  }
0xaa: {  	s25 =	simm.s32 $0x1B8E;
	s24 =	sld [smem:$0x3FFE];
	[sflag:s23] =	ssyncadd.s32 $0xFFFFFFFF  }
0xab: {  	s26 =	simm.s32 $execute0_lowered;
	[smem:$0x3FD2] =	sst s25  }
0xac: {  	s6 =	sshll.u32 s26, $0x1;
	_ =	strace $0x80000049;
	[dreg:$0x1] =	wrdreg $0xFFFFFFFF  }
0xad: {  	s28 =	simm.s32 $_size_execute0_lowered;
	s4 =	sadd.s32 s4, s6;
	[dreg:$0x0] =	wrdreg $0x0  }
0xae: {  	s6 =	sshll.u32 s28, $0x1;
	[dreg:$0x2] =	wrdreg s4  }
0xaf: {  	[dreg:$0x3] =	wrdreg s6  }
0xb0: {  	[dreg:$0x4] =	wrdreg $0xC0  }
0xb1: {  	_ =	task [dreg:s8], $0x5FFFF  }
0xb2: {  	[dreg:$0x1] =	wrdreg $0xFFFFFFFF  }
0xb3: {  	[dreg:$0x0] =	wrdreg $0x60  }
0xb4: {  	[dreg:$0x2] =	wrdreg s15  }
0xb5: {  	[dreg:$0x3] =	wrdreg s16  }
0xb6: {  	[dreg:$0x4] =	wrdreg s24  }
0xb7: {  	[dreg:$0x5] =	wrdreg $0x9  }
0xb8: {  	_ =	task.clear_ibuf [dreg:s8], $0x6FFFF;
	_ =	strace $0x90000049  }
0xb9: {  	s29 =	simm.s32 $0x9;
	_ =	strace $0x8000004B  }
0xba: {  	_ =	swait.ge [sflag:s29], $0x1  }
0xbb: {  	[sflag:s29] =	ssyncadd.s32 $0xFFFFFFFF  }
0xbc: {  	_ =	strace $0x9000004B  }
0xbd: {  	_ =	sfence  }
0xbe: {  	s30 =	sld [smem:$0x0];
	_ =	sdelay $0x2  }
0xbf: {  	s31 =	sshll.u32 s1, $0xD;
	s1 =	sshrl.u32 s1, $0x2  }
0xc0: {  	s3 =	sand.u32 $0x4000, s31;
	s1 =	sadd.s32 s1, s30  }
0xc1: {  	s0 =	sor.u32 s3, s0;
	s1 =	sshll.u32 s1, $0x11  }
0xc2: {  	s0 =	sor.u32 s1, s0  }
0xc3: {  	s0 =	sadd.s32 $0x8F2B, s0  }
0xc4: {  	[sflag:s0] =	ssyncadd.remote.s32 $0x1  }
0xc5: {  	_ =	sfence.sel $0xFFFF  }
0xc6: {  	[dreg:$0x0] =	wrdreg $0xFFFFFFFF;
	(pc) =	sbr.abs _section_cstart, $3  }
0xc7: {  	[dreg:$0x1] =	wrdreg $0xFFFFFFFF  }
0xc8: {  	_ =	task.clear_ibuf [dreg:s8], $0x2FFFF;
	_ =	strace $0x9FFFFFFF  }
0xc9: {  	(tm) =	ssettm $0x7FFFFFFF  }
tec
execute0_lowered:
.L_overlay_start_1:
0x0: {  	(tag) =	ssettag $0x1  }
0x1: {  	s2 =	rddreg [dreg:$0x0]  }
0x2: {  	s3 =	rddreg [dreg:$0x1]  }
0x3: {  	s0 =	stileid.u32;
	s1 =	srdreg.scid  }
0x4: {  	s8 =	rddreg [dreg:$0x2];
	s9 =	simm.s32 $0x1;
	s10 =	simm.s32 $0x3  }
0x5: {  	s13 =	simm.s32 $0x0;
	s4 =	sand.u32 $0x1, s1;
	s5 =	sshll.u32 s0, $0x1  }
0x6: {  	s12 =	simm.s32 $0x0;
	s1 =	rddreg [dreg:$0x3];
	s6 =	sor.u32 s5, s4  }
0x7: {  	_ =	strace $0x8000004A;
	s8 =	sadd.s32 $0xE00, s8;
	s4 =	smul.u32 $0xA00, s6  }
0x8: {  	s5 =	simm.s32 $0x1;
	p0 =	slt.u32 s6, $0x9;
	s6 =	simm.s32 $0x14000  }
.Ltmp0:
0x9: {  	s6 =	simm.s32 @!p0 $0x0;
	s7 =	ssub.s32 $0x19000, s4;
	(pc) =	sbr.rel .LBB2_1-.Ltmp0, $4  }
0xa: {  	s9 =	simm.s32 @!p0 $0x0;
	p0 =	sne.s32 s7, s6;
	s7 =	simm.s32 $0x1  }
0xb: {  	[sflag:s5] =	ssyncpa.u1 $0x0;
	s6 =	simm.s32 $0x2;
	s7 =	simm.s32 @!p0 $0x0  }
0xc: {  	s11 =	smov.u32 s4;
	[sflag:s6] =	ssyncpa.u1 $0x0;
	s7 =	sadd.s32 s9, s7  }
0xd: {  	vm0 =	vmmov $0xffff;
	[sflag:s10] =	ssyncpa.u1 $0x0;
	s10 =	simm.s32 $0x0;
	s9 =	sadd.s32 $0x1, s7  }
.LBB2_4:
0xe: {  	v2 =	vnsel vm1, $0x0, v2  }
0xf: {  	vm1 =	vgt.s32 v0, $0x0;
	v2 =	vmin.u32 v2, $0xF423F  }
0x10: {  	v0 =	vnsel vm1, $0x0, v0  }
0x11: {  	v0 =	vmin.u32 v0, $0xF423F  }
0x12: {  	[tilespmem:s18], [sflag:$0x1] =	stream.indirect_vreg.gather [hbm4b:s2+s10], $0x1, v1, vm0, $0x4038;
	[tilespmem:$0x2800] =	vst v63  }
0x13: {  	(ifvalue) =	ssetifvalue $0x7FFFFFFF  }
0x14: {  	[tilespmem:s15], [sflag:$0x1] =	stream.indirect_vreg.gather [hbm4b:s2+s10], $0x1, v2, vm0, $0x4038;
	[tilespmem:$0x2800] =	vst v63  }
0x15: {  	s29 =	sadd.s32 $0x10, s15;
	(ifvalue) =	ssetifvalue $0x7FFFFFFF  }
0x16: {  	[tilespmem:s29], [sflag:$0x1] =	stream.indirect_vreg.gather [hbm4b:s2+s10], $0x1, v0, vm0, $0x4038;
	[tilespmem:$0x2800] =	vst v63  }
0x17: {  	_ =	swait.ge [sflag:s5], $0xA00  }
0x18: {  	s30 =	sshrl.u32 s13, $0x3;
	[sflag:s5] =	ssyncset.done $0x0  }
0x19: {  	s31 =	sand.u32 $0x7, s13;
	s15 =	sadd.s32 s8, s30;
	[sflag:s5] =	ssyncadd.s32 $0xFFFFF600  }
0x1a: {  	[hbm4b:s15+s31] =	stream.linear.scatter [tilespmem:s14], [sflag:$0x3], $0xA00, $0x38;
	[tilespmem:$0x2800] =	vst v63  }
.LBB2_5:
0x1b: {  	s15 =	sadd.s32 $0x14000, s11  }
0x1c: {  	p1 =	sgt.s32 s15, $0x18FFF  }
0x1d: {  	s15 =	smov.u32 @p1 s4;
	p1 =	sne.s32 s12, s9  }
.Ltmp1:
0x1e: {  	p0 =	slt.u32 s12, $0x2;
	(pc) =	sbr.rel @!p1 .LBB2_6-.Ltmp1, $4  }
0x1f: {  	s14 =	simm.s32 @!p0 $0x3  }
0x20: {  	_ =	swait.ge @!p0 [sflag:s14], $0xA00  }
0x21: {  	s16 =	sadd.s32 $0x1, s12;
	s13 =	smov.u32 s11;
	[sflag:s14] =	ssyncset.done @!p0 $0x0  }
0x22: {  	s12 =	smov.u32 s16;
	s11 =	smov.u32 s15;
	[sflag:s14] =	ssyncadd.s32 @!p0 $0xFFFFF600  }
.LBB2_1:
0x23: {  	p0 =	sge.u32 s12, s7  }
0x24: {  	s14 =	sxor.u32 @!p0 $0x1, s12  }
0x25: {  	s14 =	smul.u32 @!p0 $0x2800, s14  }
0x26: {  	s31 =	sadd.s32 $0xFFFFFFFF, s12;
	s15 =	sshrl.u32 @!p0 s11, $0x3  }
0x27: {  	s16 =	sand.u32 @!p0 $0x7, s11;
	s15 =	sadd.s32 @!p0 s3, s15;
	s14 =	sshra.s32 @!p0 s14, $0x2  }
0x28: {  	[tilespmem:s14], [sflag:$0x2] =	stream.linear.gather @!p0 [hbm4b:s15+s16], $0xA00, $0x38;
	[tilespmem:$0x2800] =	vst v63  }
0x29: {  	p0 =	sge.u32 s31, s7  }
.Ltmp2:
0x2a: {  	_ = 	snop;
	(pc) =	sbr.rel @p0 .LBB2_5-.Ltmp2, $1  }
0x2b: {  	_ =	sdelay $0x3  }
0x2c: {  	s14 =	sand.u32 $0x1, s12  }
0x2d: {  	_ =	swait.ge [sflag:s6], $0xA00;
	p0 =	seq.s32 s14, $0x1;
	s14 =	simm.s32 $0xA00  }
0x2e: {  	[sflag:s6] =	ssyncset.done $0x0;
	s14 =	simm.s32 @!p0 $0x0  }
0x2f: {  	[sflag:s6] =	ssyncadd.s32 $0xFFFFF600;
	(ifvalue) =	ssetifvalue $0x7FFFFFFF;
	v0 =	vld.msk [tilespmem:s14+$0x0 ss:$0x1], $0xffff;
	_ =	sdelay $0x4  }
0x30: {  	s15 =	sadd.s32 $0x10, s14;
	vm1 =	vgt.s32 v0, $0x0  }
0x31: {  	v2 =	vld.msk [tilespmem:s15+$0x0 ss:$0x1], $0xffff;
	v1 =	vnsel vm1, $0x0, v0  }
0x32: {  	v1 =	vmin.u32 v1, $0xF423F;
	_ =	sdelay $0x2  }
0x33: {  	s17 =	simm.s32 $0x20;
	s14 =	sor.u32 $0x1400, s14;
	s16 =	sadd.s32 $0x10, s15  }
0x34: {  	s15 =	sadd.s32 $0x10, s14;
	s18 =	smov.u32 s14;
	v0 =	vld.msk [tilespmem:s16+$0x0 ss:$0x1], $0xffff;
	vm1 =	vgt.s32 v2, $0x0;
	(ifvalue) =	ssetifvalue $0x7FFFFFFF  }
.LBB2_3:
0x35: {  	[tilespmem:s18], [sflag:$0x1] =	stream.indirect_vreg.gather [hbm4b:s2+s10], $0x1, v1, vm0, $0x4038;
	[tilespmem:$0x2800] =	vst v63  }
0x36: {  	s17 =	sadd.s32 $0x10, s17  }
0x37: {  	v2 =	vnsel vm1, $0x0, v2;
	p0 =	slt.u32 s17, $0x9F0  }
.Ltmp3:
0x38: {  	s18 =	smov.u32 s15;
	v1 =	vmin.u32 v2, $0xF423F;
	(pc) =	sbr.rel @p0 .LBB2_3-.Ltmp3, $3  }
0x39: {  	_ =	sdelay $0x1  }
0x3a: {  	s16 =	sadd.s32 $0x10, s16  }
0x3b: {  	vm1 =	vgt.s32 v0, $0x0;
	s15 =	sadd.s32 $0x10, s15;
	v2 =	vmov v0;
	(ifvalue) =	ssetifvalue $0x7FFFFFFF;
	v0 =	vld.msk [tilespmem:s16+$0x0 ss:$0x1], $0xffff  }
.Ltmp4:
0x3c: {  	_ = 	snop;
	(pc) =	sbr.rel .LBB2_4-.Ltmp4, $1  }
0x3d: {  	_ =	sdelay $0x3  }
.LBB2_6:
0x3e: {  	_ =	sfence.sel $0x180000  }
0x3f: {  	s2 =	simm.s32 $0x2;
	[bflag:$0x0] =	sbarrier.arrive $0xFFFF  }
0x40: {  	s30 =	simm.s32 $0x3;
	[sflag:s2] =	ssyncpa.u1 $0x1  }
0x41: {  	s31 =	simm.s32 $0x1;
	[sflag:s30] =	ssyncpa.u1 $0x1  }
0x42: {  	[sflag:s31] =	ssyncpa.u1 $0x1  }
0x43: {  	p0 =	sne.s32 s0, $0x0;
	_ =	strace $0x9000004A  }
0x44: {  	s0 =	sadd.s32 @!p0 $0x100000, s1;
	[bflag:$0x2] =	sbarrier.arrive $0xFFFF  }
0x45: {  	[sflag:s0] =	ssyncadd.tile.s32 @!p0 $0x1;
	_ =	shalt  }
.Lfunc_end2:
_tile_overlayer_lowered:
.L_overlay_start_2:
0x46: {  	(tag) =	ssettag $0x2  }
0x47: {  	s0 =	rddreg [dreg:$0x0];
	s2 =	stileid.u32  }
0x48: {  	s1 =	rddreg [dreg:$0x1];
	p0 =	sne.s32 s2, $0x0  }
0x49: {  	s3 =	rddreg [dreg:$0x2];
	[bflag:$0x3] =	sbarrier.arrive $0xFFFF;
	s2 =	simm.s32 @!p0 $0x1C01  }
0x4a: {  	[timem:s3], [sflag:s2] =	dma.local @!p0 [hbm:s0], s1  }
0x4b: {  	s0 =	simm.s32 @!p0 $0x1  }
0x4c: {  	_ =	swait.ge @!p0 [sflag:s0], s1  }
0x4d: {  	s1 =	ssub.s32 @!p0 $0x0, s1;
	[sflag:s0] =	ssyncset.done @!p0 $0x0  }
0x4e: {  	[sflag:s0] =	ssyncadd.s32 @!p0 s1  }
0x4f: {  	[bflag:$0x3] =	sbarrier.arrive $0xFFFF  }
0x50: {  	_ =	shalt  }

// kernel: kernel.5.cloned.1.call-start
scs
__scs_entry_jumppad:
0x0: {  	(pc) =	sbr.rel $0x88, $3  }
0x1: {  	(tag) =	ssettag $0x0;
	lr =	simm.s32 $0x1  }
0x2: {  	[smem:$0x3F9D] =	sst lr;
	_ =	strace $0xD0000000  }
0x3: {  	_ = 	snop  }
0x4: {  	_ = 	snop  }
0x5: {  	_ = 	snop  }
0x6: {  	_ = 	snop  }
0x7: {  	_ = 	snop  }
__scs_overlays_trampoline_lowered:
0x8: {  	[smem:$0x3FAC] =	sst s0  }
0x9: {  	[smem:$0x3FAD] =	sst s1  }
0xa: {  	[smem:$0x3FAE] =	sst s2  }
0xb: {  	[smem:$0x3FAF] =	sst s3  }
0xc: {  	[smem:$0x3FB0] =	sst s4  }
0xd: {  	[smem:$0x3FB1] =	sst s5  }
0xe: {  	[smem:$0x3FB2] =	sst s6  }
0xf: {  	[smem:$0x3FB3] =	sst s7  }
0x10: {  	[smem:$0x3FB4] =	sst s8  }
0x11: {  	[smem:$0x3FB5] =	sst s9;
	s0 =	simm.s32 @!p0 $0x0  }
0x12: {  	s1 =	sld [smem:$0x3F9B];
	s0 =	simm.s32 @p0 $0x1  }
0x13: {  	[smem:$0x3FB6] =	sst s0;
	s0 =	simm.s32 @!p1 $0x0  }
0x14: {  	s2 =	sld [smem:$0x3F9A];
	s0 =	simm.s32 @p1 $0x1  }
0x15: {  	[smem:$0x3FB7] =	sst s0;
	s0 =	simm.s32 @!p2 $0x0  }
0x16: {  	s3 =	sld [smem:$0x3FDB];
	s0 =	simm.s32 @p2 $0x1  }
0x17: {  	s4 =	simm.s32 $0x1BF5;
	[smem:$0x3FB9] =	sst s0  }
0x18: {  	s0 =	sld [smem:$0x3F9C];
	_ =	swait.ge [sflag:s4], $0x0  }
0x19: {  	s7 =	sld [smem:$0x3F9D]  }
0x1a: {  	s8 =	sadd.s32 $0xFFFFE003, lr  }
0x1b: {  	s9 =	sadd.s32 $0xFFFFFEF7, lr;
	s5 =	simm.s32 $0xFFFFFFFF;
	p2 =	slt.u32 s8, $0xFFFFF086  }
0x1c: {  	p1 =	slt.u32 s9, $0xF7A;
	s5 =	simm.s32 @!p2 $0x0  }
0x1d: {  	s5 =	simm.s32 @p1 $0x1;
	p0 =	seq.s32 s7, s2  }
0x1e: {  	s7 =	smul.u32 @!p0 $0xF7A, s2;
	p2 =	seq.s32 @!p0 s5, $0x0  }
0x1f: {  	s9 =	smul.u32 $0xF7A, s1;
	s8 =	simm.s32 @!p0 $0x1BF5;
	p2 =	por !p2, p0  }
0x20: {  	[sflag:s8] =	ssyncset.s32 @!p0 $0xFFFFF086;
	s6 =	sadd.s32 @!p0 s3, s7;
	s7 =	simm.s32 @!p0 $0x108  }
0x21: {  	s3 =	sadd.s32 s3, s9;
	s6 =	sadd.s32 @!p0 $0x88, s6;
	s7 =	simm.s32 @p2 $0x1082  }
0x22: {  	[simem:s7], [sflag:s8] =	dma.local @!p0 [hbm:s6], $0xF7A  }
0x23: {  	s9 =	sor.u32 $0xD0000000, s2;
	s6 =	simm.s32 $0x108;
	_ =	swait.ge @!p0 [sflag:s8], $0x0  }
0x24: {  	s3 =	sadd.s32 $0x88, s3;
	s6 =	simm.s32 @!p1 $0x1082;
	[sflag:s4] =	ssyncset.s32 $0xFFFFF086  }
0x25: {  	[simem:s6], [sflag:s4] =	dma.local [hbm:s3], $0xF7A  }
0x26: {  	[smem:$0x3F9D] =	sst s1;
	(tag) =	ssettag s2;
	_ =	strace s9  }
0x27: {  	s1 =	sld [smem:$0x3FAD]  }
0x28: {  	s2 =	sld [smem:$0x3FAE]  }
0x29: {  	s4 =	sld [smem:$0x3FB0]  }
0x2a: {  	p0 =	seq.s32 s5, $0x0;
	s5 =	sld [smem:$0x3FB1]  }
0x2b: {  	s6 =	sld [smem:$0x3FB2]  }
0x2c: {  	s7 =	sld [smem:$0x3FB3]  }
0x2d: {  	s3 =	simm.s32 $0x108;
	s8 =	sld [smem:$0x3FB4]  }
0x2e: {  	s3 =	simm.s32 @!p0 $0x1082;
	s9 =	sld [smem:$0x3FB5]  }
0x2f: {  	lr =	sadd.s32 s0, s3;
	s0 =	sld [smem:$0x3FAC]  }
0x30: {  	s3 =	sld [smem:$0x3FAF]  }
0x31: {  	[smem:$0x3FB8] =	sst s10  }
0x32: {  	s10 =	sld [smem:$0x3FB6];
	_ =	sdelay $0x3  }
0x33: {  	p0 =	seq.s32 s10, $0x1;
	s10 =	sld [smem:$0x3FB8];
	_ =	sdelay $0x3  }
0x34: {  	[smem:$0x3FB8] =	sst s10  }
0x35: {  	s10 =	sld [smem:$0x3FB7];
	_ =	sdelay $0x3  }
0x36: {  	p1 =	seq.s32 s10, $0x1;
	s10 =	sld [smem:$0x3FB8];
	_ =	sdelay $0x3  }
0x37: {  	[smem:$0x3FB8] =	sst s10  }
0x38: {  	s10 =	sld [smem:$0x3FB9]  }
0x39: {  	_ = 	snop;
	(pc) =	sbr.ind lr, $3  }
0x3a: {  	_ = 	snop  }
0x3b: {  	_ = 	snop  }
0x3c: {  	p2 =	seq.s32 s10, $0x1;
	s10 =	sld [smem:$0x3FB8]  }
0x3d: {  	_ =	shalt  }
0x3e: {  	_ =	shalt  }
0x3f: {  	_ =	shalt  }
0x40: {  	_ =	shalt  }
0x41: {  	_ =	shalt  }
0x42: {  	_ =	shalt  }
0x43: {  	_ =	shalt  }
0x44: {  	_ =	shalt  }
0x45: {  	_ =	shalt  }
0x46: {  	_ =	shalt  }
0x47: {  	_ =	shalt  }
0x48: {  	_ =	shalt  }
0x49: {  	_ =	shalt  }
0x4a: {  	_ =	shalt  }
0x4b: {  	_ =	shalt  }
0x4c: {  	_ =	shalt  }
0x4d: {  	_ =	shalt  }
0x4e: {  	_ =	shalt  }
0x4f: {  	_ =	shalt  }
0x50: {  	_ =	shalt  }
0x51: {  	_ =	shalt  }
0x52: {  	_ =	shalt  }
0x53: {  	_ =	shalt  }
0x54: {  	_ =	shalt  }
0x55: {  	_ =	shalt  }
0x56: {  	_ =	shalt  }
0x57: {  	_ =	shalt  }
0x58: {  	_ =	shalt  }
0x59: {  	_ =	shalt  }
0x5a: {  	_ =	shalt  }
0x5b: {  	_ =	shalt  }
0x5c: {  	_ =	shalt  }
0x5d: {  	_ =	shalt  }
0x5e: {  	_ =	shalt  }
0x5f: {  	_ =	shalt  }
0x60: {  	_ =	shalt  }
0x61: {  	_ =	shalt  }
0x62: {  	_ =	shalt  }
0x63: {  	_ =	shalt  }
0x64: {  	_ =	shalt  }
0x65: {  	_ =	shalt  }
0x66: {  	_ =	shalt  }
0x67: {  	_ =	shalt  }
0x68: {  	_ =	shalt  }
0x69: {  	_ =	shalt  }
0x6a: {  	_ =	shalt  }
0x6b: {  	_ =	shalt  }
0x6c: {  	_ =	shalt  }
0x6d: {  	_ =	shalt  }
0x6e: {  	_ =	shalt  }
0x6f: {  	_ =	shalt  }
0x70: {  	_ =	shalt  }
0x71: {  	_ =	shalt  }
0x72: {  	_ =	shalt  }
0x73: {  	_ =	shalt  }
0x74: {  	_ =	shalt  }
0x75: {  	_ =	shalt  }
0x76: {  	_ =	shalt  }
0x77: {  	_ =	shalt  }
0x78: {  	_ =	shalt  }
0x79: {  	_ =	shalt  }
0x7a: {  	_ =	shalt  }
0x7b: {  	_ =	shalt  }
0x7c: {  	_ =	shalt  }
0x7d: {  	_ =	shalt  }
0x7e: {  	_ =	shalt  }
0x7f: {  	_ =	shalt  }
0x80: {  	_ =	shalt  }
0x81: {  	_ =	shalt  }
0x82: {  	_ =	shalt  }
0x83: {  	_ =	shalt  }
0x84: {  	_ =	shalt  }
0x85: {  	_ =	shalt  }
0x86: {  	_ =	shalt  }
0x87: {  	_ =	shalt  }
.Lfunc_end0:
.L_simem_size_0:
called_computation.1_lowered:
.L_overlay_start_0:
0x88: {  	s2 =	sld [smem:$0x3FD9]  }
0x89: {  	s3 =	sld [smem:$0x3FFE];
	_ =	sdelay $0x1  }
0x8a: {  	s1 =	srdreg.scid  }
0x8b: {  	s0 =	sand.u32 $0x1, s1  }
0x8c: {  	s14 =	sshll.u32 s0, $0xA;
	s2 =	sadd.s32 s3, s2  }
0x8d: {  	s2 =	sadd.s32 s2, s14  }
0x8e: {  	[smem:$0x3FC4] =	sst s2  }
0x8f: {  	_ = 	snop  }
0x90: {  	s2 =	sld [smem:$0x3FD0];
	_ =	sdelay $0x2  }
0x91: {  	s15 =	simm.s32 $0xA;
	s4 =	simm.s32 $0x10  }
0x92: {  	[smem:s4], [sflag:s15] =	dma.local [hbm:s2], $0x1  }
0x93: {  	_ =	swait.eq [sflag:s15], $0x1  }
0x94: {  	[sflag:s15] =	ssyncset.done $0x0  }
0x95: {  	[sflag:s15] =	ssyncadd.s32 $0xFFFFFFFF  }
0x96: {  	s16 =	sld [smem:$0x11];
	(tm) =	ssettm $0x1  }
0x97: {  	s17 =	sld [smem:$0x3FFB];
	_ =	sdelay $0x3  }
0x98: {  	_ =	strace s17  }
0x99: {  	s3 =	sld [smem:$0x3FFC];
	_ =	sdelay $0x3  }
0x9a: {  	_ =	strace s3  }
0x9b: {  	s3 =	sld [smem:$0x3FFD];
	_ =	sdelay $0x3  }
0x9c: {  	_ =	strace s3  }
0x9d: {  	_ =	strace $0x8FFFFFFF  }
0x9e: {  	s18 =	sld [smem:$0x3FDB];
	_ =	sdelay $0x1  }
0x9f: {  	s19 =	simm.s32 $_scs_section_size  }
0xa0: {  	s5 =	simm.s32 $_size__tile_overlayer_lowered;
	s6 =	simm.s32 $_tile_overlayer_lowered  }
0xa1: {  	s22 =	simm.s32 $0x1BFF;
	s21 =	sshll.u32 s6, $0x1;
	s3 =	sadd.s32 s19, s18  }
0xa2: {  	s7 =	simm.s32 $0x0;
	s20 =	sshll.u32 s5, $0x1;
	s5 =	sadd.s32 s21, s3  }
0xa3: {  	[timem:s7], [sflag:s22] =	dma.local [hbm:s5], s20  }
0xa4: {  	_ =	swait.ge [sflag:s22], s20  }
0xa5: {  	s4 =	ssub.s32 $0x0, s20;
	[sflag:s22] =	ssyncset.done $0x0  }
0xa6: {  	[sflag:s22] =	ssyncadd.s32 s4;
	_ =	sdelay $0x1  }
0xa7: {  	s23 =	simm.s32 $0x1B8B  }
0xa8: {  	_ =	swait.ge [sflag:s23], $0x1  }
0xa9: {  	[sflag:s23] =	ssyncset.done $0x0  }
0xaa: {  	s25 =	simm.s32 $0x1B8E;
	s24 =	sld [smem:$0x3FFE];
	[sflag:s23] =	ssyncadd.s32 $0xFFFFFFFF  }
0xab: {  	s26 =	simm.s32 $execute0_lowered;
	[smem:$0x3FD2] =	sst s25  }
0xac: {  	s5 =	sshll.u32 s26, $0x1;
	_ =	strace $0x80000046;
	[dreg:$0x1] =	wrdreg $0xFFFFFFFF  }
0xad: {  	s28 =	simm.s32 $_size_execute0_lowered;
	s3 =	sadd.s32 s3, s5;
	[dreg:$0x0] =	wrdreg $0x0  }
0xae: {  	s5 =	sshll.u32 s28, $0x1;
	[dreg:$0x2] =	wrdreg s3  }
0xaf: {  	[dreg:$0x3] =	wrdreg s5  }
0xb0: {  	[dreg:$0x4] =	wrdreg $0xC0  }
0xb1: {  	_ =	task [dreg:s7], $0x5FFFF  }
0xb2: {  	[dreg:$0x1] =	wrdreg $0xFFFFFFFF  }
0xb3: {  	[dreg:$0x0] =	wrdreg $0x60  }
0xb4: {  	[dreg:$0x2] =	wrdreg s24  }
0xb5: {  	[dreg:$0x3] =	wrdreg s16  }
0xb6: {  	[dreg:$0x4] =	wrdreg $0x9  }
0xb7: {  	_ =	task.clear_ibuf [dreg:s7], $0x5FFFF;
	_ =	strace $0x90000046  }
0xb8: {  	s29 =	simm.s32 $0x9;
	_ =	strace $0x80000048  }
0xb9: {  	_ =	swait.ge [sflag:s29], $0x1  }
0xba: {  	[sflag:s29] =	ssyncadd.s32 $0xFFFFFFFF  }
0xbb: {  	_ =	strace $0x90000048  }
0xbc: {  	_ =	sfence  }
0xbd: {  	s30 =	sld [smem:$0x0];
	_ =	sdelay $0x2  }
0xbe: {  	s31 =	sshll.u32 s1, $0xD;
	s1 =	sshrl.u32 s1, $0x2  }
0xbf: {  	s3 =	sand.u32 $0x4000, s31;
	s1 =	sadd.s32 s1, s30  }
0xc0: {  	s0 =	sor.u32 s3, s0;
	s1 =	sshll.u32 s1, $0x11  }
0xc1: {  	s0 =	sor.u32 s1, s0  }
0xc2: {  	s0 =	sadd.s32 $0x8F2B, s0  }
0xc3: {  	[sflag:s0] =	ssyncadd.remote.s32 $0x1  }
0xc4: {  	_ =	sfence.sel $0xFFFF  }
0xc5: {  	[dreg:$0x0] =	wrdreg $0xFFFFFFFF;
	(pc) =	sbr.abs _section_cstart, $3  }
0xc6: {  	[dreg:$0x1] =	wrdreg $0xFFFFFFFF  }
0xc7: {  	_ =	task.clear_ibuf [dreg:s7], $0x2FFFF;
	_ =	strace $0x9FFFFFFF  }
0xc8: {  	(tm) =	ssettm $0x7FFFFFFF  }
0xc9: {  	_ =	shalt  }
tec
execute0_lowered:
.L_overlay_start_1:
0x0: {  	(tag) =	ssettag $0x1  }
0x1: {  	s0 =	rddreg [dreg:$0x0];
	s1 =	simm.s32 $0x0;
	s7 =	simm.s32 $0x0  }
0x2: {  	s18 =	srdreg.scid;
	s8 =	stileid.u32;
	s31 =	simm.s32 $0x2  }
0x3: {  	s15 =	simm.s32 $0x7E00;
	s13 =	simm.s32 $0x8600;
	s14 =	simm.s32 $0x8E00  }
0x4: {  	s10 =	simm.s32 $0x9600;
	s11 =	simm.s32 $0xA600;
	[smem:$0x7FF] =	sst s1  }
0x5: {  	s3 =	sadd.s32 $0x1F47200, s0;
	s1 =	sand.u32 $0x1, s18;
	s5 =	sadd.s32 $0x5F47200, s0  }
0x6: {  	s2 =	sadd.s32 $0xE00, s0;
	s4 =	sadd.s32 $0x84E00, s0;
	s21 =	sshll.u32 s8, $0x6  }
0x7: {  	s0 =	sadd.s32 $0x80E00, s0;
	s23 =	sshll.u32 s8, $0x12;
	s24 =	sshll.u32 s8, $0x1A  }
0x8: {  	p0 =	sgt.u32 s8, $0x7;
	_ =	strace $0x80000047;
	[dreg:$0x3] =	wrdreg s2  }
0x9: {  	p1 =	slt.u32 s8, $0x8;
	s19 =	ssub.s32 $0x2, s1;
	[dreg:$0x4] =	wrdreg s4  }
0xa: {  	v0 =	vimm.s32 $0x0;
	v1 =	vlaneseq.u32;
	v2 =	vimm.f32 $-3.402823470e+38;
	s6 =	sshll.u32 s1, $0x5;
	[dreg:$0x5] =	wrdreg s0;
	s25 =	sshll.u32 s1, $0x19  }
0xb: {  	vm0 =	vmmov $0xffff;
	vm1 =	vmmov $0x1;
	v6 =	vimm.s32 $0x0;
	s1 =	sshll.u32 s1, $0x11;
	s4 =	simm.s32 $0x6E00;
	s20 =	sshrl.u32 s19, $0x1  }
0xc: {  	vm3 =	vmmov $0x7;
	vm4 =	vmmov $0xf;
	vm5 =	vmmov $0x1f;
	s6 =	sor.u32 s6, s21;
	s0 =	sor.u32 s1, s23;
	s1 =	simm.s32 $0x7600  }
0xd: {  	vm6 =	vmmov $0x3f;
	vm7 =	vmmov $0x7f;
	vm8 =	vmmov $0xff;
	s2 =	ssub.s32 s19, s20;
	[dreg:$0x6] =	wrdreg s6;
	s26 =	sshll.u32 s6, $0xC  }
.Ltmp0:
0xe: {  	vm9 =	vmmov $0x1ff;
	vm10 =	vmmov $0x3ff;
	vm11 =	vmmov $0x7ff;
	[dreg:$0x8] =	wrdreg s0;
	s22 =	smax.u32 s2, $0x1;
	(pc) =	sbr.rel .LBB2_1-.Ltmp0, $4  }
0xf: {  	vm12 =	vmmov $0xfff;
	vm13 =	vmmov $0x1fff;
	v6 =	vsel vm1, $0xFFFFFFFF, v6;
	s2 =	sor.u32 s24, s25;
	s29 =	sadd.s32 $0xFFE00000, s26;
	[dreg:$0x7] =	wrdreg s22  }
0x10: {  	vm14 =	vmmov $0x3fff;
	vm1 =	vmmov $0x3;
	[tilespmem:$0x1FFE0] =	vst v6;
	v6 =	vimm.s32 $0x0;
	s19 =	simm.s32 $0x1;
	s28 =	ssub.s32 $0x0, s2;
	[dreg:$0xa] =	wrdreg s29  }
0x11: {  	vm15 =	vmmov $0x7fff;
	v4 =	vshrl.u32 v1, $0x3;
	v6 =	vsel vm1, $0xFFFFFFFF, v6;
	s20 =	simm.s32 $0x1400;
	s30 =	ssub.s32 $0x20000000, s2;
	[dreg:$0x9] =	wrdreg s28  }
0x12: {  	v3 =	vand.u32 $0x7, v1;
	v5 =	vor.u32 $0x8, v1;
	v4 =	vmul.u32 $0x8, v4;
	[tilespmem:$0x1FFF0] =	vst v6;
	s0 =	simm.s32 $0x6600;
	s6 =	simm.s32 $0x0;
	[dreg:$0xb] =	wrdreg s30  }
.LBB2_30:
0x13: {  	s6 =	rddreg [dreg:$0xc]  }
0x14: {  	s2 =	rddreg [dreg:$0x7];
	s6 =	sadd.s32 $0x1, s6  }
0x15: {  	p2 =	sne.s32 s6, s2  }
.Ltmp1:
0x16: {  	_ = 	snop;
	(pc) =	sbr.rel @!p2 .LBB2_31-.Ltmp1, $1  }
0x17: {  	_ =	sdelay $0x3  }
.LBB2_1:
0x18: {  	[dreg:$0xc] =	wrdreg s6  }
0x19: {  	s2 =	rddreg [dreg:$0x1];
	s30 =	simm.s32 $0x1000  }
0x1a: {  	[tilespmem:s30], [sflag:$0x2] =	stream.linear.gather [hbm4b:s2+s7], $0x400, $0x38;
	[tilespmem:$0xB700] =	vst v63  }
0x1b: {  	_ =	swait.ge [sflag:s31], $0x400  }
0x1c: {  	[sflag:s31] =	ssyncset.done $0x0  }
0x1d: {  	[sflag:s31] =	ssyncadd.s32 $0xFFFFFC00  }
0x1e: {  	[tilespmem:$0x1400] =	vst v0  }
0x1f: {  	[tilespmem:$0x1410] =	vst v0  }
0x20: {  	[tilespmem:$0x1420] =	vst v0  }
0x21: {  	[tilespmem:$0x1430] =	vst v0  }
0x22: {  	[tilespmem:$0x1440] =	vst v0  }
0x23: {  	[tilespmem:$0x1450] =	vst v0  }
0x24: {  	[tilespmem:$0x1460] =	vst v0  }
0x25: {  	[tilespmem:$0x1470] =	vst v0  }
0x26: {  	[tilespmem:$0x1480] =	vst v0  }
0x27: {  	[tilespmem:$0x1490] =	vst v0  }
0x28: {  	[tilespmem:$0x14A0] =	vst v0  }
0x29: {  	[tilespmem:$0x14B0] =	vst v0  }
0x2a: {  	[tilespmem:$0x14C0] =	vst v0  }
0x2b: {  	[tilespmem:$0x14D0] =	vst v0  }
0x2c: {  	[tilespmem:$0x14E0] =	vst v0  }
0x2d: {  	[tilespmem:$0x14F0] =	vst v0  }
0x2e: {  	[tilespmem:$0x1500] =	vst v0  }
0x2f: {  	[tilespmem:$0x1510] =	vst v0  }
0x30: {  	[tilespmem:$0x1520] =	vst v0  }
0x31: {  	[tilespmem:$0x1530] =	vst v0  }
0x32: {  	[tilespmem:$0x1540] =	vst v0  }
0x33: {  	[tilespmem:$0x1550] =	vst v0  }
0x34: {  	[tilespmem:$0x1560] =	vst v0  }
0x35: {  	[tilespmem:$0x1570] =	vst v0  }
0x36: {  	[tilespmem:$0x1580] =	vst v0  }
0x37: {  	[tilespmem:$0x1590] =	vst v0  }
0x38: {  	[tilespmem:$0x15A0] =	vst v0  }
.Ltmp2:
0x39: {  	[tilespmem:$0x15B0] =	vst v0;
	(pc) =	sbr.rel @p0 .LBB2_16-.Ltmp2, $4  }
0x3a: {  	[tilespmem:$0x15C0] =	vst v0  }
0x3b: {  	[tilespmem:$0x15D0] =	vst v0  }
0x3c: {  	s18 =	rddreg [dreg:$0x9];
	[tilespmem:$0x15E0] =	vst v0  }
0x3d: {  	s17 =	simm.s32 $0x0;
	s12 =	rddreg [dreg:$0x8];
	[tilespmem:$0x15F0] =	vst v0  }
.LBB2_2:
0x3e: {  	s2 =	rddreg [dreg:$0x6];
	s6 =	sshll.u32 s17, $0x7  }
0x3f: {  	s25 =	rddreg [dreg:$0x3];
	s26 =	simm.s32 $0x0;
	s28 =	simm.s32 $0x80  }
0x40: {  	s9 =	simm.s32 $0x400;
	s29 =	sand.u32 $0xF, s17;
	s2 =	sadd.s32 s2, s17  }
0x41: {  	s8 =	sand.u32 $0x380, s6;
	p3 =	sne.s32 s29, $0x0;
	s7 =	sshrl.u32 s2, $0x3  }
0x42: {  	[dreg:$0xf] =	wrdreg s8;
	p2 =	seq.s32 s2, $0x0;
	s24 =	sshll.u32 s7, $0xF  }
0x43: {  	[dreg:$0xe] =	wrdreg s7;
	p2 =	por !p2, !p3;
	s6 =	sor.u32 s8, s24  }
0x44: {  	s7 =	simm.s32 $0x1;
	p2 =	por !p2, !p2;
	s6 =	sshrl.u32 s6, $0x3  }
0x45: {  	s2 =	sshrl.u32 s2, $0x4;
	s7 =	simm.s32 @!p2 $0x0;
	s6 =	sadd.s32 s25, s6  }
0x46: {  	[tilespmem:s26], [sflag:$0x2] =	stream.strided.gather [hbm4b:s6+s28], $0x1000, s9, s28, $0x38;
	[tilespmem:$0xB700] =	vst v63  }
0x47: {  	s2 =	ssub.s32 s2, s7;
	_ =	swait.ge [sflag:s31], $0x1000  }
0x48: {  	s2 =	sshll.u32 s2, $0x6;
	[sflag:s31] =	ssyncset.done $0x0  }
0x49: {  	s2 =	sshra.s32 s2, $0x2;
	[sflag:s31] =	ssyncadd.s32 $0xFFFFF000  }
0x4a: {  	v6 =	vld [tilespmem:s2+$0x1000];
	[tilespmem:$0x9600] =	vst v2  }
0x4b: {  	[tilespmem:$0x9610] =	vst v2  }
0x4c: {  	[tilespmem:$0x9620] =	vst v2  }
0x4d: {  	[tilespmem:$0x9630] =	vst v2  }
0x4e: {  	[tilespmem:$0x9640] =	vst v2  }
0x4f: {  	v7 =	vmov s29;
	[tilespmem:$0x9650] =	vst v2  }
0x50: {  	vm1 =	veq.s32 v7, v1;
	[tilespmem:$0x9660] =	vst v2  }
0x51: {  	[tilespmem:$0x9670] =	vst v2;
	v6 =	vnsel vm1, $0x0, v6  }
0x52: {  	[tilespmem:$0x9680] =	vst v2;
	(xrf2) =	vadd.scan.msk.f32 $0xffff, v6  }
0x53: {  	[tilespmem:$0x9690] =	vst v2  }
0x54: {  	[tilespmem:$0x96A0] =	vst v2  }
0x55: {  	[tilespmem:$0x96B0] =	vst v2  }
0x56: {  	[tilespmem:$0x96C0] =	vst v2  }
0x57: {  	[tilespmem:$0x96D0] =	vst v2  }
0x58: {  	[tilespmem:$0x96E0] =	vst v2  }
0x59: {  	s30 =	simm.s32 $0x0;
	[tilespmem:$0x96F0] =	vst v2  }
0x5a: {  	v7 =	vld [tilespmem:s30+$0x0];
	_ =	sdelay $0x1  }
0x5b: {  	v6, _, _ =	vpop (xrf2)  }
0x5c: {  	v6 =	vbroadcast v6, $0xF;
	_ =	sdelay $0x1  }
0x5d: {  	vm1 =	vge.f32 v7, v6  }
0x5e: {  	v7 =	vsel vm1, $0x1, v0  }
0x5f: {  	(xrf0) =	vadd.scan.msk.s32 $0xffff, v7;
	_ =	sdelay $0x5  }
0x60: {  	v7 =	vimm.s32 $0x0;
	v8, _, _ =	vpop (xrf0)  }
0x61: {  	v8 =	vadd.s32 v8, v7  }
0x62: {  	v8 =	vadd.s32 $0xFFFFFFFF, v8  }
0x63: {  	vm2 =	vlt.s32 v8, $0x1FF  }
0x64: {  	v9 =	vnsel vm2, $0x1FF, v8;
	v8 =	vmpcnt.ones.xlane vm1;
	_ =	sdelay $0x1  }
0x65: {  	v8 =	vadd.s32 v7, v8;
	v7 =	vor.u32 s12, v1;
	_ =	sdelay $0x1  }
0x66: {  	s7 =	simm.s32 $0x10  }
0x67: {  	s6 =	simm.s32 $0x80;
	[dreg:$0xd] =	wrdreg s12;
	s2 =	smov.u32 s12;
	[tilespmem:v9+s20+$0x0] =	vst.idx.msk vm1, v7;
	v7 =	vmov v8  }
.LBB2_3:
0x68: {  	p2 =	sne.s32 s6, $0x3FC0;
	v9 =	vld [tilespmem:s7+$0x0];
	_ =	sdelay $0x4  }
0x69: {  	vm1 =	vge.f32 v9, v6  }
0x6a: {  	v9 =	vsel vm1, $0x1, v0;
	v10 =	vmpcnt.ones.xlane vm1  }
0x6b: {  	(xrf0) =	vadd.scan.msk.s32 $0xffff, v9  }
0x6c: {  	v8 =	vadd.s32 v8, v10;
	_ =	sdelay $0x4  }
0x6d: {  	v9, _, _ =	vpop (xrf0)  }
0x6e: {  	v9 =	vadd.s32 v9, v7;
	v7 =	vmov v8  }
0x6f: {  	v9 =	vadd.s32 $0xFFFFFFFF, v9  }
0x70: {  	vm2 =	vlt.s32 v9, $0x1FF  }
0x71: {  	v9 =	vnsel vm2, $0x1FF, v9  }
.Ltmp3:
0x72: {  	(pc) =	sbr.rel @p2 .LBB2_3-.Ltmp3, $4  }
0x73: {  	_ = 	snop  }
0x74: {  	s2 =	sadd.s32 $0x10, s2  }
0x75: {  	v10 =	vor.u32 s2, v1  }
0x76: {  	s7 =	sshra.s32 s6, $0x2;
	s6 =	sadd.s32 $0x40, s6;
	[tilespmem:v9+s20+$0x0] =	vst.idx.msk vm1, v10  }
0x77: {  	v9 =	vld [tilespmem:s7+$0x0];
	_ =	sdelay $0x4  }
0x78: {  	vm1 =	vge.f32 v9, v6  }
0x79: {  	v9 =	vmpcnt.ones.xlane vm1;
	_ =	sdelay $0x1  }
0x7a: {  	v10 =	vsel vm1, $0x1, v0;
	v8 =	vadd.s32 v8, v9  }
0x7b: {  	(xrf0) =	vadd.scan.msk.s32 $0xffff, v10;
	v8 =	vxor.u32 $0x80000000, v8  }
0x7c: {  	(xrf0) =	vmax.scan.msk.u32 $0xffff, v8;
	_ =	sdelay $0x4  }
0x7d: {  	v8, _, _ =	vpop (xrf0)  }
0x7e: {  	v63, _, _ =	vpop (xrf0)  }
0x7f: {  	(v2sf) =	vpush v63, $0xF;
	_ =	sdelay $0xd  }
0x80: {  	v7 =	vadd.s32 v8, v7  }
0x81: {  	v7 =	vadd.s32 $0xFFFFFFFF, v7;
	s6 =	spop (v2sf)  }
0x82: {  	vm2 =	vlt.s32 v7, $0x1FF;
	s6 =	sxor.u32 $0x80000000, s6  }
0x83: {  	v7 =	vnsel vm2, $0x1FF, v7;
	p2 =	slt.s32 s6, $0x1  }
.Ltmp4:
0x84: {  	_ = 	snop;
	(pc) =	sbr.rel @p2 .LBB2_12-.Ltmp4, $4  }
0x85: {  	_ = 	snop  }
0x86: {  	s2 =	sadd.s32 $0x10, s2  }
0x87: {  	v8 =	vor.u32 s2, v1  }
0x88: {  	[tilespmem:v7+s20+$0x0] =	vst.idx.msk vm1, v8  }
0x89: {  	p2 =	slt.s32 s6, $0x200  }
.Ltmp5:
0x8a: {  	s6 =	simm.s32 @!p2 $0x200;
	(pc) =	sbr.rel .LBB2_6-.Ltmp5, $4  }
0x8b: {  	p2 =	sgt.s32 s6, $0x80;
	s2 =	smov.u32 s6  }
0x8c: {  	s2 =	simm.s32 @!p2 $0x80  }
0x8d: {  	s16 =	simm.s32 $0x0;
	s7 =	simm.s32 $0x0;
	s2 =	sadd.s32 $0xFFFFFFFF, s2  }
0x8e: {  	v7 =	vimm.s32 $0x0;
	s8 =	smov.u32 s6;
	s9 =	sshrl.u32 s2, $0x7;
	s2 =	simm.s32 $0x0  }
.LBB2_11:
0x8f: {  	p2 =	sne.s32 s7, s9  }
.Ltmp6:
0x90: {  	_ = 	snop;
	(pc) =	sbr.rel @!p2 .LBB2_12-.Ltmp6, $3  }
0x91: {  	_ =	sdelay $0x1  }
0x92: {  	s12 =	sadd.s32 $0x1, s7  }
0x93: {  	s8 =	sadd.s32 $0xFFFFFF80, s8;
	s16 =	sshll.u32 s12, $0x7;
	s7 =	smov.u32 s12  }
.LBB2_6:
0x94: {  	s12 =	sshll.u32 s7, $0x9  }
0x95: {  	s12 =	sshra.s32 s12, $0x2  }
0x96: {  	v8 =	vld [tilespmem:s12+$0x1400];
	_ =	sdelay $0x4  }
0x97: {  	v9 =	vshll.u32 v8, $0x1  }
0x98: {  	v8 =	vand.u32 $0x7, v8;
	v9 =	vand.u32 $0xFFFFFFF0, v9  }
0x99: {  	v8 =	vor.u32 v8, v9  }
0x9a: {  	v9 =	vperm.xlane v8, v3;
	_ =	sdelay $0x1  }
0x9b: {  	v8 =	vperm.xlane v8, v5;
	v9 =	vadd.s32 v4, v9;
	_ =	sdelay $0x1  }
0x9c: {  	v8 =	vadd.s32 v4, v8;
	_ =	sdelay $0x1  }
0x9d: {  	s21 =	simm.s32 $0x1600  }
0x9e: {  	[tilespmem:s21], [sflag:$0x1] =	stream.indirect_vreg.gather [hbm4b:s3+s2], $0x80, v9, vm0, $0xb8;
	[tilespmem:$0xB700] =	vst v63  }
0x9f: {  	s29 =	simm.s32 $0x1E00  }
0xa0: {  	[tilespmem:s29], [sflag:$0x1] =	stream.indirect_vreg.gather [hbm4b:s3+s2], $0x80, v8, vm0, $0xb8;
	[tilespmem:$0xB700] =	vst v63  }
0xa1: {  	v8 =	vld [tilespmem:s12+$0x1410];
	_ =	sdelay $0x4  }
0xa2: {  	v57 =	vshll.u32 v8, $0x1  }
0xa3: {  	v8 =	vand.u32 $0x7, v8;
	v9 =	vand.u32 $0xFFFFFFF0, v57  }
0xa4: {  	v8 =	vor.u32 v8, v9  }
0xa5: {  	v9 =	vperm.xlane v8, v3;
	_ =	sdelay $0x1  }
0xa6: {  	v8 =	vperm.xlane v8, v5;
	v9 =	vadd.s32 v4, v9;
	_ =	sdelay $0x1  }
0xa7: {  	v8 =	vadd.s32 v4, v8;
	_ =	sdelay $0x1  }
0xa8: {  	s30 =	simm.s32 $0x2600  }
0xa9: {  	[tilespmem:s30], [sflag:$0x1] =	stream.indirect_vreg.gather [hbm4b:s3+s2], $0x80, v9, vm0, $0xb8;
	[tilespmem:$0xB700] =	vst v63  }
0xaa: {  	s22 =	simm.s32 $0x2E00  }
0xab: {  	[tilespmem:s22], [sflag:$0x1] =	stream.indirect_vreg.gather [hbm4b:s3+s2], $0x80, v8, vm0, $0xb8;
	[tilespmem:$0xB700] =	vst v63  }
0xac: {  	v8 =	vld [tilespmem:s12+$0x1420];
	_ =	sdelay $0x4  }
0xad: {  	v58 =	vshll.u32 v8, $0x1  }
0xae: {  	v8 =	vand.u32 $0x7, v8;
	v9 =	vand.u32 $0xFFFFFFF0, v58  }
0xaf: {  	v8 =	vor.u32 v8, v9  }
0xb0: {  	v9 =	vperm.xlane v8, v3;
	_ =	sdelay $0x1  }
0xb1: {  	v8 =	vperm.xlane v8, v5;
	v9 =	vadd.s32 v4, v9;
	_ =	sdelay $0x1  }
0xb2: {  	v8 =	vadd.s32 v4, v8;
	_ =	sdelay $0x1  }
0xb3: {  	s23 =	simm.s32 $0x3600  }
0xb4: {  	[tilespmem:s23], [sflag:$0x1] =	stream.indirect_vreg.gather [hbm4b:s3+s2], $0x80, v9, vm0, $0xb8;
	[tilespmem:$0xB700] =	vst v63  }
0xb5: {  	s24 =	simm.s32 $0x3E00  }
0xb6: {  	[tilespmem:s24], [sflag:$0x1] =	stream.indirect_vreg.gather [hbm4b:s3+s2], $0x80, v8, vm0, $0xb8;
	[tilespmem:$0xB700] =	vst v63  }
0xb7: {  	v8 =	vld [tilespmem:s12+$0x1430];
	_ =	sdelay $0x4  }
0xb8: {  	v59 =	vshll.u32 v8, $0x1  }
0xb9: {  	v8 =	vand.u32 $0x7, v8;
	v9 =	vand.u32 $0xFFFFFFF0, v59  }
0xba: {  	v8 =	vor.u32 v8, v9  }
0xbb: {  	v9 =	vperm.xlane v8, v3;
	_ =	sdelay $0x1  }
0xbc: {  	v8 =	vperm.xlane v8, v5;
	v9 =	vadd.s32 v4, v9;
	_ =	sdelay $0x1  }
0xbd: {  	v8 =	vadd.s32 v4, v8;
	_ =	sdelay $0x1  }
0xbe: {  	s25 =	simm.s32 $0x4600  }
0xbf: {  	[tilespmem:s25], [sflag:$0x1] =	stream.indirect_vreg.gather [hbm4b:s3+s2], $0x80, v9, vm0, $0xb8;
	[tilespmem:$0xB700] =	vst v63  }
0xc0: {  	s26 =	simm.s32 $0x4E00  }
0xc1: {  	[tilespmem:s26], [sflag:$0x1] =	stream.indirect_vreg.gather [hbm4b:s3+s2], $0x80, v8, vm0, $0xb8;
	[tilespmem:$0xB700] =	vst v63  }
0xc2: {  	v8 =	vld [tilespmem:s12+$0x1440];
	_ =	sdelay $0x4  }
0xc3: {  	v60 =	vshll.u32 v8, $0x1  }
0xc4: {  	v8 =	vand.u32 $0x7, v8;
	v9 =	vand.u32 $0xFFFFFFF0, v60  }
0xc5: {  	v8 =	vor.u32 v8, v9  }
0xc6: {  	v9 =	vperm.xlane v8, v3;
	_ =	sdelay $0x1  }
0xc7: {  	v8 =	vperm.xlane v8, v5;
	v9 =	vadd.s32 v4, v9;
	_ =	sdelay $0x1  }
0xc8: {  	v8 =	vadd.s32 v4, v8;
	_ =	sdelay $0x1  }
0xc9: {  	s28 =	simm.s32 $0x5600  }
0xca: {  	[tilespmem:s28], [sflag:$0x1] =	stream.indirect_vreg.gather [hbm4b:s3+s2], $0x80, v9, vm0, $0xb8;
	[tilespmem:$0xB700] =	vst v63  }
0xcb: {  	s29 =	simm.s32 $0x5E00  }
0xcc: {  	[tilespmem:s29], [sflag:$0x1] =	stream.indirect_vreg.gather [hbm4b:s3+s2], $0x80, v8, vm0, $0xb8;
	[tilespmem:$0xB700] =	vst v63  }
0xcd: {  	v8 =	vld [tilespmem:s12+$0x1450];
	_ =	sdelay $0x4  }
0xce: {  	v61 =	vshll.u32 v8, $0x1  }
0xcf: {  	v8 =	vand.u32 $0x7, v8;
	v9 =	vand.u32 $0xFFFFFFF0, v61  }
0xd0: {  	v8 =	vor.u32 v8, v9  }
0xd1: {  	v9 =	vperm.xlane v8, v3;
	_ =	sdelay $0x1  }
0xd2: {  	v8 =	vperm.xlane v8, v5;
	v9 =	vadd.s32 v4, v9;
	_ =	sdelay $0x1  }
0xd3: {  	v8 =	vadd.s32 v4, v8;
	_ =	sdelay $0x2  }
0xd4: {  	[tilespmem:s0], [sflag:$0x1] =	stream.indirect_vreg.gather [hbm4b:s3+s2], $0x80, v9, vm0, $0xb8;
	[tilespmem:$0xB700] =	vst v63  }
0xd5: {  	_ = 	snop  }
0xd6: {  	[tilespmem:s4], [sflag:$0x1] =	stream.indirect_vreg.gather [hbm4b:s3+s2], $0x80, v8, vm0, $0xb8;
	[tilespmem:$0xB700] =	vst v63  }
0xd7: {  	v8 =	vld [tilespmem:s12+$0x1460];
	_ =	sdelay $0x4  }
0xd8: {  	v62 =	vshll.u32 v8, $0x1  }
0xd9: {  	v8 =	vand.u32 $0x7, v8;
	v9 =	vand.u32 $0xFFFFFFF0, v62  }
0xda: {  	v8 =	vor.u32 v8, v9  }
0xdb: {  	v9 =	vperm.xlane v8, v3;
	_ =	sdelay $0x1  }
0xdc: {  	v8 =	vperm.xlane v8, v5;
	v9 =	vadd.s32 v4, v9;
	_ =	sdelay $0x1  }
0xdd: {  	v8 =	vadd.s32 v4, v8;
	_ =	sdelay $0x2  }
0xde: {  	[tilespmem:s1], [sflag:$0x1] =	stream.indirect_vreg.gather [hbm4b:s3+s2], $0x80, v9, vm0, $0xb8;
	[tilespmem:$0xB700] =	vst v63  }
0xdf: {  	_ = 	snop  }
0xe0: {  	[tilespmem:s15], [sflag:$0x1] =	stream.indirect_vreg.gather [hbm4b:s3+s2], $0x80, v8, vm0, $0xb8;
	[tilespmem:$0xB700] =	vst v63  }
0xe1: {  	v8 =	vld [tilespmem:s12+$0x1470];
	_ =	sdelay $0x4  }
0xe2: {  	v63 =	vshll.u32 v8, $0x1  }
0xe3: {  	v8 =	vand.u32 $0x7, v8;
	v9 =	vand.u32 $0xFFFFFFF0, v63  }
0xe4: {  	v8 =	vor.u32 v8, v9  }
0xe5: {  	v9 =	vperm.xlane v8, v3;
	_ =	sdelay $0x1  }
0xe6: {  	v8 =	vperm.xlane v8, v5;
	v9 =	vadd.s32 v4, v9;
	_ =	sdelay $0x1  }
0xe7: {  	v8 =	vadd.s32 v4, v8  }
0xe8: {  	s30 =	ssub.s32 s6, s16  }
0xe9: {  	p2 =	slt.s32 s30, $0x1  }
0xea: {  	[tilespmem:s13], [sflag:$0x1] =	stream.indirect_vreg.gather [hbm4b:s3+s2], $0x80, v9, vm0, $0xb8;
	[tilespmem:$0xB700] =	vst v63  }
.Ltmp7:
0xeb: {  	_ = 	snop;
	(pc) =	sbr.rel @p2 .LBB2_11-.Ltmp7, $4  }
0xec: {  	[tilespmem:s14], [sflag:$0x1] =	stream.indirect_vreg.gather [hbm4b:s3+s2], $0x80, v8, vm0, $0xb8;
	[tilespmem:$0xB700] =	vst v63  }
0xed: {  	_ =	swait.ge [sflag:s19], $0x8000  }
0xee: {  	[sflag:s19] =	ssyncset.done $0x0  }
0xef: {  	[sflag:s19] =	ssyncadd.s32 $0xFFFF8000  }
0xf0: {  	p2 =	sgt.s32 s8, $0x1;
	s12 =	smov.u32 s8  }
0xf1: {  	s12 =	simm.s32 @!p2 $0x1  }
0xf2: {  	s21 =	simm.s32 $0x0;
	s12 =	smin.u32 s12, $0x80  }
.LBB2_8:
0xf3: {  	s22 =	sadd.s32 s16, s21;
	s23 =	sand.u32 $0xF, s21  }
0xf4: {  	p2 =	seq.s32 s22, $0x0;
	p3 =	sne.s32 s23, $0x0  }
0xf5: {  	p2 =	por !p2, !p3  }
0xf6: {  	s24 =	simm.s32 $0x1;
	p2 =	por !p2, !p2  }
0xf7: {  	s22 =	sshrl.u32 s22, $0x4;
	s24 =	simm.s32 @!p2 $0x0  }
0xf8: {  	s22 =	ssub.s32 s22, s24  }
0xf9: {  	s22 =	sshll.u32 s22, $0x6  }
0xfa: {  	s22 =	sshra.s32 s22, $0x2  }
0xfb: {  	v8 =	vld [tilespmem:s22+$0x1400];
	_ =	sdelay $0x2  }
0xfc: {  	v9 =	vmov s23  }
0xfd: {  	s23 =	sshll.u32 s21, $0x8;
	vm1 =	veq.s32 v9, v1;
	s24 =	sshll.u32 s21, $0x7  }
0xfe: {  	s22 =	sand.u32 $0xFFFFF800, s23;
	s23 =	sand.u32 $0x380, s24;
	v8 =	vnsel vm1, $0x0, v8  }
0xff: {  	s25 =	simm.s32 $0x0;
	s22 =	sor.u32 s23, s22;
	(xrf0) =	vadd.scan.msk.s32 $0xffff, v8  }
0x100: {  	s26 =	sand.u32 $0x400, s25;
	s22 =	sadd.s32 $0x1600, s22  }
0x101: {  	s23 =	sand.u32 $0x70, s25;
	s24 =	sadd.s32 s26, s22  }
0x102: {  	s23 =	sadd.s32 s23, s24  }
0x103: {  	v8 =	vld [tilespmem:s23+$0x0];
	_ =	sdelay $0x1  }
0x104: {  	v9, _, _ =	vpop (xrf0)  }
0x105: {  	(v2sf) =	vpush v9, $0xF;
	_ =	sdelay $0x1  }
0x106: {  	vm1 =	vge.f32 v8, v6  }
0x107: {  	v9 =	vsel vm1, $0x1, v0  }
0x108: {  	(xrf0) =	vadd.scan.msk.s32 $0xffff, v9;
	_ =	sdelay $0x5  }
0x109: {  	v9, _, _ =	vpop (xrf0)  }
0x10a: {  	v9 =	vadd.s32 v9, v7  }
0x10b: {  	v9 =	vadd.s32 $0xFFFFFFFF, v9  }
0x10c: {  	vm2 =	vlt.s32 v9, $0xFEF  }
0x10d: {  	v9 =	vnsel vm2, $0xFEF, v9  }
0x10e: {  	s30 =	spop (v2sf)  }
0x10f: {  	v10 =	vmpcnt.ones.xlane vm1;
	s23 =	sshll.u32 s30, $0x8  }
0x110: {  	s25 =	simm.s32 $0x80;
	s23 =	sadd.s32 s23, s18  }
0x111: {  	s26 =	sand.u32 $0x400, s25;
	s24 =	simm.s32 $0x10;
	v7 =	vadd.s32 v7, v10;
	s30 =	sadd.s32 $0x0, s23  }
0x112: {  	s29 =	sadd.s32 s26, s22;
	s26 =	simm.s32 $0x20;
	s28 =	sand.u32 $0x70, s24;
	[tilespmem:v9+s10+$0x0] =	vst.idx.msk vm1, v8;
	v8 =	vmov v7;
	v10 =	vor.u32 s30, v1  }
.LBB2_9:
0x113: {  	p2 =	sne.s32 s26, $0xF0;
	s28 =	sadd.s32 s28, s29;
	[tilespmem:v9+s11+$0x0] =	vst.idx.msk vm1, v10  }
0x114: {  	v10 =	vld [tilespmem:s28+$0x0];
	_ =	sdelay $0x4  }
0x115: {  	vm1 =	vge.f32 v10, v6  }
0x116: {  	v9 =	vsel vm1, $0x1, v0;
	v11 =	vmpcnt.ones.xlane vm1  }
0x117: {  	(xrf0) =	vadd.scan.msk.s32 $0xffff, v9  }
0x118: {  	v7 =	vadd.s32 v7, v11;
	_ =	sdelay $0x4  }
0x119: {  	v9, _, _ =	vpop (xrf0)  }
0x11a: {  	v9 =	vadd.s32 v9, v8;
	v8 =	vmov v7  }
0x11b: {  	v9 =	vadd.s32 $0xFFFFFFFF, v9  }
0x11c: {  	vm2 =	vlt.s32 v9, $0xFEF  }
0x11d: {  	v9 =	vnsel vm2, $0xFEF, v9  }
.Ltmp8:
0x11e: {  	(pc) =	sbr.rel @p2 .LBB2_9-.Ltmp8, $4  }
0x11f: {  	_ = 	snop  }
0x120: {  	s25 =	sadd.s32 $0x80, s25  }
0x121: {  	s30 =	sadd.s32 s24, s23;
	s24 =	smov.u32 s26;
	s29 =	sand.u32 $0x400, s25  }
0x122: {  	s26 =	sadd.s32 $0x10, s26;
	s28 =	sand.u32 $0x70, s24;
	s29 =	sadd.s32 s29, s22;
	[tilespmem:v9+s10+$0x0] =	vst.idx.msk vm1, v10;
	v10 =	vor.u32 s30, v1  }
0x123: {  	_ =	sdelay $0x4  }
0x124: {  	s22 =	sadd.s32 s28, s29;
	[tilespmem:v9+s11+$0x0] =	vst.idx.msk vm1, v10  }
0x125: {  	v9 =	vld [tilespmem:s22+$0x0];
	_ =	sdelay $0x4  }
0x126: {  	vm1 =	vge.f32 v9, v6  }
0x127: {  	v61 =	vsel vm1, $0x1, v0  }
0x128: {  	(xrf0) =	vadd.scan.msk.s32 $0xffff, v61;
	_ =	sdelay $0x5  }
0x129: {  	v10, _, _ =	vpop (xrf0)  }
0x12a: {  	v8 =	vadd.s32 v10, v8  }
0x12b: {  	v8 =	vadd.s32 $0xFFFFFFFF, v8  }
0x12c: {  	vm2 =	vlt.s32 v8, $0xFEF  }
0x12d: {  	s21 =	sadd.s32 $0x1, s21;
	v8 =	vnsel vm2, $0xFEF, v8  }
0x12e: {  	p2 =	sne.s32 s21, s12  }
.Ltmp9:
0x12f: {  	_ = 	snop;
	(pc) =	sbr.rel @p2 .LBB2_8-.Ltmp9, $4  }
.Ltmp10:
0x130: {  	_ = 	snop;
	(pc) =	sbr.rel @!p2 .LBB2_11-.Ltmp10, $4  }
0x131: {  	s30 =	sadd.s32 s24, s23;
	v62 =	vmpcnt.ones.xlane vm1  }
0x132: {  	v63 =	vor.u32 s30, v1;
	[tilespmem:v8+s10+$0x0] =	vst.idx.msk vm1, v9  }
0x133: {  	v7 =	vadd.s32 v7, v62;
	[tilespmem:v8+s11+$0x0] =	vst.idx.msk vm1, v63  }
0x134: {  	_ = 	snop  }
.LBB2_12:
0x135: {  	v6 =	vld [tilespmem:$0x9600]  }
0x136: {  	v7 =	vld [tilespmem:$0x9610]  }
0x137: {  	v8 =	vld [tilespmem:$0x9620]  }
0x138: {  	v9 =	vld [tilespmem:$0x9630]  }
0x139: {  	v10 =	vld [tilespmem:$0x9640]  }
0x13a: {  	v15 =	vld [tilespmem:$0x1FFE0]  }
0x13b: {  	v59 =	vld [tilespmem:$0x1FFF0]  }
0x13c: {  	(xrf0) =	vmax.scan.msk.f32 $0xffff, v6;
	v6 =	vld [tilespmem:$0x9650]  }
0x13d: {  	(xrf0) =	vmax.scan.msk.f32 $0xffff, v7;
	v7 =	vld [tilespmem:$0x9660]  }
0x13e: {  	(xrf0) =	vmax.scan.msk.f32 $0xffff, v8;
	v8 =	vld [tilespmem:$0x9670]  }
0x13f: {  	(xrf0) =	vmax.scan.msk.f32 $0xffff, v9;
	v9 =	vld [tilespmem:$0x9680]  }
0x140: {  	(xrf0) =	vmax.scan.msk.f32 $0xffff, v10;
	v10 =	vld [tilespmem:$0x9690]  }
0x141: {  	(xrf0) =	vmax.scan.msk.f32 $0xffff, v6;
	v6 =	vld [tilespmem:$0x96A0]  }
0x142: {  	v11, _, _ =	vpop (xrf0);
	(xrf0) =	vmax.scan.msk.f32 $0xffff, v7  }
0x143: {  	v12, _, _ =	vpop (xrf0);
	(xrf0) =	vmax.scan.msk.f32 $0xffff, v8  }
0x144: {  	v7 =	vld [tilespmem:$0x96B0];
	v11 =	vbroadcast v11, $0xF;
	v12 =	vbroadcast v12, $0xF;
	v13, _, _ =	vpop (xrf0);
	(xrf0) =	vmax.scan.msk.f32 $0xffff, v9  }
0x145: {  	vm1 =	vnez.u8 v15;
	v13 =	vbroadcast v13, $0xF;
	v14, _, _ =	vpop (xrf0);
	(xrf0) =	vmax.scan.msk.f32 $0xffff, v10  }
0x146: {  	v8 =	vld [tilespmem:$0x96C0];
	v11 =	vsel vm1, v11, v12;
	v58, _, _ =	vpop (xrf0);
	(xrf0) =	vmax.scan.msk.f32 $0xffff, v6;
	v6 =	vbroadcast v14, $0xF;
	vm1 =	vnez.u8 v59  }
0x147: {  	v9 =	vld [tilespmem:$0x96D0];
	v11 =	vsel vm1, v11, v13;
	v60, _, _ =	vpop (xrf0)  }
0x148: {  	v10 =	vld [tilespmem:$0x96E0];
	v6 =	vsel vm3, v11, v6;
	v11 =	vbroadcast v60, $0xF  }
0x149: {  	(xrf0) =	vmax.scan.msk.f32 $0xffff, v7;
	v7 =	vbroadcast v58, $0xF  }
0x14a: {  	v61, _, _ =	vpop (xrf0)  }
0x14b: {  	(xrf0) =	vmax.scan.msk.f32 $0xffff, v8;
	v6 =	vsel vm4, v6, v7;
	v7 =	vbroadcast v61, $0xF;
	v62, _, _ =	vpop (xrf0)  }
0x14c: {  	(xrf0) =	vmax.scan.msk.f32 $0xffff, v9;
	v6 =	vsel vm5, v6, v11;
	v9 =	vbroadcast v62, $0xF;
	v11, _, _ =	vpop (xrf0)  }
0x14d: {  	v8 =	vld [tilespmem:$0x96F0];
	v6 =	vsel vm6, v6, v7;
	(xrf0) =	vmax.scan.msk.f32 $0xffff, v10;
	v10, _, _ =	vpop (xrf0);
	v7 =	vbroadcast v11, $0xF  }
0x14e: {  	v6 =	vsel vm7, v6, v9;
	v11, _, _ =	vpop (xrf0);
	v9 =	vbroadcast v10, $0xF  }
0x14f: {  	v6 =	vsel vm8, v6, v7;
	v10, _, _ =	vpop (xrf0)  }
0x150: {  	v6 =	vsel vm9, v6, v9;
	v9 =	vbroadcast v10, $0xF  }
0x151: {  	v7 =	vbroadcast v11, $0xF  }
0x152: {  	(xrf0) =	vmax.scan.msk.f32 $0xffff, v8;
	v8, _, _ =	vpop (xrf0)  }
0x153: {  	v10, _, _ =	vpop (xrf0);
	v6 =	vsel vm10, v6, v7;
	v7 =	vbroadcast v8, $0xF  }
0x154: {  	v6 =	vsel vm11, v6, v9;
	v9, _, _ =	vpop (xrf0)  }
0x155: {  	v6 =	vsel vm12, v6, v7;
	v7 =	vbroadcast v9, $0xF  }
0x156: {  	v8 =	vbroadcast v10, $0xF;
	_ =	sdelay $0x1  }
0x157: {  	v6 =	vsel vm13, v6, v8  }
0x158: {  	v6 =	vsel vm14, v6, v7;
	v7, _, _ =	vpop (xrf0)  }
0x159: {  	v6 =	vsel vm15, v6, v7  }
0x15a: {  	(xrf0) =	vmax.scan.msk.f32 $0xffff, v6;
	_ =	sdelay $0x5  }
0x15b: {  	v7, _, _ =	vpop (xrf0)  }
0x15c: {  	v7 =	vbroadcast v7, $0xF;
	_ =	sdelay $0x1  }
0x15d: {  	vm1 =	veq.f32 v6, v7  }
0x15e: {  	v9 =	vmctz.xlane vm1;
	_ =	sdelay $0x1  }
0x15f: {  	v8 =	vxor.u32 $0x80000000, v9  }
0x160: {  	(xrf0) =	vmax.scan.msk.u32 $0xffff, v8;
	_ =	sdelay $0x5  }
0x161: {  	v8, _, _ =	vpop (xrf0)  }
0x162: {  	(v2sf) =	vpush v8, $0xF;
	_ =	sdelay $0xe  }
0x163: {  	s2 =	spop (v2sf)  }
0x164: {  	s2 =	sshll.u32 s2, $0x4  }
0x165: {  	v8 =	vld [tilespmem:s2+$0x9600];
	_ =	sdelay $0x3  }
0x166: {  	v10 =	vld [tilespmem:s2+$0xA600]  }
0x167: {  	vm1 =	veq.f32 v8, v7  }
0x168: {  	v11 =	vmctz.xlane vm1;
	_ =	sdelay $0x1  }
0x169: {  	vm1 =	veq.s32 v11, v1  }
0x16a: {  	v10 =	vnsel vm1, $0x0, v10  }
0x16b: {  	s6 =	simm.s32 $0x0;
	v8 =	vsel vm1, $0xFF7FFFFF, v8;
	(xrf0) =	vadd.scan.msk.s32 $0xffff, v10  }
0x16c: {  	s7 =	sand.u32 $0x70, s6;
	[tilespmem:s2+$0x9600] =	vst v8;
	(xrf0) =	vmax.scan.msk.f32 $0xffff, v8  }
0x16d: {  	v8 =	vld [tilespmem:s7+$0xB600];
	_ =	sdelay $0x1  }
0x16e: {  	s30 =	sand.u32 $0xF, s6;
	v10 =	vld [tilespmem:s7+$0xB680]  }
0x16f: {  	v11 =	vmov s30  }
0x170: {  	vm1 =	veq.s32 v11, v1;
	v63, _, _ =	vpop (xrf0)  }
0x171: {  	v7 =	vsel vm1, v7, v8;
	v11 =	vbroadcast v63, $0xF;
	v8, _, _ =	vpop (xrf0)  }
0x172: {  	v8 =	vbroadcast v8, $0xF  }
0x173: {  	s2 =	simm.s32 $0x1;
	[tilespmem:s7+$0xB600] =	vst v7;
	v7 =	vsel vm1, v11, v10;
	vm1 =	veq.s32 v9, v1  }
.LBB2_13:
0x174: {  	p2 =	sne.s32 s2, $0x63;
	v6 =	vsel vm1, v8, v6;
	[tilespmem:s7+$0xB680] =	vst v7;
	s6 =	smov.u32 s2;
	s2 =	sadd.s32 $0x1, s2  }
0x175: {  	(xrf0) =	vmax.scan.msk.f32 $0xffff, v6;
	_ =	sdelay $0x5  }
0x176: {  	v7, _, _ =	vpop (xrf0)  }
0x177: {  	v7 =	vbroadcast v7, $0xF;
	_ =	sdelay $0x1  }
0x178: {  	vm1 =	veq.f32 v6, v7  }
0x179: {  	v9 =	vmctz.xlane vm1;
	_ =	sdelay $0x1  }
0x17a: {  	v8 =	vxor.u32 $0x80000000, v9  }
0x17b: {  	(xrf0) =	vmax.scan.msk.u32 $0xffff, v8;
	_ =	sdelay $0x5  }
0x17c: {  	v8, _, _ =	vpop (xrf0)  }
0x17d: {  	(v2sf) =	vpush v8, $0xF;
	_ =	sdelay $0xe  }
0x17e: {  	s7 =	spop (v2sf)  }
0x17f: {  	s7 =	sshll.u32 s7, $0x4  }
0x180: {  	v8 =	vld [tilespmem:s7+$0x9600];
	_ =	sdelay $0x3  }
0x181: {  	v10 =	vld [tilespmem:s7+$0xA600]  }
0x182: {  	vm1 =	veq.f32 v8, v7  }
0x183: {  	v11 =	vmctz.xlane vm1;
	_ =	sdelay $0x1  }
0x184: {  	vm1 =	veq.s32 v11, v1  }
0x185: {  	v10 =	vnsel vm1, $0x0, v10;
	v8 =	vsel vm1, $0xFF7FFFFF, v8  }
0x186: {  	[tilespmem:s7+$0x9600] =	vst v8;
	s7 =	sand.u32 $0x70, s6;
	(xrf0) =	vadd.scan.msk.s32 $0xffff, v10  }
0x187: {  	v10 =	vld [tilespmem:s7+$0xB600];
	(xrf0) =	vmax.scan.msk.f32 $0xffff, v8;
	_ =	sdelay $0x1  }
0x188: {  	s6 =	sand.u32 $0xF, s6  }
0x189: {  	v12 =	vmov s6;
	v11 =	vld [tilespmem:s7+$0xB680]  }
.Ltmp11:
0x18a: {  	vm2 =	veq.s32 v12, v1;
	(pc) =	sbr.rel @p2 .LBB2_13-.Ltmp11, $4  }
0x18b: {  	v7 =	vsel vm2, v7, v10;
	v8, _, _ =	vpop (xrf0)  }
0x18c: {  	[tilespmem:s7+$0xB600] =	vst v7;
	v7 =	vbroadcast v8, $0xF;
	v8, _, _ =	vpop (xrf0)  }
0x18d: {  	v8 =	vbroadcast v8, $0xF  }
0x18e: {  	vm1 =	veq.s32 v9, v1;
	v7 =	vsel vm2, v7, v11  }
0x18f: {  	s2 =	rddreg [dreg:$0xe]  }
0x190: {  	s6 =	rddreg [dreg:$0xf];
	s2 =	sshll.u32 s2, $0xA  }
0x191: {  	s2 =	sor.u32 s6, s2  }
0x192: {  	s26 =	rddreg [dreg:$0x4];
	s2 =	sshrl.u32 s2, $0x3  }
0x193: {  	[tilespmem:s7+$0xB680] =	vst v7;
	s8 =	simm.s32 $0x0;
	s28 =	simm.s32 $0xB600;
	s6 =	sadd.s32 s26, s2  }
0x194: {  	[hbm4b:s6+s8] =	stream.linear.scatter [tilespmem:s28], [sflag:$0x2], $0x80, $0x38;
	[tilespmem:$0xB700] =	vst v63  }
0x195: {  	s30 =	simm.s32 $0xB680;
	s17 =	sadd.s32 $0x1, s17;
	_ =	swait.ge [sflag:s31], $0x80  }
0x196: {  	p2 =	sne.s32 s17, $0x20;
	[sflag:s31] =	ssyncset.done $0x0;
	s29 =	rddreg [dreg:$0x5]  }
.Ltmp12:
0x197: {  	[sflag:s31] =	ssyncadd.s32 $0xFFFFFF80;
	s2 =	sadd.s32 s29, s2;
	(pc) =	sbr.rel @p2 .LBB2_2-.Ltmp12, $4  }
0x198: {  	[hbm4b:s2+s8] =	stream.linear.scatter [tilespmem:s30], [sflag:$0x2], $0x80, $0x38;
	[tilespmem:$0xB700] =	vst v63  }
0x199: {  	_ =	swait.ge [sflag:s31], $0x80  }
0x19a: {  	s7 =	simm.s32 $0x0;
	[sflag:s31] =	ssyncset.done $0x0;
	s12 =	rddreg [dreg:$0xd]  }
0x19b: {  	s18 =	sadd.s32 $0xFFF00000, s18;
	[sflag:s31] =	ssyncadd.s32 $0xFFFFFF80;
	s12 =	sadd.s32 $0x1000, s12  }
.Ltmp13:
0x19c: {  	(pc) =	sbr.rel @p1 .LBB2_30-.Ltmp13, $1  }
0x19d: {  	_ =	sdelay $0x3  }
.LBB2_16:
0x19e: {  	s17 =	rddreg [dreg:$0xb]  }
0x19f: {  	s18 =	rddreg [dreg:$0xa];
	s12 =	simm.s32 $0x0  }
.LBB2_17:
0x1a0: {  	s2 =	rddreg [dreg:$0x6]  }
0x1a1: {  	s2 =	sadd.s32 s2, s12  }
0x1a2: {  	s6 =	sshll.u32 s12, $0x7;
	s7 =	sshrl.u32 s2, $0x3  }
0x1a3: {  	s8 =	sand.u32 $0x380, s6;
	s25 =	sshll.u32 s7, $0xF  }
0x1a4: {  	s26 =	rddreg [dreg:$0x3];
	s28 =	simm.s32 $0x80;
	s6 =	sor.u32 s8, s25  }
0x1a5: {  	s29 =	simm.s32 $0x400;
	[dreg:$0x11] =	wrdreg s8;
	s6 =	sshrl.u32 s6, $0x3  }
0x1a6: {  	s9 =	simm.s32 $0x0;
	[dreg:$0x10] =	wrdreg s7;
	s6 =	sadd.s32 s26, s6  }
0x1a7: {  	[tilespmem:s9], [sflag:$0x2] =	stream.strided.gather [hbm4b:s6+s28], $0x1000, s29, s28, $0x38;
	[tilespmem:$0xB700] =	vst v63  }
0x1a8: {  	_ =	swait.ge [sflag:s31], $0x1000  }
0x1a9: {  	[sflag:s31] =	ssyncset.done $0x0  }
0x1aa: {  	s2 =	sand.u32 $0x1FFFFFF0, s2;
	[sflag:s31] =	ssyncadd.s32 $0xFFFFF000  }
0x1ab: {  	v6 =	vld [tilespmem:s2+$0x1000];
	[tilespmem:$0x9600] =	vst v2  }
0x1ac: {  	[tilespmem:$0x9610] =	vst v2  }
0x1ad: {  	[tilespmem:$0x9620] =	vst v2  }
0x1ae: {  	[tilespmem:$0x9630] =	vst v2  }
0x1af: {  	s30 =	sand.u32 $0xF, s12;
	[tilespmem:$0x9640] =	vst v2  }
0x1b0: {  	v7 =	vmov s30;
	[tilespmem:$0x9650] =	vst v2  }
0x1b1: {  	vm1 =	veq.s32 v7, v1;
	[tilespmem:$0x9660] =	vst v2  }
0x1b2: {  	[tilespmem:$0x9670] =	vst v2;
	v6 =	vnsel vm1, $0x0, v6  }
0x1b3: {  	[tilespmem:$0x9680] =	vst v2;
	(xrf2) =	vadd.scan.msk.f32 $0xffff, v6  }
0x1b4: {  	[tilespmem:$0x9690] =	vst v2  }
0x1b5: {  	[tilespmem:$0x96A0] =	vst v2  }
0x1b6: {  	[tilespmem:$0x96B0] =	vst v2  }
0x1b7: {  	[tilespmem:$0x96C0] =	vst v2  }
0x1b8: {  	[tilespmem:$0x96D0] =	vst v2  }
0x1b9: {  	[tilespmem:$0x96E0] =	vst v2  }
0x1ba: {  	s31 =	simm.s32 $0x0;
	[tilespmem:$0x96F0] =	vst v2  }
0x1bb: {  	v7 =	vld [tilespmem:s31+$0x0];
	_ =	sdelay $0x1  }
0x1bc: {  	v6, _, _ =	vpop (xrf2)  }
0x1bd: {  	v6 =	vbroadcast v6, $0xF;
	_ =	sdelay $0x1  }
0x1be: {  	vm1 =	vge.f32 v7, v6  }
0x1bf: {  	v7 =	vsel vm1, $0x1, v0  }
0x1c0: {  	(xrf0) =	vadd.scan.msk.s32 $0xffff, v7;
	_ =	sdelay $0x5  }
0x1c1: {  	v7 =	vimm.s32 $0x0;
	v8, _, _ =	vpop (xrf0)  }
0x1c2: {  	v8 =	vadd.s32 v8, v7  }
0x1c3: {  	v8 =	vadd.s32 $0xFFFFFFFF, v8  }
0x1c4: {  	vm2 =	vlt.s32 v8, $0x1FF  }
0x1c5: {  	v9 =	vnsel vm2, $0x1FF, v8;
	v8 =	vmpcnt.ones.xlane vm1;
	_ =	sdelay $0x1  }
0x1c6: {  	v8 =	vadd.s32 v7, v8;
	v7 =	vor.u32 s18, v1;
	_ =	sdelay $0x2  }
0x1c7: {  	s7 =	simm.s32 $0x10;
	s6 =	simm.s32 $0x80;
	s2 =	smov.u32 s18;
	[tilespmem:v9+s20+$0x0] =	vst.idx.msk vm1, v7;
	v7 =	vmov v8  }
.LBB2_18:
0x1c8: {  	p2 =	sne.s32 s6, $0x3FC0;
	v9 =	vld [tilespmem:s7+$0x0];
	_ =	sdelay $0x4  }
0x1c9: {  	vm1 =	vge.f32 v9, v6  }
0x1ca: {  	v9 =	vsel vm1, $0x1, v0;
	v10 =	vmpcnt.ones.xlane vm1  }
0x1cb: {  	(xrf0) =	vadd.scan.msk.s32 $0xffff, v9  }
0x1cc: {  	v8 =	vadd.s32 v8, v10;
	_ =	sdelay $0x4  }
0x1cd: {  	v9, _, _ =	vpop (xrf0)  }
0x1ce: {  	v9 =	vadd.s32 v9, v7;
	v7 =	vmov v8  }
0x1cf: {  	v9 =	vadd.s32 $0xFFFFFFFF, v9  }
0x1d0: {  	vm2 =	vlt.s32 v9, $0x1FF  }
0x1d1: {  	v9 =	vnsel vm2, $0x1FF, v9  }
.Ltmp14:
0x1d2: {  	(pc) =	sbr.rel @p2 .LBB2_18-.Ltmp14, $4  }
0x1d3: {  	_ = 	snop  }
0x1d4: {  	s2 =	sadd.s32 $0x10, s2  }
0x1d5: {  	v10 =	vor.u32 s2, v1  }
0x1d6: {  	s7 =	sshra.s32 s6, $0x2;
	s6 =	sadd.s32 $0x40, s6;
	[tilespmem:v9+s20+$0x0] =	vst.idx.msk vm1, v10  }
0x1d7: {  	v9 =	vld [tilespmem:s7+$0x0];
	_ =	sdelay $0x4  }
0x1d8: {  	vm1 =	vge.f32 v9, v6  }
0x1d9: {  	v9 =	vmpcnt.ones.xlane vm1;
	_ =	sdelay $0x1  }
0x1da: {  	v10 =	vsel vm1, $0x1, v0;
	v8 =	vadd.s32 v8, v9  }
0x1db: {  	(xrf0) =	vadd.scan.msk.s32 $0xffff, v10;
	v8 =	vxor.u32 $0x80000000, v8  }
0x1dc: {  	(xrf0) =	vmax.scan.msk.u32 $0xffff, v8;
	_ =	sdelay $0x4  }
0x1dd: {  	v8, _, _ =	vpop (xrf0)  }
0x1de: {  	v63, _, _ =	vpop (xrf0)  }
0x1df: {  	(v2sf) =	vpush v63, $0xF;
	_ =	sdelay $0xd  }
0x1e0: {  	v7 =	vadd.s32 v8, v7  }
0x1e1: {  	v7 =	vadd.s32 $0xFFFFFFFF, v7;
	s6 =	spop (v2sf)  }
0x1e2: {  	vm2 =	vlt.s32 v7, $0x1FF;
	s6 =	sxor.u32 $0x80000000, s6  }
0x1e3: {  	v7 =	vnsel vm2, $0x1FF, v7;
	p2 =	slt.s32 s6, $0x1  }
.Ltmp15:
0x1e4: {  	_ = 	snop;
	(pc) =	sbr.rel @p2 .LBB2_27-.Ltmp15, $4  }
0x1e5: {  	_ = 	snop  }
0x1e6: {  	s2 =	sadd.s32 $0x10, s2  }
0x1e7: {  	v8 =	vor.u32 s2, v1  }
0x1e8: {  	[tilespmem:v7+s20+$0x0] =	vst.idx.msk vm1, v8  }
0x1e9: {  	p2 =	slt.s32 s6, $0x200  }
.Ltmp16:
0x1ea: {  	s6 =	simm.s32 @!p2 $0x200;
	(pc) =	sbr.rel .LBB2_21-.Ltmp16, $4  }
0x1eb: {  	p2 =	sgt.s32 s6, $0x80;
	s2 =	smov.u32 s6  }
0x1ec: {  	s2 =	simm.s32 @!p2 $0x80  }
0x1ed: {  	s16 =	simm.s32 $0x0;
	s7 =	simm.s32 $0x0;
	s2 =	sadd.s32 $0xFFFFFFFF, s2  }
0x1ee: {  	v7 =	vimm.s32 $0x0;
	s8 =	smov.u32 s6;
	s9 =	sshrl.u32 s2, $0x7;
	s2 =	simm.s32 $0x0  }
.LBB2_26:
0x1ef: {  	p2 =	sne.s32 s7, s9  }
.Ltmp17:
0x1f0: {  	_ = 	snop;
	(pc) =	sbr.rel @!p2 .LBB2_27-.Ltmp17, $3  }
0x1f1: {  	_ =	sdelay $0x1  }
0x1f2: {  	s21 =	sadd.s32 $0x1, s7  }
0x1f3: {  	s8 =	sadd.s32 $0xFFFFFF80, s8;
	s16 =	sshll.u32 s21, $0x7;
	s7 =	smov.u32 s21  }
.LBB2_21:
0x1f4: {  	s21 =	sshll.u32 s7, $0x9  }
0x1f5: {  	s21 =	sshra.s32 s21, $0x2  }
0x1f6: {  	v8 =	vld [tilespmem:s21+$0x1400];
	_ =	sdelay $0x4  }
0x1f7: {  	v9 =	vshll.u32 v8, $0x1  }
0x1f8: {  	v8 =	vand.u32 $0x7, v8;
	v9 =	vand.u32 $0xFFFFFFF0, v9  }
0x1f9: {  	v8 =	vor.u32 v8, v9  }
0x1fa: {  	v9 =	vperm.xlane v8, v3;
	_ =	sdelay $0x1  }
0x1fb: {  	v8 =	vperm.xlane v8, v5;
	v9 =	vadd.s32 v4, v9;
	_ =	sdelay $0x1  }
0x1fc: {  	v8 =	vadd.s32 v4, v8;
	_ =	sdelay $0x1  }
0x1fd: {  	s22 =	simm.s32 $0x1600  }
0x1fe: {  	[tilespmem:s22], [sflag:$0x1] =	stream.indirect_vreg.gather [hbm4b:s5+s2], $0x80, v9, vm0, $0xb8;
	[tilespmem:$0xB700] =	vst v63  }
0x1ff: {  	s30 =	simm.s32 $0x1E00  }
0x200: {  	[tilespmem:s30], [sflag:$0x1] =	stream.indirect_vreg.gather [hbm4b:s5+s2], $0x80, v8, vm0, $0xb8;
	[tilespmem:$0xB700] =	vst v63  }
0x201: {  	v8 =	vld [tilespmem:s21+$0x1410];
	_ =	sdelay $0x4  }
0x202: {  	v57 =	vshll.u32 v8, $0x1  }
0x203: {  	v8 =	vand.u32 $0x7, v8;
	v9 =	vand.u32 $0xFFFFFFF0, v57  }
0x204: {  	v8 =	vor.u32 v8, v9  }
0x205: {  	v9 =	vperm.xlane v8, v3;
	_ =	sdelay $0x1  }
0x206: {  	v8 =	vperm.xlane v8, v5;
	v9 =	vadd.s32 v4, v9;
	_ =	sdelay $0x1  }
0x207: {  	v8 =	vadd.s32 v4, v8;
	_ =	sdelay $0x1  }
0x208: {  	s31 =	simm.s32 $0x2600  }
0x209: {  	[tilespmem:s31], [sflag:$0x1] =	stream.indirect_vreg.gather [hbm4b:s5+s2], $0x80, v9, vm0, $0xb8;
	[tilespmem:$0xB700] =	vst v63  }
0x20a: {  	s23 =	simm.s32 $0x2E00  }
0x20b: {  	[tilespmem:s23], [sflag:$0x1] =	stream.indirect_vreg.gather [hbm4b:s5+s2], $0x80, v8, vm0, $0xb8;
	[tilespmem:$0xB700] =	vst v63  }
0x20c: {  	v8 =	vld [tilespmem:s21+$0x1420];
	_ =	sdelay $0x4  }
0x20d: {  	v58 =	vshll.u32 v8, $0x1  }
0x20e: {  	v8 =	vand.u32 $0x7, v8;
	v9 =	vand.u32 $0xFFFFFFF0, v58  }
0x20f: {  	v8 =	vor.u32 v8, v9  }
0x210: {  	v9 =	vperm.xlane v8, v3;
	_ =	sdelay $0x1  }
0x211: {  	v8 =	vperm.xlane v8, v5;
	v9 =	vadd.s32 v4, v9;
	_ =	sdelay $0x1  }
0x212: {  	v8 =	vadd.s32 v4, v8;
	_ =	sdelay $0x1  }
0x213: {  	s24 =	simm.s32 $0x3600  }
0x214: {  	[tilespmem:s24], [sflag:$0x1] =	stream.indirect_vreg.gather [hbm4b:s5+s2], $0x80, v9, vm0, $0xb8;
	[tilespmem:$0xB700] =	vst v63  }
0x215: {  	s25 =	simm.s32 $0x3E00  }
0x216: {  	[tilespmem:s25], [sflag:$0x1] =	stream.indirect_vreg.gather [hbm4b:s5+s2], $0x80, v8, vm0, $0xb8;
	[tilespmem:$0xB700] =	vst v63  }
0x217: {  	v8 =	vld [tilespmem:s21+$0x1430];
	_ =	sdelay $0x4  }
0x218: {  	v59 =	vshll.u32 v8, $0x1  }
0x219: {  	v8 =	vand.u32 $0x7, v8;
	v9 =	vand.u32 $0xFFFFFFF0, v59  }
0x21a: {  	v8 =	vor.u32 v8, v9  }
0x21b: {  	v9 =	vperm.xlane v8, v3;
	_ =	sdelay $0x1  }
0x21c: {  	v8 =	vperm.xlane v8, v5;
	v9 =	vadd.s32 v4, v9;
	_ =	sdelay $0x1  }
0x21d: {  	v8 =	vadd.s32 v4, v8;
	_ =	sdelay $0x1  }
0x21e: {  	s26 =	simm.s32 $0x4600  }
0x21f: {  	[tilespmem:s26], [sflag:$0x1] =	stream.indirect_vreg.gather [hbm4b:s5+s2], $0x80, v9, vm0, $0xb8;
	[tilespmem:$0xB700] =	vst v63  }
0x220: {  	s28 =	simm.s32 $0x4E00  }
0x221: {  	[tilespmem:s28], [sflag:$0x1] =	stream.indirect_vreg.gather [hbm4b:s5+s2], $0x80, v8, vm0, $0xb8;
	[tilespmem:$0xB700] =	vst v63  }
0x222: {  	v8 =	vld [tilespmem:s21+$0x1440];
	_ =	sdelay $0x4  }
0x223: {  	v60 =	vshll.u32 v8, $0x1  }
0x224: {  	v8 =	vand.u32 $0x7, v8;
	v9 =	vand.u32 $0xFFFFFFF0, v60  }
0x225: {  	v8 =	vor.u32 v8, v9  }
0x226: {  	v9 =	vperm.xlane v8, v3;
	_ =	sdelay $0x1  }
0x227: {  	v8 =	vperm.xlane v8, v5;
	v9 =	vadd.s32 v4, v9;
	_ =	sdelay $0x1  }
0x228: {  	v8 =	vadd.s32 v4, v8;
	_ =	sdelay $0x1  }
0x229: {  	s29 =	simm.s32 $0x5600  }
0x22a: {  	[tilespmem:s29], [sflag:$0x1] =	stream.indirect_vreg.gather [hbm4b:s5+s2], $0x80, v9, vm0, $0xb8;
	[tilespmem:$0xB700] =	vst v63  }
0x22b: {  	s30 =	simm.s32 $0x5E00  }
0x22c: {  	[tilespmem:s30], [sflag:$0x1] =	stream.indirect_vreg.gather [hbm4b:s5+s2], $0x80, v8, vm0, $0xb8;
	[tilespmem:$0xB700] =	vst v63  }
0x22d: {  	v8 =	vld [tilespmem:s21+$0x1450];
	_ =	sdelay $0x4  }
0x22e: {  	v61 =	vshll.u32 v8, $0x1  }
0x22f: {  	v8 =	vand.u32 $0x7, v8;
	v9 =	vand.u32 $0xFFFFFFF0, v61  }
0x230: {  	v8 =	vor.u32 v8, v9  }
0x231: {  	v9 =	vperm.xlane v8, v3;
	_ =	sdelay $0x1  }
0x232: {  	v8 =	vperm.xlane v8, v5;
	v9 =	vadd.s32 v4, v9;
	_ =	sdelay $0x1  }
0x233: {  	v8 =	vadd.s32 v4, v8;
	_ =	sdelay $0x2  }
0x234: {  	[tilespmem:s0], [sflag:$0x1] =	stream.indirect_vreg.gather [hbm4b:s5+s2], $0x80, v9, vm0, $0xb8;
	[tilespmem:$0xB700] =	vst v63  }
0x235: {  	_ = 	snop  }
0x236: {  	[tilespmem:s4], [sflag:$0x1] =	stream.indirect_vreg.gather [hbm4b:s5+s2], $0x80, v8, vm0, $0xb8;
	[tilespmem:$0xB700] =	vst v63  }
0x237: {  	v8 =	vld [tilespmem:s21+$0x1460];
	_ =	sdelay $0x4  }
0x238: {  	v62 =	vshll.u32 v8, $0x1  }
0x239: {  	v8 =	vand.u32 $0x7, v8;
	v9 =	vand.u32 $0xFFFFFFF0, v62  }
0x23a: {  	v8 =	vor.u32 v8, v9  }
0x23b: {  	v9 =	vperm.xlane v8, v3;
	_ =	sdelay $0x1  }
0x23c: {  	v8 =	vperm.xlane v8, v5;
	v9 =	vadd.s32 v4, v9;
	_ =	sdelay $0x1  }
0x23d: {  	v8 =	vadd.s32 v4, v8;
	_ =	sdelay $0x2  }
0x23e: {  	[tilespmem:s1], [sflag:$0x1] =	stream.indirect_vreg.gather [hbm4b:s5+s2], $0x80, v9, vm0, $0xb8;
	[tilespmem:$0xB700] =	vst v63  }
0x23f: {  	_ = 	snop  }
0x240: {  	[tilespmem:s15], [sflag:$0x1] =	stream.indirect_vreg.gather [hbm4b:s5+s2], $0x80, v8, vm0, $0xb8;
	[tilespmem:$0xB700] =	vst v63  }
0x241: {  	v8 =	vld [tilespmem:s21+$0x1470];
	_ =	sdelay $0x4  }
0x242: {  	v63 =	vshll.u32 v8, $0x1  }
0x243: {  	v8 =	vand.u32 $0x7, v8;
	v9 =	vand.u32 $0xFFFFFFF0, v63  }
0x244: {  	v8 =	vor.u32 v8, v9  }
0x245: {  	v9 =	vperm.xlane v8, v3;
	_ =	sdelay $0x1  }
0x246: {  	v8 =	vperm.xlane v8, v5;
	v9 =	vadd.s32 v4, v9;
	_ =	sdelay $0x1  }
0x247: {  	v8 =	vadd.s32 v4, v8  }
0x248: {  	s31 =	ssub.s32 s6, s16  }
0x249: {  	p2 =	slt.s32 s31, $0x1  }
0x24a: {  	[tilespmem:s13], [sflag:$0x1] =	stream.indirect_vreg.gather [hbm4b:s5+s2], $0x80, v9, vm0, $0xb8;
	[tilespmem:$0xB700] =	vst v63  }
.Ltmp18:
0x24b: {  	_ = 	snop;
	(pc) =	sbr.rel @p2 .LBB2_26-.Ltmp18, $4  }
0x24c: {  	[tilespmem:s14], [sflag:$0x1] =	stream.indirect_vreg.gather [hbm4b:s5+s2], $0x80, v8, vm0, $0xb8;
	[tilespmem:$0xB700] =	vst v63  }
0x24d: {  	_ =	swait.ge [sflag:s19], $0x8000  }
0x24e: {  	[sflag:s19] =	ssyncset.done $0x0  }
0x24f: {  	[sflag:s19] =	ssyncadd.s32 $0xFFFF8000  }
0x250: {  	p2 =	sgt.s32 s8, $0x1;
	s21 =	smov.u32 s8  }
0x251: {  	s21 =	simm.s32 @!p2 $0x1  }
0x252: {  	s22 =	simm.s32 $0x0;
	s21 =	smin.u32 s21, $0x80  }
.LBB2_23:
0x253: {  	s23 =	sadd.s32 s16, s22;
	s24 =	sand.u32 $0xF, s22  }
0x254: {  	p2 =	seq.s32 s23, $0x0;
	p3 =	sne.s32 s24, $0x0  }
0x255: {  	p2 =	por !p2, !p3  }
0x256: {  	s25 =	simm.s32 $0x1;
	p2 =	por !p2, !p2  }
0x257: {  	s23 =	sshrl.u32 s23, $0x4;
	s25 =	simm.s32 @!p2 $0x0  }
0x258: {  	s23 =	ssub.s32 s23, s25  }
0x259: {  	s23 =	sshll.u32 s23, $0x6  }
0x25a: {  	s23 =	sshra.s32 s23, $0x2  }
0x25b: {  	v8 =	vld [tilespmem:s23+$0x1400];
	_ =	sdelay $0x2  }
0x25c: {  	v9 =	vmov s24  }
0x25d: {  	s26 =	sshll.u32 s22, $0x8;
	s31 =	sshll.u32 s22, $0x7;
	vm1 =	veq.s32 v9, v1  }
0x25e: {  	s24 =	sand.u32 $0x380, s31;
	s23 =	sand.u32 $0xFFFFF800, s26;
	v8 =	vnsel vm1, $0x0, v8  }
0x25f: {  	s25 =	simm.s32 $0x0;
	s23 =	sor.u32 s24, s23;
	(xrf0) =	vadd.scan.msk.s32 $0xffff, v8  }
0x260: {  	s26 =	sand.u32 $0x400, s25;
	s23 =	sadd.s32 $0x1600, s23  }
0x261: {  	s24 =	sand.u32 $0x70, s25;
	s25 =	sadd.s32 s26, s23  }
0x262: {  	s24 =	sadd.s32 s24, s25  }
0x263: {  	v8 =	vld [tilespmem:s24+$0x0];
	_ =	sdelay $0x1  }
0x264: {  	v9, _, _ =	vpop (xrf0)  }
0x265: {  	(v2sf) =	vpush v9, $0xF;
	_ =	sdelay $0x1  }
0x266: {  	vm1 =	vge.f32 v8, v6  }
0x267: {  	v9 =	vsel vm1, $0x1, v0  }
0x268: {  	(xrf0) =	vadd.scan.msk.s32 $0xffff, v9;
	_ =	sdelay $0x5  }
0x269: {  	v9, _, _ =	vpop (xrf0)  }
0x26a: {  	v9 =	vadd.s32 v9, v7  }
0x26b: {  	v9 =	vadd.s32 $0xFFFFFFFF, v9  }
0x26c: {  	vm2 =	vlt.s32 v9, $0xFEF  }
0x26d: {  	v9 =	vnsel vm2, $0xFEF, v9  }
0x26e: {  	s31 =	spop (v2sf)  }
0x26f: {  	v10 =	vmpcnt.ones.xlane vm1;
	s24 =	sshll.u32 s31, $0x8  }
0x270: {  	s26 =	simm.s32 $0x80;
	s24 =	sadd.s32 s24, s17  }
0x271: {  	s25 =	simm.s32 $0x10;
	s28 =	sand.u32 $0x400, s26;
	v7 =	vadd.s32 v7, v10;
	s31 =	sadd.s32 $0x0, s24  }
0x272: {  	s29 =	sand.u32 $0x70, s25;
	s30 =	sadd.s32 s28, s23;
	s28 =	simm.s32 $0x20;
	[tilespmem:v9+s10+$0x0] =	vst.idx.msk vm1, v8;
	v8 =	vmov v7;
	v10 =	vor.u32 s31, v1  }
.LBB2_24:
0x273: {  	p2 =	sne.s32 s28, $0xF0;
	s29 =	sadd.s32 s29, s30;
	[tilespmem:v9+s11+$0x0] =	vst.idx.msk vm1, v10  }
0x274: {  	v10 =	vld [tilespmem:s29+$0x0];
	_ =	sdelay $0x4  }
0x275: {  	vm1 =	vge.f32 v10, v6  }
0x276: {  	v9 =	vsel vm1, $0x1, v0;
	v11 =	vmpcnt.ones.xlane vm1  }
0x277: {  	(xrf0) =	vadd.scan.msk.s32 $0xffff, v9  }
0x278: {  	v7 =	vadd.s32 v7, v11;
	_ =	sdelay $0x4  }
0x279: {  	v9, _, _ =	vpop (xrf0)  }
0x27a: {  	v9 =	vadd.s32 v9, v8;
	v8 =	vmov v7  }
0x27b: {  	v9 =	vadd.s32 $0xFFFFFFFF, v9  }
0x27c: {  	vm2 =	vlt.s32 v9, $0xFEF  }
0x27d: {  	v9 =	vnsel vm2, $0xFEF, v9  }
.Ltmp19:
0x27e: {  	(pc) =	sbr.rel @p2 .LBB2_24-.Ltmp19, $4  }
0x27f: {  	_ = 	snop  }
0x280: {  	s26 =	sadd.s32 $0x80, s26  }
0x281: {  	s31 =	sadd.s32 s25, s24;
	s25 =	smov.u32 s28;
	s30 =	sand.u32 $0x400, s26  }
0x282: {  	s28 =	sadd.s32 $0x10, s28;
	s29 =	sand.u32 $0x70, s25;
	s30 =	sadd.s32 s30, s23;
	[tilespmem:v9+s10+$0x0] =	vst.idx.msk vm1, v10;
	v10 =	vor.u32 s31, v1  }
0x283: {  	_ =	sdelay $0x4  }
0x284: {  	s23 =	sadd.s32 s29, s30;
	[tilespmem:v9+s11+$0x0] =	vst.idx.msk vm1, v10  }
0x285: {  	v9 =	vld [tilespmem:s23+$0x0];
	_ =	sdelay $0x4  }
0x286: {  	vm1 =	vge.f32 v9, v6  }
0x287: {  	v61 =	vsel vm1, $0x1, v0  }
0x288: {  	(xrf0) =	vadd.scan.msk.s32 $0xffff, v61;
	_ =	sdelay $0x5  }
0x289: {  	v10, _, _ =	vpop (xrf0)  }
0x28a: {  	v8 =	vadd.s32 v10, v8  }
0x28b: {  	v8 =	vadd.s32 $0xFFFFFFFF, v8  }
0x28c: {  	vm2 =	vlt.s32 v8, $0xFEF  }
0x28d: {  	s22 =	sadd.s32 $0x1, s22;
	v8 =	vnsel vm2, $0xFEF, v8  }
0x28e: {  	p2 =	sne.s32 s22, s21  }
.Ltmp20:
0x28f: {  	_ = 	snop;
	(pc) =	sbr.rel @p2 .LBB2_23-.Ltmp20, $4  }
.Ltmp21:
0x290: {  	_ = 	snop;
	(pc) =	sbr.rel @!p2 .LBB2_26-.Ltmp21, $4  }
0x291: {  	s31 =	sadd.s32 s25, s24;
	v62 =	vmpcnt.ones.xlane vm1  }
0x292: {  	v63 =	vor.u32 s31, v1;
	[tilespmem:v8+s10+$0x0] =	vst.idx.msk vm1, v9  }
0x293: {  	v7 =	vadd.s32 v7, v62;
	[tilespmem:v8+s11+$0x0] =	vst.idx.msk vm1, v63  }
0x294: {  	_ = 	snop  }
.LBB2_27:
0x295: {  	v6 =	vld [tilespmem:$0x9600]  }
0x296: {  	v7 =	vld [tilespmem:$0x9610]  }
0x297: {  	v8 =	vld [tilespmem:$0x9620]  }
0x298: {  	v9 =	vld [tilespmem:$0x9630]  }
0x299: {  	v10 =	vld [tilespmem:$0x9640]  }
0x29a: {  	v15 =	vld [tilespmem:$0x1FFE0]  }
0x29b: {  	v59 =	vld [tilespmem:$0x1FFF0]  }
0x29c: {  	(xrf0) =	vmax.scan.msk.f32 $0xffff, v6;
	v6 =	vld [tilespmem:$0x9650]  }
0x29d: {  	(xrf0) =	vmax.scan.msk.f32 $0xffff, v7;
	v7 =	vld [tilespmem:$0x9660]  }
0x29e: {  	(xrf0) =	vmax.scan.msk.f32 $0xffff, v8;
	v8 =	vld [tilespmem:$0x9670]  }
0x29f: {  	(xrf0) =	vmax.scan.msk.f32 $0xffff, v9;
	v9 =	vld [tilespmem:$0x9680]  }
0x2a0: {  	(xrf0) =	vmax.scan.msk.f32 $0xffff, v10;
	v10 =	vld [tilespmem:$0x9690]  }
0x2a1: {  	(xrf0) =	vmax.scan.msk.f32 $0xffff, v6;
	v6 =	vld [tilespmem:$0x96A0]  }
0x2a2: {  	v11, _, _ =	vpop (xrf0);
	(xrf0) =	vmax.scan.msk.f32 $0xffff, v7  }
0x2a3: {  	v12, _, _ =	vpop (xrf0);
	(xrf0) =	vmax.scan.msk.f32 $0xffff, v8  }
0x2a4: {  	v7 =	vld [tilespmem:$0x96B0];
	v11 =	vbroadcast v11, $0xF;
	v12 =	vbroadcast v12, $0xF;
	v13, _, _ =	vpop (xrf0);
	(xrf0) =	vmax.scan.msk.f32 $0xffff, v9  }
0x2a5: {  	vm1 =	vnez.u8 v15;
	v13 =	vbroadcast v13, $0xF;
	v14, _, _ =	vpop (xrf0);
	(xrf0) =	vmax.scan.msk.f32 $0xffff, v10  }
0x2a6: {  	v8 =	vld [tilespmem:$0x96C0];
	v11 =	vsel vm1, v11, v12;
	v58, _, _ =	vpop (xrf0);
	(xrf0) =	vmax.scan.msk.f32 $0xffff, v6;
	v6 =	vbroadcast v14, $0xF;
	vm1 =	vnez.u8 v59  }
0x2a7: {  	v9 =	vld [tilespmem:$0x96D0];
	v11 =	vsel vm1, v11, v13;
	v60, _, _ =	vpop (xrf0)  }
0x2a8: {  	v10 =	vld [tilespmem:$0x96E0];
	v6 =	vsel vm3, v11, v6;
	v11 =	vbroadcast v60, $0xF  }
0x2a9: {  	(xrf0) =	vmax.scan.msk.f32 $0xffff, v7;
	v7 =	vbroadcast v58, $0xF  }
0x2aa: {  	v61, _, _ =	vpop (xrf0)  }
0x2ab: {  	(xrf0) =	vmax.scan.msk.f32 $0xffff, v8;
	v6 =	vsel vm4, v6, v7;
	v7 =	vbroadcast v61, $0xF;
	v62, _, _ =	vpop (xrf0)  }
0x2ac: {  	(xrf0) =	vmax.scan.msk.f32 $0xffff, v9;
	v6 =	vsel vm5, v6, v11;
	v9 =	vbroadcast v62, $0xF;
	v11, _, _ =	vpop (xrf0)  }
0x2ad: {  	v8 =	vld [tilespmem:$0x96F0];
	v6 =	vsel vm6, v6, v7;
	(xrf0) =	vmax.scan.msk.f32 $0xffff, v10;
	v10, _, _ =	vpop (xrf0);
	v7 =	vbroadcast v11, $0xF  }
0x2ae: {  	v6 =	vsel vm7, v6, v9;
	v11, _, _ =	vpop (xrf0);
	v9 =	vbroadcast v10, $0xF  }
0x2af: {  	v6 =	vsel vm8, v6, v7;
	v10, _, _ =	vpop (xrf0)  }
0x2b0: {  	v6 =	vsel vm9, v6, v9;
	v9 =	vbroadcast v10, $0xF  }
0x2b1: {  	v7 =	vbroadcast v11, $0xF  }
0x2b2: {  	(xrf0) =	vmax.scan.msk.f32 $0xffff, v8;
	v8, _, _ =	vpop (xrf0)  }
0x2b3: {  	v10, _, _ =	vpop (xrf0);
	v6 =	vsel vm10, v6, v7;
	v7 =	vbroadcast v8, $0xF  }
0x2b4: {  	v6 =	vsel vm11, v6, v9;
	v9, _, _ =	vpop (xrf0)  }
0x2b5: {  	v6 =	vsel vm12, v6, v7;
	v7 =	vbroadcast v9, $0xF  }
0x2b6: {  	v8 =	vbroadcast v10, $0xF;
	_ =	sdelay $0x1  }
0x2b7: {  	v6 =	vsel vm13, v6, v8  }
0x2b8: {  	v6 =	vsel vm14, v6, v7;
	v7, _, _ =	vpop (xrf0)  }
0x2b9: {  	v6 =	vsel vm15, v6, v7  }
0x2ba: {  	(xrf0) =	vmax.scan.msk.f32 $0xffff, v6;
	_ =	sdelay $0x5  }
0x2bb: {  	v7, _, _ =	vpop (xrf0)  }
0x2bc: {  	v7 =	vbroadcast v7, $0xF;
	_ =	sdelay $0x1  }
0x2bd: {  	vm1 =	veq.f32 v6, v7  }
0x2be: {  	v9 =	vmctz.xlane vm1;
	_ =	sdelay $0x1  }
0x2bf: {  	v8 =	vxor.u32 $0x80000000, v9  }
0x2c0: {  	(xrf0) =	vmax.scan.msk.u32 $0xffff, v8;
	_ =	sdelay $0x5  }
0x2c1: {  	v8, _, _ =	vpop (xrf0)  }
0x2c2: {  	(v2sf) =	vpush v8, $0xF;
	_ =	sdelay $0xe  }
0x2c3: {  	s2 =	spop (v2sf)  }
0x2c4: {  	s2 =	sshll.u32 s2, $0x4  }
0x2c5: {  	v8 =	vld [tilespmem:s2+$0x9600];
	_ =	sdelay $0x3  }
0x2c6: {  	v10 =	vld [tilespmem:s2+$0xA600]  }
0x2c7: {  	vm1 =	veq.f32 v8, v7  }
0x2c8: {  	v11 =	vmctz.xlane vm1;
	_ =	sdelay $0x1  }
0x2c9: {  	vm1 =	veq.s32 v11, v1  }
0x2ca: {  	v10 =	vnsel vm1, $0x0, v10  }
0x2cb: {  	s6 =	simm.s32 $0x0;
	v8 =	vsel vm1, $0xFF7FFFFF, v8;
	(xrf0) =	vadd.scan.msk.s32 $0xffff, v10  }
0x2cc: {  	s7 =	sand.u32 $0x70, s6;
	[tilespmem:s2+$0x9600] =	vst v8;
	(xrf0) =	vmax.scan.msk.f32 $0xffff, v8  }
0x2cd: {  	v8 =	vld [tilespmem:s7+$0xB600];
	_ =	sdelay $0x1  }
0x2ce: {  	s31 =	sand.u32 $0xF, s6;
	v10 =	vld [tilespmem:s7+$0xB680]  }
0x2cf: {  	v11 =	vmov s31  }
0x2d0: {  	vm1 =	veq.s32 v11, v1;
	v63, _, _ =	vpop (xrf0)  }
0x2d1: {  	v7 =	vsel vm1, v7, v8;
	v11 =	vbroadcast v63, $0xF;
	v8, _, _ =	vpop (xrf0)  }
0x2d2: {  	v8 =	vbroadcast v8, $0xF  }
0x2d3: {  	s2 =	simm.s32 $0x1;
	[tilespmem:s7+$0xB600] =	vst v7;
	v7 =	vsel vm1, v11, v10;
	vm1 =	veq.s32 v9, v1  }
.LBB2_28:
0x2d4: {  	p2 =	sne.s32 s2, $0x63;
	v6 =	vsel vm1, v8, v6;
	[tilespmem:s7+$0xB680] =	vst v7;
	s6 =	smov.u32 s2;
	s2 =	sadd.s32 $0x1, s2  }
0x2d5: {  	(xrf0) =	vmax.scan.msk.f32 $0xffff, v6;
	_ =	sdelay $0x5  }
0x2d6: {  	v7, _, _ =	vpop (xrf0)  }
0x2d7: {  	v7 =	vbroadcast v7, $0xF;
	_ =	sdelay $0x1  }
0x2d8: {  	vm1 =	veq.f32 v6, v7  }
0x2d9: {  	v9 =	vmctz.xlane vm1;
	_ =	sdelay $0x1  }
0x2da: {  	v8 =	vxor.u32 $0x80000000, v9  }
0x2db: {  	(xrf0) =	vmax.scan.msk.u32 $0xffff, v8;
	_ =	sdelay $0x5  }
0x2dc: {  	v8, _, _ =	vpop (xrf0)  }
0x2dd: {  	(v2sf) =	vpush v8, $0xF;
	_ =	sdelay $0xe  }
0x2de: {  	s7 =	spop (v2sf)  }
0x2df: {  	s7 =	sshll.u32 s7, $0x4  }
0x2e0: {  	v8 =	vld [tilespmem:s7+$0x9600];
	_ =	sdelay $0x3  }
0x2e1: {  	v10 =	vld [tilespmem:s7+$0xA600]  }
0x2e2: {  	vm1 =	veq.f32 v8, v7  }
0x2e3: {  	v11 =	vmctz.xlane vm1;
	_ =	sdelay $0x1  }
0x2e4: {  	vm1 =	veq.s32 v11, v1  }
0x2e5: {  	v10 =	vnsel vm1, $0x0, v10;
	v8 =	vsel vm1, $0xFF7FFFFF, v8  }
0x2e6: {  	[tilespmem:s7+$0x9600] =	vst v8;
	s7 =	sand.u32 $0x70, s6;
	(xrf0) =	vadd.scan.msk.s32 $0xffff, v10  }
0x2e7: {  	v10 =	vld [tilespmem:s7+$0xB600];
	(xrf0) =	vmax.scan.msk.f32 $0xffff, v8;
	_ =	sdelay $0x1  }
0x2e8: {  	s6 =	sand.u32 $0xF, s6  }
0x2e9: {  	v12 =	vmov s6;
	v11 =	vld [tilespmem:s7+$0xB680]  }
.Ltmp22:
0x2ea: {  	vm2 =	veq.s32 v12, v1;
	(pc) =	sbr.rel @p2 .LBB2_28-.Ltmp22, $4  }
0x2eb: {  	v7 =	vsel vm2, v7, v10;
	v8, _, _ =	vpop (xrf0)  }
0x2ec: {  	[tilespmem:s7+$0xB600] =	vst v7;
	v7 =	vbroadcast v8, $0xF;
	v8, _, _ =	vpop (xrf0)  }
0x2ed: {  	v8 =	vbroadcast v8, $0xF  }
0x2ee: {  	vm1 =	veq.s32 v9, v1;
	v7 =	vsel vm2, v7, v11  }
0x2ef: {  	s2 =	rddreg [dreg:$0x10]  }
0x2f0: {  	s6 =	rddreg [dreg:$0x11];
	s2 =	sshll.u32 s2, $0xA  }
0x2f1: {  	s2 =	sor.u32 s6, s2  }
0x2f2: {  	s26 =	rddreg [dreg:$0x4];
	s8 =	simm.s32 $0x0;
	s2 =	sshrl.u32 s2, $0x3  }
0x2f3: {  	[tilespmem:s7+$0xB680] =	vst v7;
	s28 =	simm.s32 $0xB600;
	s31 =	simm.s32 $0x2;
	s6 =	sadd.s32 s26, s2  }
0x2f4: {  	[hbm4b:s6+s8] =	stream.linear.scatter [tilespmem:s28], [sflag:$0x2], $0x80, $0x38;
	[tilespmem:$0xB700] =	vst v63  }
0x2f5: {  	s30 =	simm.s32 $0xB680;
	_ =	swait.ge [sflag:s31], $0x80  }
0x2f6: {  	s12 =	sadd.s32 $0x1, s12;
	[sflag:s31] =	ssyncset.done $0x0;
	s29 =	rddreg [dreg:$0x5]  }
0x2f7: {  	p2 =	sne.s32 s12, $0x20;
	[sflag:s31] =	ssyncadd.s32 $0xFFFFFF80;
	s2 =	sadd.s32 s29, s2  }
0x2f8: {  	[hbm4b:s2+s8] =	stream.linear.scatter [tilespmem:s30], [sflag:$0x2], $0x80, $0x38;
	[tilespmem:$0xB700] =	vst v63  }
.Ltmp23:
0x2f9: {  	_ = 	snop;
	(pc) =	sbr.rel @p2 .LBB2_17-.Ltmp23, $4  }
.Ltmp24:
0x2fa: {  	_ = 	snop;
	(pc) =	sbr.rel @!p2 .LBB2_30-.Ltmp24, $4  }
0x2fb: {  	_ =	swait.ge [sflag:s31], $0x80  }
0x2fc: {  	s7 =	simm.s32 $0x0;
	[sflag:s31] =	ssyncset.done $0x0  }
0x2fd: {  	s18 =	sadd.s32 $0x1000, s18;
	s17 =	sadd.s32 $0xFFF00000, s17;
	[sflag:s31] =	ssyncadd.s32 $0xFFFFFF80  }
0x2fe: {  	_ = 	snop  }
.LBB2_31:
0x2ff: {  	_ =	sfence.sel $0x180000  }
0x300: {  	[bflag:$0x0] =	sbarrier.arrive $0xFFFF  }
0x301: {  	_ =	strace $0x90000047  }
0x302: {  	s0 =	stileid.u32;
	[bflag:$0x2] =	sbarrier.arrive $0xFFFF  }
0x303: {  	p0 =	sne.s32 s0, $0x0;
	s0 =	rddreg [dreg:$0x2]  }
0x304: {  	s0 =	sadd.s32 @!p0 $0x100000, s0  }
0x305: {  	[sflag:s0] =	ssyncadd.tile.s32 @!p0 $0x1;
	_ =	shalt  }
.Lfunc_end2:
_tile_overlayer_lowered:
.L_overlay_start_2:
0x306: {  	(tag) =	ssettag $0x2  }
0x307: {  	s0 =	rddreg [dreg:$0x0];
	s2 =	stileid.u32  }
0x308: {  	s1 =	rddreg [dreg:$0x1];
	p0 =	sne.s32 s2, $0x0  }
0x309: {  	s3 =	rddreg [dreg:$0x2];
	[bflag:$0x3] =	sbarrier.arrive $0xFFFF;
	s2 =	simm.s32 @!p0 $0x1C02  }
0x30a: {  	[timem:s3], [sflag:s2] =	dma.local @!p0 [hbm:s0], s1  }
0x30b: {  	s0 =	simm.s32 @!p0 $0x2  }
0x30c: {  	_ =	swait.ge @!p0 [sflag:s0], s1  }
0x30d: {  	s1 =	ssub.s32 @!p0 $0x0, s1;
	[sflag:s0] =	ssyncset.done @!p0 $0x0  }
0x30e: {  	[sflag:s0] =	ssyncadd.s32 @!p0 s1  }
0x30f: {  	[bflag:$0x3] =	sbarrier.arrive $0xFFFF  }
0x310: {  	_ =	shalt  }

</sc_bundles>
